<compile_context>
chip_gen: v7x
topology: tpu7x:2x2x1
jax: 0.10.2.dev20260603
libtpu: 0.0.44.dev20260713+nightly
codegen_flags: <defaults>
</compile_context>

<pallas_src>
import functools

import jax
import jax.numpy as jnp
from jax import lax
from jax.experimental import pallas as pl
from jax.experimental.pallas import tpu as pltpu
from jax.experimental.pallas import tpu_sc as plsc

N = 10000
E = 320000
DIN = 128
H = 8
F = 16
HF = H * F
PW = HF + 16

NC = 2
NS = 16
NW = NC * NS
CHUNK = 112
CPT = 90
EPT = CPT * CHUNK
E_PAD = NW * EPT
NPAD = 10112
ZR = NPAD // NS


def _k1_body(x_ref, w_ref, as_ref, at_ref, p_ref, st_ref, c_ref):
    proj = jnp.dot(x_ref[...], w_ref[...], preferred_element_type=jnp.float32)
    ss = jnp.dot(proj, as_ref[...], preferred_element_type=jnp.float32)
    st = jnp.dot(proj, at_ref[...], preferred_element_type=jnp.float32)
    p_ref[...] = jnp.concatenate([proj, ss], axis=1)
    st_ref[...] = st
    z = jnp.max(ss, axis=0, keepdims=True) + jnp.max(st, axis=0, keepdims=True)
    c_ref[...] = jnp.maximum(z, 0.2 * z)


def _unpack(pk_h, w, j, pk_c, src_c, dst_c):
    pltpu.sync_copy(pk_h.at[w, j], pk_c)
    for k in range(CHUNK // 16):
        v = pk_c[pl.ds(k * 16, 16)]
        src_c[pl.ds(k * 16, 16)] = jnp.bitwise_and(v, 16383)
        dst_c[pl.ds(k * 16, 16)] = jnp.right_shift(v, 14)


def _compute(projg, stg, cv):
    @pl.loop(0, CHUNK, unroll=4)
    def _(e):
        sv = projg[e, pl.ds(HF, 16)] + stg[e, :]
        sv = jnp.maximum(sv, 0.2 * sv)
        p = jnp.exp(sv - cv)
        projg[e, pl.ds(HF, 16)] = p
        for h in range(H):
            projg[e, pl.ds(h * 16, 16)] = projg[e, pl.ds(h * 16, 16)] * p[h]


def _k2_body(p_h, st_h, c_h, pk_h, acc_o,
             pk_c, src_a, dst_a, src_b, dst_b, stg_a, stg_b,
             projg_a, projg_b, cvec, zbuf, acc_s,
             gsem_a, gsem_b, ssem_a, ssem_b):
    c = lax.axis_index("c")
    s = lax.axis_index("s")
    w = c * NS + s

    @pl.loop(0, 8)
    def _(i):
        for j in range(PW // 16):
            zbuf[i, pl.ds(j * 16, 16)] = jnp.zeros((16,), jnp.float32)

    @pl.loop(0, ZR // 8)
    def _(k):
        pltpu.sync_copy(zbuf, acc_s.at[pl.ds(s * ZR + k * 8, 8)])

    pltpu.sync_copy(c_h, cvec)
    plsc.subcore_barrier()
    cv = cvec[...]

    HC = CHUNK // 2

    def g_start(src_c, dst_c, projg, stg, gsem):
        pltpu.async_copy(p_h.at[src_c.at[pl.ds(0, HC)]],
                         projg.at[pl.ds(0, HC)], gsem)
        pltpu.async_copy(p_h.at[src_c.at[pl.ds(HC, HC)]],
                         projg.at[pl.ds(HC, HC)], gsem)
        pltpu.async_copy(st_h.at[dst_c], stg, gsem)

    def g_wait(src_c, dst_c, projg, stg, gsem):
        pltpu.make_async_copy(p_h.at[src_c.at[pl.ds(0, HC)]],
                              projg.at[pl.ds(0, HC)], gsem).wait()
        pltpu.make_async_copy(p_h.at[src_c.at[pl.ds(HC, HC)]],
                              projg.at[pl.ds(HC, HC)], gsem).wait()
        pltpu.make_async_copy(st_h.at[dst_c], stg, gsem).wait()

    def s_start(projg, dst_c, ssem):
        pltpu.async_copy(projg, acc_s.at[dst_c], ssem, add=True)

    def s_wait(projg, dst_c, ssem):
        pltpu.make_async_copy(projg, acc_s.at[dst_c], ssem).wait()

    _unpack(pk_h, w, 0, pk_c, src_a, dst_a)
    g_start(src_a, dst_a, projg_a, stg_a, gsem_a)

    @pl.loop(0, CPT // 2)
    def _(k):
        ja = 2 * k
        g_wait(src_a, dst_a, projg_a, stg_a, gsem_a)
        @pl.when(k > 0)
        def _():
            s_wait(projg_b, dst_b, ssem_b)
        _unpack(pk_h, w, ja + 1, pk_c, src_b, dst_b)
        g_start(src_b, dst_b, projg_b, stg_b, gsem_b)
        _compute(projg_a, stg_a, cv)
        s_start(projg_a, dst_a, ssem_a)

        g_wait(src_b, dst_b, projg_b, stg_b, gsem_b)
        s_wait(projg_a, dst_a, ssem_a)
        @pl.when(k < CPT // 2 - 1)
        def _():
            _unpack(pk_h, w, ja + 2, pk_c, src_a, dst_a)
            g_start(src_a, dst_a, projg_a, stg_a, gsem_a)
        _compute(projg_b, stg_b, cv)
        s_start(projg_b, dst_b, ssem_b)

    s_wait(projg_b, dst_b, ssem_b)
    plsc.subcore_barrier()

    @pl.when(s < NS - 1)
    def _():
        pltpu.sync_copy(acc_s.at[pl.ds(s * ZR, ZR)], acc_o.at[c, pl.ds(s * ZR, ZR)])

    @pl.when(s == NS - 1)
    def _():
        last = N - (NS - 1) * ZR
        pltpu.sync_copy(acc_s.at[pl.ds((NS - 1) * ZR, last)],
                        acc_o.at[c, pl.ds((NS - 1) * ZR, last)])


def _k3_body(acc_ref, b_ref, bias_ref, out_ref):
    acc = acc_ref[0] + acc_ref[1]
    den = acc[:, HF:] + 1e-16
    r = jnp.dot(1.0 / den, b_ref[...], preferred_element_type=jnp.float32)
    v = acc[:, :HF] * r + bias_ref[...]
    out_ref[...] = jnp.where(v > 0, v, jnp.exp(v) - 1.0)


def kernel(x, edge_index, W, a_src, a_tgt, bias):
    f32 = jnp.float32

    a_s = a_src.reshape(HF)
    a_t = a_tgt.reshape(HF)
    sel = (jnp.arange(HF)[:, None] // F == jnp.arange(H)[None, :]).astype(f32)
    A_src = jnp.tile(sel * a_s[:, None], (1, 2))
    A_tgt = jnp.tile(sel * a_t[:, None], (1, 2))
    Bexp = jnp.concatenate([sel.T, jnp.zeros((H, HF), f32)], axis=0)

    pad = E_PAD - E
    srcp = jnp.concatenate([edge_index[0], jnp.zeros((pad,), jnp.int32)])
    dstp = jnp.concatenate([edge_index[1], jnp.full((pad,), N, jnp.int32)])
    pk = (srcp + dstp * 16384).reshape(NW, CPT, CHUNK)

    ptab, st16, c16 = pl.pallas_call(
        _k1_body,
        out_shape=[
            jax.ShapeDtypeStruct((N, PW), f32),
            jax.ShapeDtypeStruct((N, 2 * H), f32),
            jax.ShapeDtypeStruct((1, 2 * H), f32),
        ],
    )(x, W, A_src, A_tgt)
    c16 = c16.reshape(16)

    mesh = plsc.VectorSubcoreMesh(core_axis_name="c", subcore_axis_name="s")
    k2 = pl.kernel(
        _k2_body,
        out_type=jax.ShapeDtypeStruct((NC, N, PW), f32),
        mesh=mesh,
        compiler_params=pltpu.CompilerParams(use_tc_tiling_on_sc=False),
        scratch_types=[
            pltpu.VMEM((CHUNK,), jnp.int32),
            pltpu.VMEM((CHUNK,), jnp.int32),
            pltpu.VMEM((CHUNK,), jnp.int32),
            pltpu.VMEM((CHUNK,), jnp.int32),
            pltpu.VMEM((CHUNK,), jnp.int32),
            pltpu.VMEM((CHUNK, 2 * H), f32),
            pltpu.VMEM((CHUNK, 2 * H), f32),
            pltpu.VMEM((CHUNK, PW), f32),
            pltpu.VMEM((CHUNK, PW), f32),
            pltpu.VMEM((16,), f32),
            pltpu.VMEM((8, PW), f32),
            pltpu.VMEM_SHARED((NPAD, PW), f32),
            pltpu.SemaphoreType.DMA,
            pltpu.SemaphoreType.DMA,
            pltpu.SemaphoreType.DMA,
            pltpu.SemaphoreType.DMA,
        ],
    )
    acc2 = k2(ptab, st16, c16, pk)

    out = pl.pallas_call(
        _k3_body,
        out_shape=jax.ShapeDtypeStruct((N, HF), f32),
    )(acc2, Bexp, bias)
    return out

# --- scband reference (transcript-rebuilt; emitter-appended) ---
"""Pipeline reference for scband-gatlayer-10599979287265 (READ-ONLY COPY).

The authoritative reference and input builder live on the scoring server;
editing this copy changes nothing except your own understanding.
"""

import jax, jax.numpy as jnp
import numpy as np

N = 10000
E = 320000
DIN = 128
H = 8
F = 16


def _glorot(key, shape):
    fan_in = shape[-2] if len(shape) >= 2 else shape[-1]
    fan_out = shape[-1]
    limit = float(np.sqrt(6.0 / (fan_in + fan_out)))
    return jax.random.uniform(key, shape, jnp.float32, -limit, limit)


def setup_inputs(seed: int = 0) -> dict:
    key = jax.random.key(seed)
    ks = jax.random.split(key, 6)
    x = jax.random.normal(ks[0], (N, DIN), dtype=jnp.float32)
    edge_index = jax.random.randint(ks[1], (2, E), 0, N, dtype=jnp.int32)
    W = _glorot(ks[2], (DIN, H * F))
    a_src = _glorot(ks[3], (1, H, F))
    a_tgt = _glorot(ks[4], (1, H, F))
    bias = jnp.zeros((H * F,), dtype=jnp.float32)
    return {"x": x, "edge_index": edge_index, "W": W, "a_src": a_src, "a_tgt": a_tgt, "bias": bias}


def reference(x, edge_index, W, a_src, a_tgt, bias):
    # GATLayer (IMP3, edge-list implementation), eval mode (dropout disabled).
    src = edge_index[0]
    dst = edge_index[1]
    # 1) linear projection per head
    proj = (x @ W).reshape(-1, H, F)  # [N, H, F]
    # 2) per-node attention scores
    scores_source = jnp.sum(proj * a_src, axis=-1)  # [N, H]
    scores_target = jnp.sum(proj * a_tgt, axis=-1)  # [N, H]
    # 3) lift to edges (gather)
    scores_per_edge = jax.nn.leaky_relu(scores_source[src] + scores_target[dst], negative_slope=0.2)  # [E, H]
    # 4) neighborhood-aware softmax over incoming edges of each target node
    max_per_node = jax.ops.segment_max(scores_per_edge, dst, num_segments=N)  # [N, H]
    max_per_node = jnp.where(jnp.isfinite(max_per_node), max_per_node, 0.0)
    exp_scores = jnp.exp(scores_per_edge - max_per_node[dst])  # [E, H]
    neigh_denom = jax.ops.segment_sum(exp_scores, dst, num_segments=N) + 1e-16  # [N, H]
    attention = exp_scores / neigh_denom[dst]  # [E, H]
    # 5) weight lifted source features and scatter-add into target nodes
    weighted = proj[src] * attention[:, :, None]  # [E, H, F]
    out = jax.ops.segment_sum(weighted, dst, num_segments=N)  # [N, H, F]
    # 6) concat heads + bias + activation (ELU); no skip connection
    out = out.reshape(-1, H * F) + bias
    return jax.nn.elu(out)

if __name__ == "__main__":
    import jax
    _d = setup_inputs()
    print(jax.jit(kernel)(*tuple(_d.values())))

</pallas_src>

<mosaic_0001>
#map = affine_map<(d0, d1) -> (0, 0)>
#map1 = affine_map<(d0, d1) -> (0)>
#map2 = affine_map<(d0, d1) -> (0, 0, 0)>
module attributes {stable_mosaic.version = 14 : i64} {
  func.func @_k2_body(%arg0: i32, %arg1: i32, %arg2: memref<10000x144xf32, #tpu.memory_space<hbm>>, %arg3: memref<10000x16xf32, #tpu.memory_space<hbm>>, %arg4: memref<16xf32, #tpu.memory_space<hbm>>, %arg5: memref<32x90x112xi32, #tpu.memory_space<hbm>>, %arg6: memref<2x10000x144xf32, #tpu.memory_space<hbm>>, %arg7: memref<112xi32, #tpu.memory_space<vmem>>, %arg8: memref<112xi32, #tpu.memory_space<vmem>>, %arg9: memref<112xi32, #tpu.memory_space<vmem>>, %arg10: memref<112xi32, #tpu.memory_space<vmem>>, %arg11: memref<112xi32, #tpu.memory_space<vmem>>, %arg12: memref<112x16xf32, #tpu.memory_space<vmem>>, %arg13: memref<112x16xf32, #tpu.memory_space<vmem>>, %arg14: memref<112x144xf32, #tpu.memory_space<vmem>>, %arg15: memref<112x144xf32, #tpu.memory_space<vmem>>, %arg16: memref<16xf32, #tpu.memory_space<vmem>>, %arg17: memref<8x144xf32, #tpu.memory_space<vmem>>, %arg18: memref<10112x144xf32, #tpu.memory_space<vmem_shared>>, %arg19: memref<!tpu.dma_semaphore, #tpu.memory_space<semaphore_mem>>, %arg20: memref<!tpu.dma_semaphore, #tpu.memory_space<semaphore_mem>>, %arg21: memref<!tpu.dma_semaphore, #tpu.memory_space<semaphore_mem>>, %arg22: memref<!tpu.dma_semaphore, #tpu.memory_space<semaphore_mem>>) attributes {dimension_semantics = [#tpu.dimension_semantics<core_parallel>, #tpu.dimension_semantics<subcore_parallel>], iteration_bounds = array<i64: 2, 16>, scalar_prefetch = 0 : i64, scratch_operands = 16 : i64, tpu.core_type = #tpu.core_type<sc_vector_subcore>, window_params = [{transform_indices = #map}, {transform_indices = #map}, {transform_indices = #map1}, {transform_indices = #map2}, {transform_indices = #map2}]} {
    %mul3A = arith.constant 16 : i32
    %mul3A_0 = arith.muli %arg0, %mul3A : i32
    %add3A = arith.addi %mul3A_0, %arg1 : i32
    %scan3A = arith.constant 0 : i32
    %scan3A_1 = arith.constant 8 : i32
    %scan3A_2 = arith.addi %scan3A, %scan3A_1 : i32
    %scan3A_3 = arith.constant 1 : i32
    scf.for %scan3A_160 = %scan3A to %scan3A_2 step %scan3A_3  : i32 {
      %mul3A_161 = arith.constant 1 : i32
      %mul3A_162 = arith.muli %scan3A_160, %mul3A_161 : i32
      %add3A_163 = arith.constant 0 : i32
      %add3A_164 = arith.addi %add3A_163, %mul3A_162 : i32
      %broadcast_in_dim3A = arith.constant 0.000000e+00 : f32
      %broadcast_in_dim3A_165 = vector.broadcast %broadcast_in_dim3A : f32 to vector<16xf32>
      %swap3A_166 = arith.index_cast %add3A_164 : i32 to index
      %swap3A_167 = arith.constant 0 : index
      %swap3A_168 = tpu.vector_load %arg17[%swap3A_166, %swap3A_167] {strides = array<i32>} : memref<8x144xf32, #tpu.memory_space<vmem>>, vector<1x16xf32>,
      %swap3A_169 = vector.shape_cast %swap3A_168 : vector<1x16xf32> to vector<16xf32>
      %swap3A_170 = vector.shape_cast %broadcast_in_dim3A_165 : vector<16xf32> to vector<1x16xf32>
      tpu.vector_store %arg17[%swap3A_166, %swap3A_167], %swap3A_170 {strides = array<i32>} : memref<8x144xf32, #tpu.memory_space<vmem>>, vector<1x16xf32>,
      %broadcast_in_dim3A_171 = arith.constant 0.000000e+00 : f32
      %broadcast_in_dim3A_172 = vector.broadcast %broadcast_in_dim3A_171 : f32 to vector<16xf32>
      %swap3A_173 = arith.index_cast %add3A_164 : i32 to index
      %swap3A_174 = arith.constant 16 : index
      %swap3A_175 = tpu.vector_load %arg17[%swap3A_173, %swap3A_174] {strides = array<i32>} : memref<8x144xf32, #tpu.memory_space<vmem>>, vector<1x16xf32>,
      %swap3A_176 = vector.shape_cast %swap3A_175 : vector<1x16xf32> to vector<16xf32>
      %swap3A_177 = vector.shape_cast %broadcast_in_dim3A_172 : vector<16xf32> to vector<1x16xf32>
      tpu.vector_store %arg17[%swap3A_173, %swap3A_174], %swap3A_177 {strides = array<i32>} : memref<8x144xf32, #tpu.memory_space<vmem>>, vector<1x16xf32>,
      %broadcast_in_dim3A_178 = arith.constant 0.000000e+00 : f32
      %broadcast_in_dim3A_179 = vector.broadcast %broadcast_in_dim3A_178 : f32 to vector<16xf32>
      %swap3A_180 = arith.index_cast %add3A_164 : i32 to index
      %swap3A_181 = arith.constant 32 : index
      %swap3A_182 = tpu.vector_load %arg17[%swap3A_180, %swap3A_181] {strides = array<i32>} : memref<8x144xf32, #tpu.memory_space<vmem>>, vector<1x16xf32>,
      %swap3A_183 = vector.shape_cast %swap3A_182 : vector<1x16xf32> to vector<16xf32>
      %swap3A_184 = vector.shape_cast %broadcast_in_dim3A_179 : vector<16xf32> to vector<1x16xf32>
      tpu.vector_store %arg17[%swap3A_180, %swap3A_181], %swap3A_184 {strides = array<i32>} : memref<8x144xf32, #tpu.memory_space<vmem>>, vector<1x16xf32>,
      %broadcast_in_dim3A_185 = arith.constant 0.000000e+00 : f32
      %broadcast_in_dim3A_186 = vector.broadcast %broadcast_in_dim3A_185 : f32 to vector<16xf32>
      %swap3A_187 = arith.index_cast %add3A_164 : i32 to index
      %swap3A_188 = arith.constant 48 : index
      %swap3A_189 = tpu.vector_load %arg17[%swap3A_187, %swap3A_188] {strides = array<i32>} : memref<8x144xf32, #tpu.memory_space<vmem>>, vector<1x16xf32>,
      %swap3A_190 = vector.shape_cast %swap3A_189 : vector<1x16xf32> to vector<16xf32>
      %swap3A_191 = vector.shape_cast %broadcast_in_dim3A_186 : vector<16xf32> to vector<1x16xf32>
      tpu.vector_store %arg17[%swap3A_187, %swap3A_188], %swap3A_191 {strides = array<i32>} : memref<8x144xf32, #tpu.memory_space<vmem>>, vector<1x16xf32>,
      %broadcast_in_dim3A_192 = arith.constant 0.000000e+00 : f32
      %broadcast_in_dim3A_193 = vector.broadcast %broadcast_in_dim3A_192 : f32 to vector<16xf32>
      %swap3A_194 = arith.index_cast %add3A_164 : i32 to index
      %swap3A_195 = arith.constant 64 : index
      %swap3A_196 = tpu.vector_load %arg17[%swap3A_194, %swap3A_195] {strides = array<i32>} : memref<8x144xf32, #tpu.memory_space<vmem>>, vector<1x16xf32>,
      %swap3A_197 = vector.shape_cast %swap3A_196 : vector<1x16xf32> to vector<16xf32>
      %swap3A_198 = vector.shape_cast %broadcast_in_dim3A_193 : vector<16xf32> to vector<1x16xf32>
      tpu.vector_store %arg17[%swap3A_194, %swap3A_195], %swap3A_198 {strides = array<i32>} : memref<8x144xf32, #tpu.memory_space<vmem>>, vector<1x16xf32>,
      %broadcast_in_dim3A_199 = arith.constant 0.000000e+00 : f32
      %broadcast_in_dim3A_200 = vector.broadcast %broadcast_in_dim3A_199 : f32 to vector<16xf32>
      %swap3A_201 = arith.index_cast %add3A_164 : i32 to index
      %swap3A_202 = arith.constant 80 : index
      %swap3A_203 = tpu.vector_load %arg17[%swap3A_201, %swap3A_202] {strides = array<i32>} : memref<8x144xf32, #tpu.memory_space<vmem>>, vector<1x16xf32>,
      %swap3A_204 = vector.shape_cast %swap3A_203 : vector<1x16xf32> to vector<16xf32>
      %swap3A_205 = vector.shape_cast %broadcast_in_dim3A_200 : vector<16xf32> to vector<1x16xf32>
      tpu.vector_store %arg17[%swap3A_201, %swap3A_202], %swap3A_205 {strides = array<i32>} : memref<8x144xf32, #tpu.memory_space<vmem>>, vector<1x16xf32>,
      %broadcast_in_dim3A_206 = arith.constant 0.000000e+00 : f32
      %broadcast_in_dim3A_207 = vector.broadcast %broadcast_in_dim3A_206 : f32 to vector<16xf32>
      %swap3A_208 = arith.index_cast %add3A_164 : i32 to index
      %swap3A_209 = arith.constant 96 : index
      %swap3A_210 = tpu.vector_load %arg17[%swap3A_208, %swap3A_209] {strides = array<i32>} : memref<8x144xf32, #tpu.memory_space<vmem>>, vector<1x16xf32>,
      %swap3A_211 = vector.shape_cast %swap3A_210 : vector<1x16xf32> to vector<16xf32>
      %swap3A_212 = vector.shape_cast %broadcast_in_dim3A_207 : vector<16xf32> to vector<1x16xf32>
      tpu.vector_store %arg17[%swap3A_208, %swap3A_209], %swap3A_212 {strides = array<i32>} : memref<8x144xf32, #tpu.memory_space<vmem>>, vector<1x16xf32>,
      %broadcast_in_dim3A_213 = arith.constant 0.000000e+00 : f32
      %broadcast_in_dim3A_214 = vector.broadcast %broadcast_in_dim3A_213 : f32 to vector<16xf32>
      %swap3A_215 = arith.index_cast %add3A_164 : i32 to index
      %swap3A_216 = arith.constant 112 : index
      %swap3A_217 = tpu.vector_load %arg17[%swap3A_215, %swap3A_216] {strides = array<i32>} : memref<8x144xf32, #tpu.memory_space<vmem>>, vector<1x16xf32>,
      %swap3A_218 = vector.shape_cast %swap3A_217 : vector<1x16xf32> to vector<16xf32>
      %swap3A_219 = vector.shape_cast %broadcast_in_dim3A_214 : vector<16xf32> to vector<1x16xf32>
      tpu.vector_store %arg17[%swap3A_215, %swap3A_216], %swap3A_219 {strides = array<i32>} : memref<8x144xf32, #tpu.memory_space<vmem>>, vector<1x16xf32>,
      %broadcast_in_dim3A_220 = arith.constant 0.000000e+00 : f32
      %broadcast_in_dim3A_221 = vector.broadcast %broadcast_in_dim3A_220 : f32 to vector<16xf32>
      %swap3A_222 = arith.index_cast %add3A_164 : i32 to index
      %swap3A_223 = arith.constant 128 : index
      %swap3A_224 = tpu.vector_load %arg17[%swap3A_222, %swap3A_223] {strides = array<i32>} : memref<8x144xf32, #tpu.memory_space<vmem>>, vector<1x16xf32>,
      %swap3A_225 = vector.shape_cast %swap3A_224 : vector<1x16xf32> to vector<16xf32>
      %swap3A_226 = vector.shape_cast %broadcast_in_dim3A_221 : vector<16xf32> to vector<1x16xf32>
      tpu.vector_store %arg17[%swap3A_222, %swap3A_223], %swap3A_226 {strides = array<i32>} : memref<8x144xf32, #tpu.memory_space<vmem>>, vector<1x16xf32>,
    }
    %scan3A_4 = arith.constant 8 : i32
    %scan3A_5 = arith.constant 0 : i32
    %scan3A_6 = arith.constant 79 : i32
    %scan3A_7 = arith.addi %scan3A_5, %scan3A_6 : i32
    %scan3A_8 = arith.constant 1 : i32
    scf.for %scan3A_160 = %scan3A_5 to %scan3A_7 step %scan3A_8  : i32 {
      %mul3A_161 = arith.constant 1 : i32
      %mul3A_162 = arith.muli %scan3A_160, %mul3A_161 : i32
      %add3A_163 = arith.constant 0 : i32
      %add3A_164 = arith.addi %add3A_163, %mul3A_162 : i32
      %mul3A_165 = arith.constant 632 : i32
      %mul3A_166 = arith.muli %arg1, %mul3A_165 : i32
      %mul3A_167 = arith.constant 8 : i32
      %mul3A_168 = arith.muli %add3A_164, %mul3A_167 : i32
      %add3A_169 = arith.addi %mul3A_166, %mul3A_168 : i32
      "tpu.region"() ({
        %run_scoped3A_170 = tpu.sem_alloc : memref<!tpu.dma_semaphore, #tpu.memory_space<semaphore_mem>>
        %dma_start3A_171 = arith.constant 0 : i32
        %dma_start3A_172 = tpu.memref_slice %arg18[%add3A_169, %dma_start3A_171] : memref<10112x144xf32, #tpu.memory_space<vmem_shared>> -> memref<8x144xf32, #tpu.memory_space<vmem_shared>>
        %dma_start3A_173 = arith.constant 0 : i32
        %dma_start3A_174 = tpu.memref_slice %arg18[%add3A_169, %dma_start3A_173] : memref<10112x144xf32, #tpu.memory_space<vmem_shared>> -> memref<8x144xf32, #tpu.memory_space<vmem_shared>>
        tpu.enqueue_dma source(%arg17 : memref<8x144xf32, #tpu.memory_space<vmem>>) target(%dma_start3A_174 : memref<8x144xf32, #tpu.memory_space<vmem_shared>>) target_semaphore(%run_scoped3A_170 : memref<!tpu.dma_semaphore, #tpu.memory_space<semaphore_mem>>)
        %dma_wait3A_175 = arith.constant 0 : i32
        %dma_wait3A_176 = tpu.memref_slice %arg18[%add3A_169, %dma_wait3A_175] : memref<10112x144xf32, #tpu.memory_space<vmem_shared>> -> memref<8x144xf32, #tpu.memory_space<vmem_shared>>
        %dma_wait3A_177 = arith.constant 0 : i32
        %dma_wait3A_178 = tpu.memref_slice %arg18[%add3A_169, %dma_wait3A_177] : memref<10112x144xf32, #tpu.memory_space<vmem_shared>> -> memref<8x144xf32, #tpu.memory_space<vmem_shared>>
        tpu.wait_dma2 semaphore(%run_scoped3A_170 : memref<!tpu.dma_semaphore, #tpu.memory_space<semaphore_mem>>) src(%arg17 : memref<8x144xf32, #tpu.memory_space<vmem>>) dst(%dma_wait3A_178 : memref<8x144xf32, #tpu.memory_space<vmem_shared>>)
        tpu.yield
      }) : () -> ()
    }
    %scan3A_9 = arith.constant 79 : i32
    "tpu.region"() ({
      %run_scoped3A_160 = tpu.sem_alloc : memref<!tpu.dma_semaphore, #tpu.memory_space<semaphore_mem>>
      tpu.enqueue_dma source(%arg4 : memref<16xf32, #tpu.memory_space<hbm>>) target(%arg16 : memref<16xf32, #tpu.memory_space<vmem>>) target_semaphore(%run_scoped3A_160 : memref<!tpu.dma_semaphore, #tpu.memory_space<semaphore_mem>>)
      tpu.wait_dma2 semaphore(%run_scoped3A_160 : memref<!tpu.dma_semaphore, #tpu.memory_space<semaphore_mem>>) src(%arg4 : memref<16xf32, #tpu.memory_space<hbm>>) dst(%arg16 : memref<16xf32, #tpu.memory_space<vmem>>)
      tpu.yield
    }) : () -> ()
    %barrier3A = arith.constant 0 : index
    tpu.barrier barrier_id(%barrier3A)
    %get3A = arith.constant 0 : index
    %get3A_10 = tpu.vector_load %arg16[%get3A] {strides = array<i32>} : memref<16xf32, #tpu.memory_space<vmem>>, vector<16xf32>,
    %get3A_11 = vector.shape_cast %get3A_10 : vector<16xf32> to vector<16xf32>
    %run_scoped3A = arith.constant 0 : i32
    "tpu.region"() ({
      %run_scoped3A_160 = tpu.sem_alloc : memref<!tpu.dma_semaphore, #tpu.memory_space<semaphore_mem>>
      %dma_start3A_161 = arith.constant 0 : i32
      %dma_start3A_162 = tpu.memref_slice %arg5[%add3A, %run_scoped3A, %dma_start3A_161] : memref<32x90x112xi32, #tpu.memory_space<hbm>> -> memref<1x1x112xi32, #tpu.memory_space<hbm>>
      %dma_start3A_163 = tpu.memref_squeeze %dma_start3A_162 : memref<1x1x112xi32, #tpu.memory_space<hbm>> -> memref<112xi32, #tpu.memory_space<hbm>>
      %dma_start3A_164 = arith.constant 0 : i32
      %dma_start3A_165 = tpu.memref_slice %arg5[%add3A, %run_scoped3A, %dma_start3A_164] : memref<32x90x112xi32, #tpu.memory_space<hbm>> -> memref<1x1x112xi32, #tpu.memory_space<hbm>>
      %dma_start3A_166 = tpu.memref_squeeze %dma_start3A_165 : memref<1x1x112xi32, #tpu.memory_space<hbm>> -> memref<112xi32, #tpu.memory_space<hbm>>
      tpu.enqueue_dma source(%dma_start3A_166 : memref<112xi32, #tpu.memory_space<hbm>>) target(%arg7 : memref<112xi32, #tpu.memory_space<vmem>>) target_semaphore(%run_scoped3A_160 : memref<!tpu.dma_semaphore, #tpu.memory_space<semaphore_mem>>)
      %dma_wait3A_167 = arith.constant 0 : i32
      %dma_wait3A_168 = tpu.memref_slice %arg5[%add3A, %run_scoped3A, %dma_wait3A_167] : memref<32x90x112xi32, #tpu.memory_space<hbm>> -> memref<1x1x112xi32, #tpu.memory_space<hbm>>
      %dma_wait3A_169 = tpu.memref_squeeze %dma_wait3A_168 : memref<1x1x112xi32, #tpu.memory_space<hbm>> -> memref<112xi32, #tpu.memory_space<hbm>>
      %dma_wait3A_170 = arith.constant 0 : i32
      %dma_wait3A_171 = tpu.memref_slice %arg5[%add3A, %run_scoped3A, %dma_wait3A_170] : memref<32x90x112xi32, #tpu.memory_space<hbm>> -> memref<1x1x112xi32, #tpu.memory_space<hbm>>
      %dma_wait3A_172 = tpu.memref_squeeze %dma_wait3A_171 : memref<1x1x112xi32, #tpu.memory_space<hbm>> -> memref<112xi32, #tpu.memory_space<hbm>>
      tpu.wait_dma2 semaphore(%run_scoped3A_160 : memref<!tpu.dma_semaphore, #tpu.memory_space<semaphore_mem>>) src(%dma_wait3A_172 : memref<112xi32, #tpu.memory_space<hbm>>) dst(%arg7 : memref<112xi32, #tpu.memory_space<vmem>>)
      tpu.yield
    }) : () -> ()
    %get3A_12 = arith.constant 0 : index
    %get3A_13 = tpu.vector_load %arg7[%get3A_12] {strides = array<i32>} : memref<112xi32, #tpu.memory_space<vmem>>, vector<16xi32>,
    %get3A_14 = vector.shape_cast %get3A_13 : vector<16xi32> to vector<16xi32>
    %and3A = arith.constant 16383 : i32
    %and3A_15 = vector.broadcast %and3A : i32 to vector<16xi32>
    %and3A_16 = arith.andi %get3A_14, %and3A_15 : vector<16xi32>
    %swap3A = arith.constant 0 : index
    %swap3A_17 = tpu.vector_load %arg8[%swap3A] {strides = array<i32>} : memref<112xi32, #tpu.memory_space<vmem>>, vector<16xi32>,
    %swap3A_18 = vector.shape_cast %swap3A_17 : vector<16xi32> to vector<16xi32>
    %swap3A_19 = vector.shape_cast %and3A_16 : vector<16xi32> to vector<16xi32>
    tpu.vector_store %arg8[%swap3A], %swap3A_19 {strides = array<i32>} : memref<112xi32, #tpu.memory_space<vmem>>, vector<16xi32>,
    %shift_right_arithmetic3A = arith.constant 14 : i32
    %shift_right_arithmetic3A_20 = vector.broadcast %shift_right_arithmetic3A : i32 to vector<16xi32>
    %shift_right_arithmetic3A_21 = arith.shrsi %get3A_14, %shift_right_arithmetic3A_20 : vector<16xi32>
    %swap3A_22 = arith.constant 0 : index
    %swap3A_23 = tpu.vector_load %arg9[%swap3A_22] {strides = array<i32>} : memref<112xi32, #tpu.memory_space<vmem>>, vector<16xi32>,
    %swap3A_24 = vector.shape_cast %swap3A_23 : vector<16xi32> to vector<16xi32>
    %swap3A_25 = vector.shape_cast %shift_right_arithmetic3A_21 : vector<16xi32> to vector<16xi32>
    tpu.vector_store %arg9[%swap3A_22], %swap3A_25 {strides = array<i32>} : memref<112xi32, #tpu.memory_space<vmem>>, vector<16xi32>,
    %get3A_26 = arith.constant 16 : index
    %get3A_27 = tpu.vector_load %arg7[%get3A_26] {strides = array<i32>} : memref<112xi32, #tpu.memory_space<vmem>>, vector<16xi32>,
    %get3A_28 = vector.shape_cast %get3A_27 : vector<16xi32> to vector<16xi32>
    %and3A_29 = arith.constant 16383 : i32
    %and3A_30 = vector.broadcast %and3A_29 : i32 to vector<16xi32>
    %and3A_31 = arith.andi %get3A_28, %and3A_30 : vector<16xi32>
    %swap3A_32 = arith.constant 16 : index
    %swap3A_33 = tpu.vector_load %arg8[%swap3A_32] {strides = array<i32>} : memref<112xi32, #tpu.memory_space<vmem>>, vector<16xi32>,
    %swap3A_34 = vector.shape_cast %swap3A_33 : vector<16xi32> to vector<16xi32>
    %swap3A_35 = vector.shape_cast %and3A_31 : vector<16xi32> to vector<16xi32>
    tpu.vector_store %arg8[%swap3A_32], %swap3A_35 {strides = array<i32>} : memref<112xi32, #tpu.memory_space<vmem>>, vector<16xi32>,
    %shift_right_arithmetic3A_36 = arith.constant 14 : i32
    %shift_right_arithmetic3A_37 = vector.broadcast %shift_right_arithmetic3A_36 : i32 to vector<16xi32>
    %shift_right_arithmetic3A_38 = arith.shrsi %get3A_28, %shift_right_arithmetic3A_37 : vector<16xi32>
    %swap3A_39 = arith.constant 16 : index
    %swap3A_40 = tpu.vector_load %arg9[%swap3A_39] {strides = array<i32>} : memref<112xi32, #tpu.memory_space<vmem>>, vector<16xi32>,
    %swap3A_41 = vector.shape_cast %swap3A_40 : vector<16xi32> to vector<16xi32>
    %swap3A_42 = vector.shape_cast %shift_right_arithmetic3A_38 : vector<16xi32> to vector<16xi32>
    tpu.vector_store %arg9[%swap3A_39], %swap3A_42 {strides = array<i32>} : memref<112xi32, #tpu.memory_space<vmem>>, vector<16xi32>,
    %get3A_43 = arith.constant 32 : index
    %get3A_44 = tpu.vector_load %arg7[%get3A_43] {strides = array<i32>} : memref<112xi32, #tpu.memory_space<vmem>>, vector<16xi32>,
    %get3A_45 = vector.shape_cast %get3A_44 : vector<16xi32> to vector<16xi32>
    %and3A_46 = arith.constant 16383 : i32
    %and3A_47 = vector.broadcast %and3A_46 : i32 to vector<16xi32>
    %and3A_48 = arith.andi %get3A_45, %and3A_47 : vector<16xi32>
    %swap3A_49 = arith.constant 32 : index
    %swap3A_50 = tpu.vector_load %arg8[%swap3A_49] {strides = array<i32>} : memref<112xi32, #tpu.memory_space<vmem>>, vector<16xi32>,
    %swap3A_51 = vector.shape_cast %swap3A_50 : vector<16xi32> to vector<16xi32>
    %swap3A_52 = vector.shape_cast %and3A_48 : vector<16xi32> to vector<16xi32>
    tpu.vector_store %arg8[%swap3A_49], %swap3A_52 {strides = array<i32>} : memref<112xi32, #tpu.memory_space<vmem>>, vector<16xi32>,
    %shift_right_arithmetic3A_53 = arith.constant 14 : i32
    %shift_right_arithmetic3A_54 = vector.broadcast %shift_right_arithmetic3A_53 : i32 to vector<16xi32>
    %shift_right_arithmetic3A_55 = arith.shrsi %get3A_45, %shift_right_arithmetic3A_54 : vector<16xi32>
    %swap3A_56 = arith.constant 32 : index
    %swap3A_57 = tpu.vector_load %arg9[%swap3A_56] {strides = array<i32>} : memref<112xi32, #tpu.memory_space<vmem>>, vector<16xi32>,
    %swap3A_58 = vector.shape_cast %swap3A_57 : vector<16xi32> to vector<16xi32>
    %swap3A_59 = vector.shape_cast %shift_right_arithmetic3A_55 : vector<16xi32> to vector<16xi32>
    tpu.vector_store %arg9[%swap3A_56], %swap3A_59 {strides = array<i32>} : memref<112xi32, #tpu.memory_space<vmem>>, vector<16xi32>,
    %get3A_60 = arith.constant 48 : index
    %get3A_61 = tpu.vector_load %arg7[%get3A_60] {strides = array<i32>} : memref<112xi32, #tpu.memory_space<vmem>>, vector<16xi32>,
    %get3A_62 = vector.shape_cast %get3A_61 : vector<16xi32> to vector<16xi32>
    %and3A_63 = arith.constant 16383 : i32
    %and3A_64 = vector.broadcast %and3A_63 : i32 to vector<16xi32>
    %and3A_65 = arith.andi %get3A_62, %and3A_64 : vector<16xi32>
    %swap3A_66 = arith.constant 48 : index
    %swap3A_67 = tpu.vector_load %arg8[%swap3A_66] {strides = array<i32>} : memref<112xi32, #tpu.memory_space<vmem>>, vector<16xi32>,
    %swap3A_68 = vector.shape_cast %swap3A_67 : vector<16xi32> to vector<16xi32>
    %swap3A_69 = vector.shape_cast %and3A_65 : vector<16xi32> to vector<16xi32>
    tpu.vector_store %arg8[%swap3A_66], %swap3A_69 {strides = array<i32>} : memref<112xi32, #tpu.memory_space<vmem>>, vector<16xi32>,
    %shift_right_arithmetic3A_70 = arith.constant 14 : i32
    %shift_right_arithmetic3A_71 = vector.broadcast %shift_right_arithmetic3A_70 : i32 to vector<16xi32>
    %shift_right_arithmetic3A_72 = arith.shrsi %get3A_62, %shift_right_arithmetic3A_71 : vector<16xi32>
    %swap3A_73 = arith.constant 48 : index
    %swap3A_74 = tpu.vector_load %arg9[%swap3A_73] {strides = array<i32>} : memref<112xi32, #tpu.memory_space<vmem>>, vector<16xi32>,
    %swap3A_75 = vector.shape_cast %swap3A_74 : vector<16xi32> to vector<16xi32>
    %swap3A_76 = vector.shape_cast %shift_right_arithmetic3A_72 : vector<16xi32> to vector<16xi32>
    tpu.vector_store %arg9[%swap3A_73], %swap3A_76 {strides = array<i32>} : memref<112xi32, #tpu.memory_space<vmem>>, vector<16xi32>,
    %get3A_77 = arith.constant 64 : index
    %get3A_78 = tpu.vector_load %arg7[%get3A_77] {strides = array<i32>} : memref<112xi32, #tpu.memory_space<vmem>>, vector<16xi32>,
    %get3A_79 = vector.shape_cast %get3A_78 : vector<16xi32> to vector<16xi32>
    %and3A_80 = arith.constant 16383 : i32
    %and3A_81 = vector.broadcast %and3A_80 : i32 to vector<16xi32>
    %and3A_82 = arith.andi %get3A_79, %and3A_81 : vector<16xi32>
    %swap3A_83 = arith.constant 64 : index
    %swap3A_84 = tpu.vector_load %arg8[%swap3A_83] {strides = array<i32>} : memref<112xi32, #tpu.memory_space<vmem>>, vector<16xi32>,
    %swap3A_85 = vector.shape_cast %swap3A_84 : vector<16xi32> to vector<16xi32>
    %swap3A_86 = vector.shape_cast %and3A_82 : vector<16xi32> to vector<16xi32>
    tpu.vector_store %arg8[%swap3A_83], %swap3A_86 {strides = array<i32>} : memref<112xi32, #tpu.memory_space<vmem>>, vector<16xi32>,
    %shift_right_arithmetic3A_87 = arith.constant 14 : i32
    %shift_right_arithmetic3A_88 = vector.broadcast %shift_right_arithmetic3A_87 : i32 to vector<16xi32>
    %shift_right_arithmetic3A_89 = arith.shrsi %get3A_79, %shift_right_arithmetic3A_88 : vector<16xi32>
    %swap3A_90 = arith.constant 64 : index
    %swap3A_91 = tpu.vector_load %arg9[%swap3A_90] {strides = array<i32>} : memref<112xi32, #tpu.memory_space<vmem>>, vector<16xi32>,
    %swap3A_92 = vector.shape_cast %swap3A_91 : vector<16xi32> to vector<16xi32>
    %swap3A_93 = vector.shape_cast %shift_right_arithmetic3A_89 : vector<16xi32> to vector<16xi32>
    tpu.vector_store %arg9[%swap3A_90], %swap3A_93 {strides = array<i32>} : memref<112xi32, #tpu.memory_space<vmem>>, vector<16xi32>,
    %get3A_94 = arith.constant 80 : index
    %get3A_95 = tpu.vector_load %arg7[%get3A_94] {strides = array<i32>} : memref<112xi32, #tpu.memory_space<vmem>>, vector<16xi32>,
    %get3A_96 = vector.shape_cast %get3A_95 : vector<16xi32> to vector<16xi32>
    %and3A_97 = arith.constant 16383 : i32
    %and3A_98 = vector.broadcast %and3A_97 : i32 to vector<16xi32>
    %and3A_99 = arith.andi %get3A_96, %and3A_98 : vector<16xi32>
    %swap3A_100 = arith.constant 80 : index
    %swap3A_101 = tpu.vector_load %arg8[%swap3A_100] {strides = array<i32>} : memref<112xi32, #tpu.memory_space<vmem>>, vector<16xi32>,
    %swap3A_102 = vector.shape_cast %swap3A_101 : vector<16xi32> to vector<16xi32>
    %swap3A_103 = vector.shape_cast %and3A_99 : vector<16xi32> to vector<16xi32>
    tpu.vector_store %arg8[%swap3A_100], %swap3A_103 {strides = array<i32>} : memref<112xi32, #tpu.memory_space<vmem>>, vector<16xi32>,
    %shift_right_arithmetic3A_104 = arith.constant 14 : i32
    %shift_right_arithmetic3A_105 = vector.broadcast %shift_right_arithmetic3A_104 : i32 to vector<16xi32>
    %shift_right_arithmetic3A_106 = arith.shrsi %get3A_96, %shift_right_arithmetic3A_105 : vector<16xi32>
    %swap3A_107 = arith.constant 80 : index
    %swap3A_108 = tpu.vector_load %arg9[%swap3A_107] {strides = array<i32>} : memref<112xi32, #tpu.memory_space<vmem>>, vector<16xi32>,
    %swap3A_109 = vector.shape_cast %swap3A_108 : vector<16xi32> to vector<16xi32>
    %swap3A_110 = vector.shape_cast %shift_right_arithmetic3A_106 : vector<16xi32> to vector<16xi32>
    tpu.vector_store %arg9[%swap3A_107], %swap3A_110 {strides = array<i32>} : memref<112xi32, #tpu.memory_space<vmem>>, vector<16xi32>,
    %get3A_111 = arith.constant 96 : index
    %get3A_112 = tpu.vector_load %arg7[%get3A_111] {strides = array<i32>} : memref<112xi32, #tpu.memory_space<vmem>>, vector<16xi32>,
    %get3A_113 = vector.shape_cast %get3A_112 : vector<16xi32> to vector<16xi32>
    %and3A_114 = arith.constant 16383 : i32
    %and3A_115 = vector.broadcast %and3A_114 : i32 to vector<16xi32>
    %and3A_116 = arith.andi %get3A_113, %and3A_115 : vector<16xi32>
    %swap3A_117 = arith.constant 96 : index
    %swap3A_118 = tpu.vector_load %arg8[%swap3A_117] {strides = array<i32>} : memref<112xi32, #tpu.memory_space<vmem>>, vector<16xi32>,
    %swap3A_119 = vector.shape_cast %swap3A_118 : vector<16xi32> to vector<16xi32>
    %swap3A_120 = vector.shape_cast %and3A_116 : vector<16xi32> to vector<16xi32>
    tpu.vector_store %arg8[%swap3A_117], %swap3A_120 {strides = array<i32>} : memref<112xi32, #tpu.memory_space<vmem>>, vector<16xi32>,
    %shift_right_arithmetic3A_121 = arith.constant 14 : i32
    %shift_right_arithmetic3A_122 = vector.broadcast %shift_right_arithmetic3A_121 : i32 to vector<16xi32>
    %shift_right_arithmetic3A_123 = arith.shrsi %get3A_113, %shift_right_arithmetic3A_122 : vector<16xi32>
    %swap3A_124 = arith.constant 96 : index
    %swap3A_125 = tpu.vector_load %arg9[%swap3A_124] {strides = array<i32>} : memref<112xi32, #tpu.memory_space<vmem>>, vector<16xi32>,
    %swap3A_126 = vector.shape_cast %swap3A_125 : vector<16xi32> to vector<16xi32>
    %swap3A_127 = vector.shape_cast %shift_right_arithmetic3A_123 : vector<16xi32> to vector<16xi32>
    tpu.vector_store %arg9[%swap3A_124], %swap3A_127 {strides = array<i32>} : memref<112xi32, #tpu.memory_space<vmem>>, vector<16xi32>,
    %dma_start3A = arith.constant 0 : i32
    %dma_start3A_128 = arith.constant 0 : i32
    %dma_start3A_129 = tpu.memref_slice %arg14[%dma_start3A, %dma_start3A_128] : memref<112x144xf32, #tpu.memory_space<vmem>> -> memref<56x144xf32, #tpu.memory_space<vmem>>
    %dma_start3A_130 = arith.constant 0 : i32
    %dma_start3A_131 = tpu.memref_slice %arg8[%dma_start3A_130] : memref<112xi32, #tpu.memory_space<vmem>> -> memref<56xi32, #tpu.memory_space<vmem>>
    %dma_start3A_132 = arith.constant 0 : i32
    %dma_start3A_133 = arith.constant 0 : i32
    %dma_start3A_134 = tpu.memref_slice %arg2[%dma_start3A_132, %dma_start3A_133] : memref<10000x144xf32, #tpu.memory_space<hbm>> -> memref<10000x144xf32, #tpu.memory_space<hbm>>
    tpu.enqueue_indirect_dma source(%dma_start3A_134 : memref<10000x144xf32, #tpu.memory_space<hbm>>) target(%dma_start3A_129 : memref<56x144xf32, #tpu.memory_space<vmem>>) offsets(%dma_start3A_131 : memref<56xi32, #tpu.memory_space<vmem>>) semaphore(%arg19 : memref<!tpu.dma_semaphore, #tpu.memory_space<semaphore_mem>>)
    %dma_start3A_135 = arith.constant 56 : i32
    %dma_start3A_136 = arith.constant 0 : i32
    %dma_start3A_137 = tpu.memref_slice %arg14[%dma_start3A_135, %dma_start3A_136] : memref<112x144xf32, #tpu.memory_space<vmem>> -> memref<56x144xf32, #tpu.memory_space<vmem>>
    %dma_start3A_138 = arith.constant 56 : i32
    %dma_start3A_139 = tpu.memref_slice %arg8[%dma_start3A_138] : memref<112xi32, #tpu.memory_space<vmem>> -> memref<56xi32, #tpu.memory_space<vmem>>
    %dma_start3A_140 = arith.constant 0 : i32
    %dma_start3A_141 = arith.constant 0 : i32
    %dma_start3A_142 = tpu.memref_slice %arg2[%dma_start3A_140, %dma_start3A_141] : memref<10000x144xf32, #tpu.memory_space<hbm>> -> memref<10000x144xf32, #tpu.memory_space<hbm>>
    tpu.enqueue_indirect_dma source(%dma_start3A_142 : memref<10000x144xf32, #tpu.memory_space<hbm>>) target(%dma_start3A_137 : memref<56x144xf32, #tpu.memory_space<vmem>>) offsets(%dma_start3A_139 : memref<56xi32, #tpu.memory_space<vmem>>) semaphore(%arg19 : memref<!tpu.dma_semaphore, #tpu.memory_space<semaphore_mem>>)
    %dma_start3A_143 = arith.constant 0 : i32
    %dma_start3A_144 = arith.constant 0 : i32
    %dma_start3A_145 = tpu.memref_slice %arg3[%dma_start3A_143, %dma_start3A_144] : memref<10000x16xf32, #tpu.memory_space<hbm>> -> memref<10000x16xf32, #tpu.memory_space<hbm>>
    tpu.enqueue_indirect_dma source(%dma_start3A_145 : memref<10000x16xf32, #tpu.memory_space<hbm>>) target(%arg12 : memref<112x16xf32, #tpu.memory_space<vmem>>) offsets(%arg9 : memref<112xi32, #tpu.memory_space<vmem>>) semaphore(%arg19 : memref<!tpu.dma_semaphore, #tpu.memory_space<semaphore_mem>>)
    %scan3A_146 = arith.constant 0 : i32
    %scan3A_147 = arith.constant 45 : i32
    %scan3A_148 = arith.addi %scan3A_146, %scan3A_147 : i32
    %scan3A_149 = arith.constant 1 : i32
    scf.for %scan3A_160 = %scan3A_146 to %scan3A_148 step %scan3A_149  : i32 {
      %mul3A_161 = arith.constant 1 : i32
      %mul3A_162 = arith.muli %scan3A_160, %mul3A_161 : i32
      %add3A_163 = arith.constant 0 : i32
      %add3A_164 = arith.addi %add3A_163, %mul3A_162 : i32
      %mul3A_165 = arith.constant 2 : i32
      %mul3A_166 = arith.muli %mul3A_165, %add3A_164 : i32
      %dma_wait3A_167 = arith.constant 0 : i32
      %dma_wait3A_168 = arith.constant 0 : i32
      %dma_wait3A_169 = tpu.memref_slice %arg14[%dma_wait3A_167, %dma_wait3A_168] : memref<112x144xf32, #tpu.memory_space<vmem>> -> memref<56x144xf32, #tpu.memory_space<vmem>>
      %dma_wait3A_170 = arith.constant 0 : i32
      %dma_wait3A_171 = tpu.memref_slice %arg8[%dma_wait3A_170] : memref<112xi32, #tpu.memory_space<vmem>> -> memref<56xi32, #tpu.memory_space<vmem>>
      %dma_wait3A_172 = arith.constant 0 : i32
      %dma_wait3A_173 = arith.constant 0 : i32
      %dma_wait3A_174 = tpu.memref_slice %arg2[%dma_wait3A_172, %dma_wait3A_173] : memref<10000x144xf32, #tpu.memory_space<hbm>> -> memref<10000x144xf32, #tpu.memory_space<hbm>>
      tpu.wait_indirect_dma semaphore(%arg19 : memref<!tpu.dma_semaphore, #tpu.memory_space<semaphore_mem>>) src(%dma_wait3A_174 : memref<10000x144xf32, #tpu.memory_space<hbm>>) dst(%dma_wait3A_169 : memref<56x144xf32, #tpu.memory_space<vmem>>)
      %dma_wait3A_175 = arith.constant 56 : i32
      %dma_wait3A_176 = arith.constant 0 : i32
      %dma_wait3A_177 = tpu.memref_slice %arg14[%dma_wait3A_175, %dma_wait3A_176] : memref<112x144xf32, #tpu.memory_space<vmem>> -> memref<56x144xf32, #tpu.memory_space<vmem>>
      %dma_wait3A_178 = arith.constant 56 : i32
      %dma_wait3A_179 = tpu.memref_slice %arg8[%dma_wait3A_178] : memref<112xi32, #tpu.memory_space<vmem>> -> memref<56xi32, #tpu.memory_space<vmem>>
      %dma_wait3A_180 = arith.constant 0 : i32
      %dma_wait3A_181 = arith.constant 0 : i32
      %dma_wait3A_182 = tpu.memref_slice %arg2[%dma_wait3A_180, %dma_wait3A_181] : memref<10000x144xf32, #tpu.memory_space<hbm>> -> memref<10000x144xf32, #tpu.memory_space<hbm>>
      tpu.wait_indirect_dma semaphore(%arg19 : memref<!tpu.dma_semaphore, #tpu.memory_space<semaphore_mem>>) src(%dma_wait3A_182 : memref<10000x144xf32, #tpu.memory_space<hbm>>) dst(%dma_wait3A_177 : memref<56x144xf32, #tpu.memory_space<vmem>>)
      %dma_wait3A_183 = arith.constant 0 : i32
      %dma_wait3A_184 = arith.constant 0 : i32
      %dma_wait3A_185 = tpu.memref_slice %arg3[%dma_wait3A_183, %dma_wait3A_184] : memref<10000x16xf32, #tpu.memory_space<hbm>> -> memref<10000x16xf32, #tpu.memory_space<hbm>>
      tpu.wait_indirect_dma semaphore(%arg19 : memref<!tpu.dma_semaphore, #tpu.memory_space<semaphore_mem>>) src(%dma_wait3A_185 : memref<10000x16xf32, #tpu.memory_space<hbm>>) dst(%arg12 : memref<112x16xf32, #tpu.memory_space<vmem>>)
      %gt3A = arith.constant 0 : i32
      %gt3A_186 = arith.cmpi sgt, %add3A_164, %gt3A : i32
      %convert_element_type3A_187 = arith.extui %gt3A_186 : i1 to i32
      %cond3A_188 = arith.constant 0 : i32
      %cond3A_189 = arith.cmpi ne, %convert_element_type3A_187, %cond3A_188 : i32
      scf.if %cond3A_189 {
        %dma_wait3A_373 = arith.constant 0 : i32
        %dma_wait3A_374 = arith.constant 0 : i32
        %dma_wait3A_375 = tpu.memref_slice %arg18[%dma_wait3A_373, %dma_wait3A_374] : memref<10112x144xf32, #tpu.memory_space<vmem_shared>> -> memref<10112x144xf32, #tpu.memory_space<vmem_shared>>
        tpu.wait_indirect_dma semaphore(%arg22 : memref<!tpu.dma_semaphore, #tpu.memory_space<semaphore_mem>>) src(%arg15 : memref<112x144xf32, #tpu.memory_space<vmem>>) dst(%dma_wait3A_375 : memref<10112x144xf32, #tpu.memory_space<vmem_shared>>)
      } else {
      }
      %add3A_190 = arith.constant 1 : i32
      %add3A_191 = arith.addi %mul3A_166, %add3A_190 : i32
      "tpu.region"() ({
        %run_scoped3A_373 = tpu.sem_alloc : memref<!tpu.dma_semaphore, #tpu.memory_space<semaphore_mem>>
        %dma_start3A_374 = arith.constant 0 : i32
        %dma_start3A_375 = tpu.memref_slice %arg5[%add3A, %add3A_191, %dma_start3A_374] : memref<32x90x112xi32, #tpu.memory_space<hbm>> -> memref<1x1x112xi32, #tpu.memory_space<hbm>>
        %dma_start3A_376 = tpu.memref_squeeze %dma_start3A_375 : memref<1x1x112xi32, #tpu.memory_space<hbm>> -> memref<112xi32, #tpu.memory_space<hbm>>
        %dma_start3A_377 = arith.constant 0 : i32
        %dma_start3A_378 = tpu.memref_slice %arg5[%add3A, %add3A_191, %dma_start3A_377] : memref<32x90x112xi32, #tpu.memory_space<hbm>> -> memref<1x1x112xi32, #tpu.memory_space<hbm>>
        %dma_start3A_379 = tpu.memref_squeeze %dma_start3A_378 : memref<1x1x112xi32, #tpu.memory_space<hbm>> -> memref<112xi32, #tpu.memory_space<hbm>>
        tpu.enqueue_dma source(%dma_start3A_379 : memref<112xi32, #tpu.memory_space<hbm>>) target(%arg7 : memref<112xi32, #tpu.memory_space<vmem>>) target_semaphore(%run_scoped3A_373 : memref<!tpu.dma_semaphore, #tpu.memory_space<semaphore_mem>>)
        %dma_wait3A_380 = arith.constant 0 : i32
        %dma_wait3A_381 = tpu.memref_slice %arg5[%add3A, %add3A_191, %dma_wait3A_380] : memref<32x90x112xi32, #tpu.memory_space<hbm>> -> memref<1x1x112xi32, #tpu.memory_space<hbm>>
        %dma_wait3A_382 = tpu.memref_squeeze %dma_wait3A_381 : memref<1x1x112xi32, #tpu.memory_space<hbm>> -> memref<112xi32, #tpu.memory_space<hbm>>
        %dma_wait3A_383 = arith.constant 0 : i32
        %dma_wait3A_384 = tpu.memref_slice %arg5[%add3A, %add3A_191, %dma_wait3A_383] : memref<32x90x112xi32, #tpu.memory_space<hbm>> -> memref<1x1x112xi32, #tpu.memory_space<hbm>>
        %dma_wait3A_385 = tpu.memref_squeeze %dma_wait3A_384 : memref<1x1x112xi32, #tpu.memory_space<hbm>> -> memref<112xi32, #tpu.memory_space<hbm>>
        tpu.wait_dma2 semaphore(%run_scoped3A_373 : memref<!tpu.dma_semaphore, #tpu.memory_space<semaphore_mem>>) src(%dma_wait3A_385 : memref<112xi32, #tpu.memory_space<hbm>>) dst(%arg7 : memref<112xi32, #tpu.memory_space<vmem>>)
        tpu.yield
      }) : () -> ()
      %get3A_192 = arith.constant 0 : index
      %get3A_193 = tpu.vector_load %arg7[%get3A_192] {strides = array<i32>} : memref<112xi32, #tpu.memory_space<vmem>>, vector<16xi32>,
      %get3A_194 = vector.shape_cast %get3A_193 : vector<16xi32> to vector<16xi32>
      %and3A_195 = arith.constant 16383 : i32
      %and3A_196 = vector.broadcast %and3A_195 : i32 to vector<16xi32>
      %and3A_197 = arith.andi %get3A_194, %and3A_196 : vector<16xi32>
      %swap3A_198 = arith.constant 0 : index
      %swap3A_199 = tpu.vector_load %arg10[%swap3A_198] {strides = array<i32>} : memref<112xi32, #tpu.memory_space<vmem>>, vector<16xi32>,
      %swap3A_200 = vector.shape_cast %swap3A_199 : vector<16xi32> to vector<16xi32>
      %swap3A_201 = vector.shape_cast %and3A_197 : vector<16xi32> to vector<16xi32>
      tpu.vector_store %arg10[%swap3A_198], %swap3A_201 {strides = array<i32>} : memref<112xi32, #tpu.memory_space<vmem>>, vector<16xi32>,
      %shift_right_arithmetic3A_202 = arith.constant 14 : i32
      %shift_right_arithmetic3A_203 = vector.broadcast %shift_right_arithmetic3A_202 : i32 to vector<16xi32>
      %shift_right_arithmetic3A_204 = arith.shrsi %get3A_194, %shift_right_arithmetic3A_203 : vector<16xi32>
      %swap3A_205 = arith.constant 0 : index
      %swap3A_206 = tpu.vector_load %arg11[%swap3A_205] {strides = array<i32>} : memref<112xi32, #tpu.memory_space<vmem>>, vector<16xi32>,
      %swap3A_207 = vector.shape_cast %swap3A_206 : vector<16xi32> to vector<16xi32>
      %swap3A_208 = vector.shape_cast %shift_right_arithmetic3A_204 : vector<16xi32> to vector<16xi32>
      tpu.vector_store %arg11[%swap3A_205], %swap3A_208 {strides = array<i32>} : memref<112xi32, #tpu.memory_space<vmem>>, vector<16xi32>,
      %get3A_209 = arith.constant 16 : index
      %get3A_210 = tpu.vector_load %arg7[%get3A_209] {strides = array<i32>} : memref<112xi32, #tpu.memory_space<vmem>>, vector<16xi32>,
      %get3A_211 = vector.shape_cast %get3A_210 : vector<16xi32> to vector<16xi32>
      %and3A_212 = arith.constant 16383 : i32
      %and3A_213 = vector.broadcast %and3A_212 : i32 to vector<16xi32>
      %and3A_214 = arith.andi %get3A_211, %and3A_213 : vector<16xi32>
      %swap3A_215 = arith.constant 16 : index
      %swap3A_216 = tpu.vector_load %arg10[%swap3A_215] {strides = array<i32>} : memref<112xi32, #tpu.memory_space<vmem>>, vector<16xi32>,
      %swap3A_217 = vector.shape_cast %swap3A_216 : vector<16xi32> to vector<16xi32>
      %swap3A_218 = vector.shape_cast %and3A_214 : vector<16xi32> to vector<16xi32>
      tpu.vector_store %arg10[%swap3A_215], %swap3A_218 {strides = array<i32>} : memref<112xi32, #tpu.memory_space<vmem>>, vector<16xi32>,
      %shift_right_arithmetic3A_219 = arith.constant 14 : i32
      %shift_right_arithmetic3A_220 = vector.broadcast %shift_right_arithmetic3A_219 : i32 to vector<16xi32>
      %shift_right_arithmetic3A_221 = arith.shrsi %get3A_211, %shift_right_arithmetic3A_220 : vector<16xi32>
      %swap3A_222 = arith.constant 16 : index
      %swap3A_223 = tpu.vector_load %arg11[%swap3A_222] {strides = array<i32>} : memref<112xi32, #tpu.memory_space<vmem>>, vector<16xi32>,
      %swap3A_224 = vector.shape_cast %swap3A_223 : vector<16xi32> to vector<16xi32>
      %swap3A_225 = vector.shape_cast %shift_right_arithmetic3A_221 : vector<16xi32> to vector<16xi32>
      tpu.vector_store %arg11[%swap3A_222], %swap3A_225 {strides = array<i32>} : memref<112xi32, #tpu.memory_space<vmem>>, vector<16xi32>,
      %get3A_226 = arith.constant 32 : index
      %get3A_227 = tpu.vector_load %arg7[%get3A_226] {strides = array<i32>} : memref<112xi32, #tpu.memory_space<vmem>>, vector<16xi32>,
      %get3A_228 = vector.shape_cast %get3A_227 : vector<16xi32> to vector<16xi32>
      %and3A_229 = arith.constant 16383 : i32
      %and3A_230 = vector.broadcast %and3A_229 : i32 to vector<16xi32>
      %and3A_231 = arith.andi %get3A_228, %and3A_230 : vector<16xi32>
      %swap3A_232 = arith.constant 32 : index
      %swap3A_233 = tpu.vector_load %arg10[%swap3A_232] {strides = array<i32>} : memref<112xi32, #tpu.memory_space<vmem>>, vector<16xi32>,
      %swap3A_234 = vector.shape_cast %swap3A_233 : vector<16xi32> to vector<16xi32>
      %swap3A_235 = vector.shape_cast %and3A_231 : vector<16xi32> to vector<16xi32>
      tpu.vector_store %arg10[%swap3A_232], %swap3A_235 {strides = array<i32>} : memref<112xi32, #tpu.memory_space<vmem>>, vector<16xi32>,
      %shift_right_arithmetic3A_236 = arith.constant 14 : i32
      %shift_right_arithmetic3A_237 = vector.broadcast %shift_right_arithmetic3A_236 : i32 to vector<16xi32>
      %shift_right_arithmetic3A_238 = arith.shrsi %get3A_228, %shift_right_arithmetic3A_237 : vector<16xi32>
      %swap3A_239 = arith.constant 32 : index
      %swap3A_240 = tpu.vector_load %arg11[%swap3A_239] {strides = array<i32>} : memref<112xi32, #tpu.memory_space<vmem>>, vector<16xi32>,
      %swap3A_241 = vector.shape_cast %swap3A_240 : vector<16xi32> to vector<16xi32>
      %swap3A_242 = vector.shape_cast %shift_right_arithmetic3A_238 : vector<16xi32> to vector<16xi32>
      tpu.vector_store %arg11[%swap3A_239], %swap3A_242 {strides = array<i32>} : memref<112xi32, #tpu.memory_space<vmem>>, vector<16xi32>,
      %get3A_243 = arith.constant 48 : index
      %get3A_244 = tpu.vector_load %arg7[%get3A_243] {strides = array<i32>} : memref<112xi32, #tpu.memory_space<vmem>>, vector<16xi32>,
      %get3A_245 = vector.shape_cast %get3A_244 : vector<16xi32> to vector<16xi32>
      %and3A_246 = arith.constant 16383 : i32
      %and3A_247 = vector.broadcast %and3A_246 : i32 to vector<16xi32>
      %and3A_248 = arith.andi %get3A_245, %and3A_247 : vector<16xi32>
      %swap3A_249 = arith.constant 48 : index
      %swap3A_250 = tpu.vector_load %arg10[%swap3A_249] {strides = array<i32>} : memref<112xi32, #tpu.memory_space<vmem>>, vector<16xi32>,
      %swap3A_251 = vector.shape_cast %swap3A_250 : vector<16xi32> to vector<16xi32>
      %swap3A_252 = vector.shape_cast %and3A_248 : vector<16xi32> to vector<16xi32>
      tpu.vector_store %arg10[%swap3A_249], %swap3A_252 {strides = array<i32>} : memref<112xi32, #tpu.memory_space<vmem>>, vector<16xi32>,
      %shift_right_arithmetic3A_253 = arith.constant 14 : i32
      %shift_right_arithmetic3A_254 = vector.broadcast %shift_right_arithmetic3A_253 : i32 to vector<16xi32>
      %shift_right_arithmetic3A_255 = arith.shrsi %get3A_245, %shift_right_arithmetic3A_254 : vector<16xi32>
      %swap3A_256 = arith.constant 48 : index
      %swap3A_257 = tpu.vector_load %arg11[%swap3A_256] {strides = array<i32>} : memref<112xi32, #tpu.memory_space<vmem>>, vector<16xi32>,
      %swap3A_258 = vector.shape_cast %swap3A_257 : vector<16xi32> to vector<16xi32>
      %swap3A_259 = vector.shape_cast %shift_right_arithmetic3A_255 : vector<16xi32> to vector<16xi32>
      tpu.vector_store %arg11[%swap3A_256], %swap3A_259 {strides = array<i32>} : memref<112xi32, #tpu.memory_space<vmem>>, vector<16xi32>,
      %get3A_260 = arith.constant 64 : index
      %get3A_261 = tpu.vector_load %arg7[%get3A_260] {strides = array<i32>} : memref<112xi32, #tpu.memory_space<vmem>>, vector<16xi32>,
      %get3A_262 = vector.shape_cast %get3A_261 : vector<16xi32> to vector<16xi32>
      %and3A_263 = arith.constant 16383 : i32
      %and3A_264 = vector.broadcast %and3A_263 : i32 to vector<16xi32>
      %and3A_265 = arith.andi %get3A_262, %and3A_264 : vector<16xi32>
      %swap3A_266 = arith.constant 64 : index
      %swap3A_267 = tpu.vector_load %arg10[%swap3A_266] {strides = array<i32>} : memref<112xi32, #tpu.memory_space<vmem>>, vector<16xi32>,
      %swap3A_268 = vector.shape_cast %swap3A_267 : vector<16xi32> to vector<16xi32>
      %swap3A_269 = vector.shape_cast %and3A_265 : vector<16xi32> to vector<16xi32>
      tpu.vector_store %arg10[%swap3A_266], %swap3A_269 {strides = array<i32>} : memref<112xi32, #tpu.memory_space<vmem>>, vector<16xi32>,
      %shift_right_arithmetic3A_270 = arith.constant 14 : i32
      %shift_right_arithmetic3A_271 = vector.broadcast %shift_right_arithmetic3A_270 : i32 to vector<16xi32>
      %shift_right_arithmetic3A_272 = arith.shrsi %get3A_262, %shift_right_arithmetic3A_271 : vector<16xi32>
      %swap3A_273 = arith.constant 64 : index
      %swap3A_274 = tpu.vector_load %arg11[%swap3A_273] {strides = array<i32>} : memref<112xi32, #tpu.memory_space<vmem>>, vector<16xi32>,
      %swap3A_275 = vector.shape_cast %swap3A_274 : vector<16xi32> to vector<16xi32>
      %swap3A_276 = vector.shape_cast %shift_right_arithmetic3A_272 : vector<16xi32> to vector<16xi32>
      tpu.vector_store %arg11[%swap3A_273], %swap3A_276 {strides = array<i32>} : memref<112xi32, #tpu.memory_space<vmem>>, vector<16xi32>,
      %get3A_277 = arith.constant 80 : index
      %get3A_278 = tpu.vector_load %arg7[%get3A_277] {strides = array<i32>} : memref<112xi32, #tpu.memory_space<vmem>>, vector<16xi32>,
      %get3A_279 = vector.shape_cast %get3A_278 : vector<16xi32> to vector<16xi32>
      %and3A_280 = arith.constant 16383 : i32
      %and3A_281 = vector.broadcast %and3A_280 : i32 to vector<16xi32>
      %and3A_282 = arith.andi %get3A_279, %and3A_281 : vector<16xi32>
      %swap3A_283 = arith.constant 80 : index
      %swap3A_284 = tpu.vector_load %arg10[%swap3A_283] {strides = array<i32>} : memref<112xi32, #tpu.memory_space<vmem>>, vector<16xi32>,
      %swap3A_285 = vector.shape_cast %swap3A_284 : vector<16xi32> to vector<16xi32>
      %swap3A_286 = vector.shape_cast %and3A_282 : vector<16xi32> to vector<16xi32>
      tpu.vector_store %arg10[%swap3A_283], %swap3A_286 {strides = array<i32>} : memref<112xi32, #tpu.memory_space<vmem>>, vector<16xi32>,
      %shift_right_arithmetic3A_287 = arith.constant 14 : i32
      %shift_right_arithmetic3A_288 = vector.broadcast %shift_right_arithmetic3A_287 : i32 to vector<16xi32>
      %shift_right_arithmetic3A_289 = arith.shrsi %get3A_279, %shift_right_arithmetic3A_288 : vector<16xi32>
      %swap3A_290 = arith.constant 80 : index
      %swap3A_291 = tpu.vector_load %arg11[%swap3A_290] {strides = array<i32>} : memref<112xi32, #tpu.memory_space<vmem>>, vector<16xi32>,
      %swap3A_292 = vector.shape_cast %swap3A_291 : vector<16xi32> to vector<16xi32>
      %swap3A_293 = vector.shape_cast %shift_right_arithmetic3A_289 : vector<16xi32> to vector<16xi32>
      tpu.vector_store %arg11[%swap3A_290], %swap3A_293 {strides = array<i32>} : memref<112xi32, #tpu.memory_space<vmem>>, vector<16xi32>,
      %get3A_294 = arith.constant 96 : index
      %get3A_295 = tpu.vector_load %arg7[%get3A_294] {strides = array<i32>} : memref<112xi32, #tpu.memory_space<vmem>>, vector<16xi32>,
      %get3A_296 = vector.shape_cast %get3A_295 : vector<16xi32> to vector<16xi32>
      %and3A_297 = arith.constant 16383 : i32
      %and3A_298 = vector.broadcast %and3A_297 : i32 to vector<16xi32>
      %and3A_299 = arith.andi %get3A_296, %and3A_298 : vector<16xi32>
      %swap3A_300 = arith.constant 96 : index
      %swap3A_301 = tpu.vector_load %arg10[%swap3A_300] {strides = array<i32>} : memref<112xi32, #tpu.memory_space<vmem>>, vector<16xi32>,
      %swap3A_302 = vector.shape_cast %swap3A_301 : vector<16xi32> to vector<16xi32>
      %swap3A_303 = vector.shape_cast %and3A_299 : vector<16xi32> to vector<16xi32>
      tpu.vector_store %arg10[%swap3A_300], %swap3A_303 {strides = array<i32>} : memref<112xi32, #tpu.memory_space<vmem>>, vector<16xi32>,
      %shift_right_arithmetic3A_304 = arith.constant 14 : i32
      %shift_right_arithmetic3A_305 = vector.broadcast %shift_right_arithmetic3A_304 : i32 to vector<16xi32>
      %shift_right_arithmetic3A_306 = arith.shrsi %get3A_296, %shift_right_arithmetic3A_305 : vector<16xi32>
      %swap3A_307 = arith.constant 96 : index
      %swap3A_308 = tpu.vector_load %arg11[%swap3A_307] {strides = array<i32>} : memref<112xi32, #tpu.memory_space<vmem>>, vector<16xi32>,
      %swap3A_309 = vector.shape_cast %swap3A_308 : vector<16xi32> to vector<16xi32>
      %swap3A_310 = vector.shape_cast %shift_right_arithmetic3A_306 : vector<16xi32> to vector<16xi32>
      tpu.vector_store %arg11[%swap3A_307], %swap3A_310 {strides = array<i32>} : memref<112xi32, #tpu.memory_space<vmem>>, vector<16xi32>,
      %dma_start3A_311 = arith.constant 0 : i32
      %dma_start3A_312 = arith.constant 0 : i32
      %dma_start3A_313 = tpu.memref_slice %arg15[%dma_start3A_311, %dma_start3A_312] : memref<112x144xf32, #tpu.memory_space<vmem>> -> memref<56x144xf32, #tpu.memory_space<vmem>>
      %dma_start3A_314 = arith.constant 0 : i32
      %dma_start3A_315 = tpu.memref_slice %arg10[%dma_start3A_314] : memref<112xi32, #tpu.memory_space<vmem>> -> memref<56xi32, #tpu.memory_space<vmem>>
      %dma_start3A_316 = arith.constant 0 : i32
      %dma_start3A_317 = arith.constant 0 : i32
      %dma_start3A_318 = tpu.memref_slice %arg2[%dma_start3A_316, %dma_start3A_317] : memref<10000x144xf32, #tpu.memory_space<hbm>> -> memref<10000x144xf32, #tpu.memory_space<hbm>>
      tpu.enqueue_indirect_dma source(%dma_start3A_318 : memref<10000x144xf32, #tpu.memory_space<hbm>>) target(%dma_start3A_313 : memref<56x144xf32, #tpu.memory_space<vmem>>) offsets(%dma_start3A_315 : memref<56xi32, #tpu.memory_space<vmem>>) semaphore(%arg20 : memref<!tpu.dma_semaphore, #tpu.memory_space<semaphore_mem>>)
      %dma_start3A_319 = arith.constant 56 : i32
      %dma_start3A_320 = arith.constant 0 : i32
      %dma_start3A_321 = tpu.memref_slice %arg15[%dma_start3A_319, %dma_start3A_320] : memref<112x144xf32, #tpu.memory_space<vmem>> -> memref<56x144xf32, #tpu.memory_space<vmem>>
      %dma_start3A_322 = arith.constant 56 : i32
      %dma_start3A_323 = tpu.memref_slice %arg10[%dma_start3A_322] : memref<112xi32, #tpu.memory_space<vmem>> -> memref<56xi32, #tpu.memory_space<vmem>>
      %dma_start3A_324 = arith.constant 0 : i32
      %dma_start3A_325 = arith.constant 0 : i32
      %dma_start3A_326 = tpu.memref_slice %arg2[%dma_start3A_324, %dma_start3A_325] : memref<10000x144xf32, #tpu.memory_space<hbm>> -> memref<10000x144xf32, #tpu.memory_space<hbm>>
      tpu.enqueue_indirect_dma source(%dma_start3A_326 : memref<10000x144xf32, #tpu.memory_space<hbm>>) target(%dma_start3A_321 : memref<56x144xf32, #tpu.memory_space<vmem>>) offsets(%dma_start3A_323 : memref<56xi32, #tpu.memory_space<vmem>>) semaphore(%arg20 : memref<!tpu.dma_semaphore, #tpu.memory_space<semaphore_mem>>)
      %dma_start3A_327 = arith.constant 0 : i32
      %dma_start3A_328 = arith.constant 0 : i32
      %dma_start3A_329 = tpu.memref_slice %arg3[%dma_start3A_327, %dma_start3A_328] : memref<10000x16xf32, #tpu.memory_space<hbm>> -> memref<10000x16xf32, #tpu.memory_space<hbm>>
      tpu.enqueue_indirect_dma source(%dma_start3A_329 : memref<10000x16xf32, #tpu.memory_space<hbm>>) target(%arg13 : memref<112x16xf32, #tpu.memory_space<vmem>>) offsets(%arg11 : memref<112xi32, #tpu.memory_space<vmem>>) semaphore(%arg20 : memref<!tpu.dma_semaphore, #tpu.memory_space<semaphore_mem>>)
      %scan3A_330 = arith.constant 0 : i32
      %scan3A_331 = arith.constant 112 : i32
      %scan3A_332 = arith.addi %scan3A_330, %scan3A_331 : i32
      %scan3A_333 = arith.constant 4 : i32
      scf.for %scan3A_373 = %scan3A_330 to %scan3A_332 step %scan3A_333  : i32 {
        %mul3A_374 = arith.constant 1 : i32
        %mul3A_375 = arith.muli %scan3A_373, %mul3A_374 : i32
        %add3A_376 = arith.constant 0 : i32
        %add3A_377 = arith.addi %add3A_376, %mul3A_375 : i32
        %get3A_378 = arith.index_cast %add3A_377 : i32 to index
        %get3A_379 = arith.constant 128 : index
        %get3A_380 = tpu.vector_load %arg14[%get3A_378, %get3A_379] {strides = array<i32>} : memref<112x144xf32, #tpu.memory_space<vmem>>, vector<1x16xf32>,
        %get3A_381 = vector.shape_cast %get3A_380 : vector<1x16xf32> to vector<16xf32>
        %get3A_382 = arith.index_cast %add3A_377 : i32 to index
        %get3A_383 = arith.constant 0 : index
        %get3A_384 = tpu.vector_load %arg12[%get3A_382, %get3A_383] {strides = array<i32>} : memref<112x16xf32, #tpu.memory_space<vmem>>, vector<1x16xf32>,
        %get3A_385 = vector.shape_cast %get3A_384 : vector<1x16xf32> to vector<16xf32>
        %add3A_386 = arith.addf %get3A_381, %get3A_385 : vector<16xf32>
        %mul3A_387 = arith.constant 2.000000e-01 : f32
        %mul3A_388 = vector.broadcast %mul3A_387 : f32 to vector<16xf32>
        %mul3A_389 = arith.mulf %mul3A_388, %add3A_386 : vector<16xf32>
        %max3A = arith.maximumf %add3A_386, %mul3A_389 : vector<16xf32>
        %sub3A = arith.subf %max3A, %get3A_11 : vector<16xf32>
        %exp3A = math.exp %sub3A : vector<16xf32>
        %swap3A_390 = arith.index_cast %add3A_377 : i32 to index
        %swap3A_391 = arith.constant 128 : index
        %swap3A_392 = tpu.vector_load %arg14[%swap3A_390, %swap3A_391] {strides = array<i32>} : memref<112x144xf32, #tpu.memory_space<vmem>>, vector<1x16xf32>,
        %swap3A_393 = vector.shape_cast %swap3A_392 : vector<1x16xf32> to vector<16xf32>
        %swap3A_394 = vector.shape_cast %exp3A : vector<16xf32> to vector<1x16xf32>
        tpu.vector_store %arg14[%swap3A_390, %swap3A_391], %swap3A_394 {strides = array<i32>} : memref<112x144xf32, #tpu.memory_space<vmem>>, vector<1x16xf32>,
        %get3A_395 = arith.index_cast %add3A_377 : i32 to index
        %get3A_396 = arith.constant 0 : index
        %get3A_397 = tpu.vector_load %arg14[%get3A_395, %get3A_396] {strides = array<i32>} : memref<112x144xf32, #tpu.memory_space<vmem>>, vector<1x16xf32>,
        %get3A_398 = vector.shape_cast %get3A_397 : vector<1x16xf32> to vector<16xf32>
        %slice3A = vector.extract_strided_slice %exp3A {offsets = [0], sizes = [1], strides = [1]} : vector<16xf32> to vector<1xf32>
        %squeeze3A = vector.extract %slice3A[0] : f32 from vector<1xf32>
        %mul3A_399 = vector.broadcast %squeeze3A : f32 to vector<16xf32>
        %mul3A_400 = arith.mulf %get3A_398, %mul3A_399 : vector<16xf32>
        %swap3A_401 = arith.index_cast %add3A_377 : i32 to index
        %swap3A_402 = arith.constant 0 : index
        %swap3A_403 = tpu.vector_load %arg14[%swap3A_401, %swap3A_402] {strides = array<i32>} : memref<112x144xf32, #tpu.memory_space<vmem>>, vector<1x16xf32>,
        %swap3A_404 = vector.shape_cast %swap3A_403 : vector<1x16xf32> to vector<16xf32>
        %swap3A_405 = vector.shape_cast %mul3A_400 : vector<16xf32> to vector<1x16xf32>
        tpu.vector_store %arg14[%swap3A_401, %swap3A_402], %swap3A_405 {strides = array<i32>} : memref<112x144xf32, #tpu.memory_space<vmem>>, vector<1x16xf32>,
        %get3A_406 = arith.index_cast %add3A_377 : i32 to index
        %get3A_407 = arith.constant 16 : index
        %get3A_408 = tpu.vector_load %arg14[%get3A_406, %get3A_407] {strides = array<i32>} : memref<112x144xf32, #tpu.memory_space<vmem>>, vector<1x16xf32>,
        %get3A_409 = vector.shape_cast %get3A_408 : vector<1x16xf32> to vector<16xf32>
        %slice3A_410 = vector.extract_strided_slice %exp3A {offsets = [1], sizes = [1], strides = [1]} : vector<16xf32> to vector<1xf32>
        %squeeze3A_411 = vector.extract %slice3A_410[0] : f32 from vector<1xf32>
        %mul3A_412 = vector.broadcast %squeeze3A_411 : f32 to vector<16xf32>
        %mul3A_413 = arith.mulf %get3A_409, %mul3A_412 : vector<16xf32>
        %swap3A_414 = arith.index_cast %add3A_377 : i32 to index
        %swap3A_415 = arith.constant 16 : index
        %swap3A_416 = tpu.vector_load %arg14[%swap3A_414, %swap3A_415] {strides = array<i32>} : memref<112x144xf32, #tpu.memory_space<vmem>>, vector<1x16xf32>,
        %swap3A_417 = vector.shape_cast %swap3A_416 : vector<1x16xf32> to vector<16xf32>
        %swap3A_418 = vector.shape_cast %mul3A_413 : vector<16xf32> to vector<1x16xf32>
        tpu.vector_store %arg14[%swap3A_414, %swap3A_415], %swap3A_418 {strides = array<i32>} : memref<112x144xf32, #tpu.memory_space<vmem>>, vector<1x16xf32>,
        %get3A_419 = arith.index_cast %add3A_377 : i32 to index
        %get3A_420 = arith.constant 32 : index
        %get3A_421 = tpu.vector_load %arg14[%get3A_419, %get3A_420] {strides = array<i32>} : memref<112x144xf32, #tpu.memory_space<vmem>>, vector<1x16xf32>,
        %get3A_422 = vector.shape_cast %get3A_421 : vector<1x16xf32> to vector<16xf32>
        %slice3A_423 = vector.extract_strided_slice %exp3A {offsets = [2], sizes = [1], strides = [1]} : vector<16xf32> to vector<1xf32>
        %squeeze3A_424 = vector.extract %slice3A_423[0] : f32 from vector<1xf32>
        %mul3A_425 = vector.broadcast %squeeze3A_424 : f32 to vector<16xf32>
        %mul3A_426 = arith.mulf %get3A_422, %mul3A_425 : vector<16xf32>
        %swap3A_427 = arith.index_cast %add3A_377 : i32 to index
        %swap3A_428 = arith.constant 32 : index
        %swap3A_429 = tpu.vector_load %arg14[%swap3A_427, %swap3A_428] {strides = array<i32>} : memref<112x144xf32, #tpu.memory_space<vmem>>, vector<1x16xf32>,
        %swap3A_430 = vector.shape_cast %swap3A_429 : vector<1x16xf32> to vector<16xf32>
        %swap3A_431 = vector.shape_cast %mul3A_426 : vector<16xf32> to vector<1x16xf32>
        tpu.vector_store %arg14[%swap3A_427, %swap3A_428], %swap3A_431 {strides = array<i32>} : memref<112x144xf32, #tpu.memory_space<vmem>>, vector<1x16xf32>,
        %get3A_432 = arith.index_cast %add3A_377 : i32 to index
        %get3A_433 = arith.constant 48 : index
        %get3A_434 = tpu.vector_load %arg14[%get3A_432, %get3A_433] {strides = array<i32>} : memref<112x144xf32, #tpu.memory_space<vmem>>, vector<1x16xf32>,
        %get3A_435 = vector.shape_cast %get3A_434 : vector<1x16xf32> to vector<16xf32>
        %slice3A_436 = vector.extract_strided_slice %exp3A {offsets = [3], sizes = [1], strides = [1]} : vector<16xf32> to vector<1xf32>
        %squeeze3A_437 = vector.extract %slice3A_436[0] : f32 from vector<1xf32>
        %mul3A_438 = vector.broadcast %squeeze3A_437 : f32 to vector<16xf32>
        %mul3A_439 = arith.mulf %get3A_435, %mul3A_438 : vector<16xf32>
        %swap3A_440 = arith.index_cast %add3A_377 : i32 to index
        %swap3A_441 = arith.constant 48 : index
        %swap3A_442 = tpu.vector_load %arg14[%swap3A_440, %swap3A_441] {strides = array<i32>} : memref<112x144xf32, #tpu.memory_space<vmem>>, vector<1x16xf32>,
        %swap3A_443 = vector.shape_cast %swap3A_442 : vector<1x16xf32> to vector<16xf32>
        %swap3A_444 = vector.shape_cast %mul3A_439 : vector<16xf32> to vector<1x16xf32>
        tpu.vector_store %arg14[%swap3A_440, %swap3A_441], %swap3A_444 {strides = array<i32>} : memref<112x144xf32, #tpu.memory_space<vmem>>, vector<1x16xf32>,
        %get3A_445 = arith.index_cast %add3A_377 : i32 to index
        %get3A_446 = arith.constant 64 : index
        %get3A_447 = tpu.vector_load %arg14[%get3A_445, %get3A_446] {strides = array<i32>} : memref<112x144xf32, #tpu.memory_space<vmem>>, vector<1x16xf32>,
        %get3A_448 = vector.shape_cast %get3A_447 : vector<1x16xf32> to vector<16xf32>
        %slice3A_449 = vector.extract_strided_slice %exp3A {offsets = [4], sizes = [1], strides = [1]} : vector<16xf32> to vector<1xf32>
        %squeeze3A_450 = vector.extract %slice3A_449[0] : f32 from vector<1xf32>
        %mul3A_451 = vector.broadcast %squeeze3A_450 : f32 to vector<16xf32>
        %mul3A_452 = arith.mulf %get3A_448, %mul3A_451 : vector<16xf32>
        %swap3A_453 = arith.index_cast %add3A_377 : i32 to index
        %swap3A_454 = arith.constant 64 : index
        %swap3A_455 = tpu.vector_load %arg14[%swap3A_453, %swap3A_454] {strides = array<i32>} : memref<112x144xf32, #tpu.memory_space<vmem>>, vector<1x16xf32>,
        %swap3A_456 = vector.shape_cast %swap3A_455 : vector<1x16xf32> to vector<16xf32>
        %swap3A_457 = vector.shape_cast %mul3A_452 : vector<16xf32> to vector<1x16xf32>
        tpu.vector_store %arg14[%swap3A_453, %swap3A_454], %swap3A_457 {strides = array<i32>} : memref<112x144xf32, #tpu.memory_space<vmem>>, vector<1x16xf32>,
        %get3A_458 = arith.index_cast %add3A_377 : i32 to index
        %get3A_459 = arith.constant 80 : index
        %get3A_460 = tpu.vector_load %arg14[%get3A_458, %get3A_459] {strides = array<i32>} : memref<112x144xf32, #tpu.memory_space<vmem>>, vector<1x16xf32>,
        %get3A_461 = vector.shape_cast %get3A_460 : vector<1x16xf32> to vector<16xf32>
        %slice3A_462 = vector.extract_strided_slice %exp3A {offsets = [5], sizes = [1], strides = [1]} : vector<16xf32> to vector<1xf32>
        %squeeze3A_463 = vector.extract %slice3A_462[0] : f32 from vector<1xf32>
        %mul3A_464 = vector.broadcast %squeeze3A_463 : f32 to vector<16xf32>
        %mul3A_465 = arith.mulf %get3A_461, %mul3A_464 : vector<16xf32>
        %swap3A_466 = arith.index_cast %add3A_377 : i32 to index
        %swap3A_467 = arith.constant 80 : index
        %swap3A_468 = tpu.vector_load %arg14[%swap3A_466, %swap3A_467] {strides = array<i32>} : memref<112x144xf32, #tpu.memory_space<vmem>>, vector<1x16xf32>,
        %swap3A_469 = vector.shape_cast %swap3A_468 : vector<1x16xf32> to vector<16xf32>
        %swap3A_470 = vector.shape_cast %mul3A_465 : vector<16xf32> to vector<1x16xf32>
        tpu.vector_store %arg14[%swap3A_466, %swap3A_467], %swap3A_470 {strides = array<i32>} : memref<112x144xf32, #tpu.memory_space<vmem>>, vector<1x16xf32>,
        %get3A_471 = arith.index_cast %add3A_377 : i32 to index
        %get3A_472 = arith.constant 96 : index
        %get3A_473 = tpu.vector_load %arg14[%get3A_471, %get3A_472] {strides = array<i32>} : memref<112x144xf32, #tpu.memory_space<vmem>>, vector<1x16xf32>,
        %get3A_474 = vector.shape_cast %get3A_473 : vector<1x16xf32> to vector<16xf32>
        %slice3A_475 = vector.extract_strided_slice %exp3A {offsets = [6], sizes = [1], strides = [1]} : vector<16xf32> to vector<1xf32>
        %squeeze3A_476 = vector.extract %slice3A_475[0] : f32 from vector<1xf32>
        %mul3A_477 = vector.broadcast %squeeze3A_476 : f32 to vector<16xf32>
        %mul3A_478 = arith.mulf %get3A_474, %mul3A_477 : vector<16xf32>
        %swap3A_479 = arith.index_cast %add3A_377 : i32 to index
        %swap3A_480 = arith.constant 96 : index
        %swap3A_481 = tpu.vector_load %arg14[%swap3A_479, %swap3A_480] {strides = array<i32>} : memref<112x144xf32, #tpu.memory_space<vmem>>, vector<1x16xf32>,
        %swap3A_482 = vector.shape_cast %swap3A_481 : vector<1x16xf32> to vector<16xf32>
        %swap3A_483 = vector.shape_cast %mul3A_478 : vector<16xf32> to vector<1x16xf32>
        tpu.vector_store %arg14[%swap3A_479, %swap3A_480], %swap3A_483 {strides = array<i32>} : memref<112x144xf32, #tpu.memory_space<vmem>>, vector<1x16xf32>,
        %get3A_484 = arith.index_cast %add3A_377 : i32 to index
        %get3A_485 = arith.constant 112 : index
        %get3A_486 = tpu.vector_load %arg14[%get3A_484, %get3A_485] {strides = array<i32>} : memref<112x144xf32, #tpu.memory_space<vmem>>, vector<1x16xf32>,
        %get3A_487 = vector.shape_cast %get3A_486 : vector<1x16xf32> to vector<16xf32>
        %slice3A_488 = vector.extract_strided_slice %exp3A {offsets = [7], sizes = [1], strides = [1]} : vector<16xf32> to vector<1xf32>
        %squeeze3A_489 = vector.extract %slice3A_488[0] : f32 from vector<1xf32>
        %mul3A_490 = vector.broadcast %squeeze3A_489 : f32 to vector<16xf32>
        %mul3A_491 = arith.mulf %get3A_487, %mul3A_490 : vector<16xf32>
        %swap3A_492 = arith.index_cast %add3A_377 : i32 to index
        %swap3A_493 = arith.constant 112 : index
        %swap3A_494 = tpu.vector_load %arg14[%swap3A_492, %swap3A_493] {strides = array<i32>} : memref<112x144xf32, #tpu.memory_space<vmem>>, vector<1x16xf32>,
        %swap3A_495 = vector.shape_cast %swap3A_494 : vector<1x16xf32> to vector<16xf32>
        %swap3A_496 = vector.shape_cast %mul3A_491 : vector<16xf32> to vector<1x16xf32>
        tpu.vector_store %arg14[%swap3A_492, %swap3A_493], %swap3A_496 {strides = array<i32>} : memref<112x144xf32, #tpu.memory_space<vmem>>, vector<1x16xf32>,
        %scan3A_497 = arith.constant 1 : i32
        %scan3A_498 = arith.addi %scan3A_373, %scan3A_497 : i32
        %mul3A_499 = arith.constant 1 : i32
        %mul3A_500 = arith.muli %scan3A_498, %mul3A_499 : i32
        %add3A_501 = arith.constant 0 : i32
        %add3A_502 = arith.addi %add3A_501, %mul3A_500 : i32
        %get3A_503 = arith.index_cast %add3A_502 : i32 to index
        %get3A_504 = arith.constant 128 : index
        %get3A_505 = tpu.vector_load %arg14[%get3A_503, %get3A_504] {strides = array<i32>} : memref<112x144xf32, #tpu.memory_space<vmem>>, vector<1x16xf32>,
        %get3A_506 = vector.shape_cast %get3A_505 : vector<1x16xf32> to vector<16xf32>
        %get3A_507 = arith.index_cast %add3A_502 : i32 to index
        %get3A_508 = arith.constant 0 : index
        %get3A_509 = tpu.vector_load %arg12[%get3A_507, %get3A_508] {strides = array<i32>} : memref<112x16xf32, #tpu.memory_space<vmem>>, vector<1x16xf32>,
        %get3A_510 = vector.shape_cast %get3A_509 : vector<1x16xf32> to vector<16xf32>
        %add3A_511 = arith.addf %get3A_506, %get3A_510 : vector<16xf32>
        %mul3A_512 = arith.constant 2.000000e-01 : f32
        %mul3A_513 = vector.broadcast %mul3A_512 : f32 to vector<16xf32>
        %mul3A_514 = arith.mulf %mul3A_513, %add3A_511 : vector<16xf32>
        %max3A_515 = arith.maximumf %add3A_511, %mul3A_514 : vector<16xf32>
        %sub3A_516 = arith.subf %max3A_515, %get3A_11 : vector<16xf32>
        %exp3A_517 = math.exp %sub3A_516 : vector<16xf32>
        %swap3A_518 = arith.index_cast %add3A_502 : i32 to index
        %swap3A_519 = arith.constant 128 : index
        %swap3A_520 = tpu.vector_load %arg14[%swap3A_518, %swap3A_519] {strides = array<i32>} : memref<112x144xf32, #tpu.memory_space<vmem>>, vector<1x16xf32>,
        %swap3A_521 = vector.shape_cast %swap3A_520 : vector<1x16xf32> to vector<16xf32>
        %swap3A_522 = vector.shape_cast %exp3A_517 : vector<16xf32> to vector<1x16xf32>
        tpu.vector_store %arg14[%swap3A_518, %swap3A_519], %swap3A_522 {strides = array<i32>} : memref<112x144xf32, #tpu.memory_space<vmem>>, vector<1x16xf32>,
        %get3A_523 = arith.index_cast %add3A_502 : i32 to index
        %get3A_524 = arith.constant 0 : index
        %get3A_525 = tpu.vector_load %arg14[%get3A_523, %get3A_524] {strides = array<i32>} : memref<112x144xf32, #tpu.memory_space<vmem>>, vector<1x16xf32>,
        %get3A_526 = vector.shape_cast %get3A_525 : vector<1x16xf32> to vector<16xf32>
        %slice3A_527 = vector.extract_strided_slice %exp3A_517 {offsets = [0], sizes = [1], strides = [1]} : vector<16xf32> to vector<1xf32>
        %squeeze3A_528 = vector.extract %slice3A_527[0] : f32 from vector<1xf32>
        %mul3A_529 = vector.broadcast %squeeze3A_528 : f32 to vector<16xf32>
        %mul3A_530 = arith.mulf %get3A_526, %mul3A_529 : vector<16xf32>
        %swap3A_531 = arith.index_cast %add3A_502 : i32 to index
        %swap3A_532 = arith.constant 0 : index
        %swap3A_533 = tpu.vector_load %arg14[%swap3A_531, %swap3A_532] {strides = array<i32>} : memref<112x144xf32, #tpu.memory_space<vmem>>, vector<1x16xf32>,
        %swap3A_534 = vector.shape_cast %swap3A_533 : vector<1x16xf32> to vector<16xf32>
        %swap3A_535 = vector.shape_cast %mul3A_530 : vector<16xf32> to vector<1x16xf32>
        tpu.vector_store %arg14[%swap3A_531, %swap3A_532], %swap3A_535 {strides = array<i32>} : memref<112x144xf32, #tpu.memory_space<vmem>>, vector<1x16xf32>,
        %get3A_536 = arith.index_cast %add3A_502 : i32 to index
        %get3A_537 = arith.constant 16 : index
        %get3A_538 = tpu.vector_load %arg14[%get3A_536, %get3A_537] {strides = array<i32>} : memref<112x144xf32, #tpu.memory_space<vmem>>, vector<1x16xf32>,
        %get3A_539 = vector.shape_cast %get3A_538 : vector<1x16xf32> to vector<16xf32>
        %slice3A_540 = vector.extract_strided_slice %exp3A_517 {offsets = [1], sizes = [1], strides = [1]} : vector<16xf32> to vector<1xf32>
        %squeeze3A_541 = vector.extract %slice3A_540[0] : f32 from vector<1xf32>
        %mul3A_542 = vector.broadcast %squeeze3A_541 : f32 to vector<16xf32>
        %mul3A_543 = arith.mulf %get3A_539, %mul3A_542 : vector<16xf32>
        %swap3A_544 = arith.index_cast %add3A_502 : i32 to index
        %swap3A_545 = arith.constant 16 : index
        %swap3A_546 = tpu.vector_load %arg14[%swap3A_544, %swap3A_545] {strides = array<i32>} : memref<112x144xf32, #tpu.memory_space<vmem>>, vector<1x16xf32>,
        %swap3A_547 = vector.shape_cast %swap3A_546 : vector<1x16xf32> to vector<16xf32>
        %swap3A_548 = vector.shape_cast %mul3A_543 : vector<16xf32> to vector<1x16xf32>
        tpu.vector_store %arg14[%swap3A_544, %swap3A_545], %swap3A_548 {strides = array<i32>} : memref<112x144xf32, #tpu.memory_space<vmem>>, vector<1x16xf32>,
        %get3A_549 = arith.index_cast %add3A_502 : i32 to index
        %get3A_550 = arith.constant 32 : index
        %get3A_551 = tpu.vector_load %arg14[%get3A_549, %get3A_550] {strides = array<i32>} : memref<112x144xf32, #tpu.memory_space<vmem>>, vector<1x16xf32>,
        %get3A_552 = vector.shape_cast %get3A_551 : vector<1x16xf32> to vector<16xf32>
        %slice3A_553 = vector.extract_strided_slice %exp3A_517 {offsets = [2], sizes = [1], strides = [1]} : vector<16xf32> to vector<1xf32>
        %squeeze3A_554 = vector.extract %slice3A_553[0] : f32 from vector<1xf32>
        %mul3A_555 = vector.broadcast %squeeze3A_554 : f32 to vector<16xf32>
        %mul3A_556 = arith.mulf %get3A_552, %mul3A_555 : vector<16xf32>
        %swap3A_557 = arith.index_cast %add3A_502 : i32 to index
        %swap3A_558 = arith.constant 32 : index
        %swap3A_559 = tpu.vector_load %arg14[%swap3A_557, %swap3A_558] {strides = array<i32>} : memref<112x144xf32, #tpu.memory_space<vmem>>, vector<1x16xf32>,
        %swap3A_560 = vector.shape_cast %swap3A_559 : vector<1x16xf32> to vector<16xf32>
        %swap3A_561 = vector.shape_cast %mul3A_556 : vector<16xf32> to vector<1x16xf32>
        tpu.vector_store %arg14[%swap3A_557, %swap3A_558], %swap3A_561 {strides = array<i32>} : memref<112x144xf32, #tpu.memory_space<vmem>>, vector<1x16xf32>,
        %get3A_562 = arith.index_cast %add3A_502 : i32 to index
        %get3A_563 = arith.constant 48 : index
        %get3A_564 = tpu.vector_load %arg14[%get3A_562, %get3A_563] {strides = array<i32>} : memref<112x144xf32, #tpu.memory_space<vmem>>, vector<1x16xf32>,
        %get3A_565 = vector.shape_cast %get3A_564 : vector<1x16xf32> to vector<16xf32>
        %slice3A_566 = vector.extract_strided_slice %exp3A_517 {offsets = [3], sizes = [1], strides = [1]} : vector<16xf32> to vector<1xf32>
        %squeeze3A_567 = vector.extract %slice3A_566[0] : f32 from vector<1xf32>
        %mul3A_568 = vector.broadcast %squeeze3A_567 : f32 to vector<16xf32>
        %mul3A_569 = arith.mulf %get3A_565, %mul3A_568 : vector<16xf32>
        %swap3A_570 = arith.index_cast %add3A_502 : i32 to index
        %swap3A_571 = arith.constant 48 : index
        %swap3A_572 = tpu.vector_load %arg14[%swap3A_570, %swap3A_571] {strides = array<i32>} : memref<112x144xf32, #tpu.memory_space<vmem>>, vector<1x16xf32>,
        %swap3A_573 = vector.shape_cast %swap3A_572 : vector<1x16xf32> to vector<16xf32>
        %swap3A_574 = vector.shape_cast %mul3A_569 : vector<16xf32> to vector<1x16xf32>
        tpu.vector_store %arg14[%swap3A_570, %swap3A_571], %swap3A_574 {strides = array<i32>} : memref<112x144xf32, #tpu.memory_space<vmem>>, vector<1x16xf32>,
        %get3A_575 = arith.index_cast %add3A_502 : i32 to index
        %get3A_576 = arith.constant 64 : index
        %get3A_577 = tpu.vector_load %arg14[%get3A_575, %get3A_576] {strides = array<i32>} : memref<112x144xf32, #tpu.memory_space<vmem>>, vector<1x16xf32>,
        %get3A_578 = vector.shape_cast %get3A_577 : vector<1x16xf32> to vector<16xf32>
        %slice3A_579 = vector.extract_strided_slice %exp3A_517 {offsets = [4], sizes = [1], strides = [1]} : vector<16xf32> to vector<1xf32>
        %squeeze3A_580 = vector.extract %slice3A_579[0] : f32 from vector<1xf32>
        %mul3A_581 = vector.broadcast %squeeze3A_580 : f32 to vector<16xf32>
        %mul3A_582 = arith.mulf %get3A_578, %mul3A_581 : vector<16xf32>
        %swap3A_583 = arith.index_cast %add3A_502 : i32 to index
        %swap3A_584 = arith.constant 64 : index
        %swap3A_585 = tpu.vector_load %arg14[%swap3A_583, %swap3A_584] {strides = array<i32>} : memref<112x144xf32, #tpu.memory_space<vmem>>, vector<1x16xf32>,
        %swap3A_586 = vector.shape_cast %swap3A_585 : vector<1x16xf32> to vector<16xf32>
        %swap3A_587 = vector.shape_cast %mul3A_582 : vector<16xf32> to vector<1x16xf32>
        tpu.vector_store %arg14[%swap3A_583, %swap3A_584], %swap3A_587 {strides = array<i32>} : memref<112x144xf32, #tpu.memory_space<vmem>>, vector<1x16xf32>,
        %get3A_588 = arith.index_cast %add3A_502 : i32 to index
        %get3A_589 = arith.constant 80 : index
        %get3A_590 = tpu.vector_load %arg14[%get3A_588, %get3A_589] {strides = array<i32>} : memref<112x144xf32, #tpu.memory_space<vmem>>, vector<1x16xf32>,
        %get3A_591 = vector.shape_cast %get3A_590 : vector<1x16xf32> to vector<16xf32>
        %slice3A_592 = vector.extract_strided_slice %exp3A_517 {offsets = [5], sizes = [1], strides = [1]} : vector<16xf32> to vector<1xf32>
        %squeeze3A_593 = vector.extract %slice3A_592[0] : f32 from vector<1xf32>
        %mul3A_594 = vector.broadcast %squeeze3A_593 : f32 to vector<16xf32>
        %mul3A_595 = arith.mulf %get3A_591, %mul3A_594 : vector<16xf32>
        %swap3A_596 = arith.index_cast %add3A_502 : i32 to index
        %swap3A_597 = arith.constant 80 : index
        %swap3A_598 = tpu.vector_load %arg14[%swap3A_596, %swap3A_597] {strides = array<i32>} : memref<112x144xf32, #tpu.memory_space<vmem>>, vector<1x16xf32>,
        %swap3A_599 = vector.shape_cast %swap3A_598 : vector<1x16xf32> to vector<16xf32>
        %swap3A_600 = vector.shape_cast %mul3A_595 : vector<16xf32> to vector<1x16xf32>
        tpu.vector_store %arg14[%swap3A_596, %swap3A_597], %swap3A_600 {strides = array<i32>} : memref<112x144xf32, #tpu.memory_space<vmem>>, vector<1x16xf32>,
        %get3A_601 = arith.index_cast %add3A_502 : i32 to index
        %get3A_602 = arith.constant 96 : index
        %get3A_603 = tpu.vector_load %arg14[%get3A_601, %get3A_602] {strides = array<i32>} : memref<112x144xf32, #tpu.memory_space<vmem>>, vector<1x16xf32>,
        %get3A_604 = vector.shape_cast %get3A_603 : vector<1x16xf32> to vector<16xf32>
        %slice3A_605 = vector.extract_strided_slice %exp3A_517 {offsets = [6], sizes = [1], strides = [1]} : vector<16xf32> to vector<1xf32>
        %squeeze3A_606 = vector.extract %slice3A_605[0] : f32 from vector<1xf32>
        %mul3A_607 = vector.broadcast %squeeze3A_606 : f32 to vector<16xf32>
        %mul3A_608 = arith.mulf %get3A_604, %mul3A_607 : vector<16xf32>
        %swap3A_609 = arith.index_cast %add3A_502 : i32 to index
        %swap3A_610 = arith.constant 96 : index
        %swap3A_611 = tpu.vector_load %arg14[%swap3A_609, %swap3A_610] {strides = array<i32>} : memref<112x144xf32, #tpu.memory_space<vmem>>, vector<1x16xf32>,
        %swap3A_612 = vector.shape_cast %swap3A_611 : vector<1x16xf32> to vector<16xf32>
        %swap3A_613 = vector.shape_cast %mul3A_608 : vector<16xf32> to vector<1x16xf32>
        tpu.vector_store %arg14[%swap3A_609, %swap3A_610], %swap3A_613 {strides = array<i32>} : memref<112x144xf32, #tpu.memory_space<vmem>>, vector<1x16xf32>,
        %get3A_614 = arith.index_cast %add3A_502 : i32 to index
        %get3A_615 = arith.constant 112 : index
        %get3A_616 = tpu.vector_load %arg14[%get3A_614, %get3A_615] {strides = array<i32>} : memref<112x144xf32, #tpu.memory_space<vmem>>, vector<1x16xf32>,
        %get3A_617 = vector.shape_cast %get3A_616 : vector<1x16xf32> to vector<16xf32>
        %slice3A_618 = vector.extract_strided_slice %exp3A_517 {offsets = [7], sizes = [1], strides = [1]} : vector<16xf32> to vector<1xf32>
        %squeeze3A_619 = vector.extract %slice3A_618[0] : f32 from vector<1xf32>
        %mul3A_620 = vector.broadcast %squeeze3A_619 : f32 to vector<16xf32>
        %mul3A_621 = arith.mulf %get3A_617, %mul3A_620 : vector<16xf32>
        %swap3A_622 = arith.index_cast %add3A_502 : i32 to index
        %swap3A_623 = arith.constant 112 : index
        %swap3A_624 = tpu.vector_load %arg14[%swap3A_622, %swap3A_623] {strides = array<i32>} : memref<112x144xf32, #tpu.memory_space<vmem>>, vector<1x16xf32>,
        %swap3A_625 = vector.shape_cast %swap3A_624 : vector<1x16xf32> to vector<16xf32>
        %swap3A_626 = vector.shape_cast %mul3A_621 : vector<16xf32> to vector<1x16xf32>
        tpu.vector_store %arg14[%swap3A_622, %swap3A_623], %swap3A_626 {strides = array<i32>} : memref<112x144xf32, #tpu.memory_space<vmem>>, vector<1x16xf32>,
        %scan3A_627 = arith.constant 2 : i32
        %scan3A_628 = arith.addi %scan3A_373, %scan3A_627 : i32
        %mul3A_629 = arith.constant 1 : i32
        %mul3A_630 = arith.muli %scan3A_628, %mul3A_629 : i32
        %add3A_631 = arith.constant 0 : i32
        %add3A_632 = arith.addi %add3A_631, %mul3A_630 : i32
        %get3A_633 = arith.index_cast %add3A_632 : i32 to index
        %get3A_634 = arith.constant 128 : index
        %get3A_635 = tpu.vector_load %arg14[%get3A_633, %get3A_634] {strides = array<i32>} : memref<112x144xf32, #tpu.memory_space<vmem>>, vector<1x16xf32>,
        %get3A_636 = vector.shape_cast %get3A_635 : vector<1x16xf32> to vector<16xf32>
        %get3A_637 = arith.index_cast %add3A_632 : i32 to index
        %get3A_638 = arith.constant 0 : index
        %get3A_639 = tpu.vector_load %arg12[%get3A_637, %get3A_638] {strides = array<i32>} : memref<112x16xf32, #tpu.memory_space<vmem>>, vector<1x16xf32>,
        %get3A_640 = vector.shape_cast %get3A_639 : vector<1x16xf32> to vector<16xf32>
        %add3A_641 = arith.addf %get3A_636, %get3A_640 : vector<16xf32>
        %mul3A_642 = arith.constant 2.000000e-01 : f32
        %mul3A_643 = vector.broadcast %mul3A_642 : f32 to vector<16xf32>
        %mul3A_644 = arith.mulf %mul3A_643, %add3A_641 : vector<16xf32>
        %max3A_645 = arith.maximumf %add3A_641, %mul3A_644 : vector<16xf32>
        %sub3A_646 = arith.subf %max3A_645, %get3A_11 : vector<16xf32>
        %exp3A_647 = math.exp %sub3A_646 : vector<16xf32>
        %swap3A_648 = arith.index_cast %add3A_632 : i32 to index
        %swap3A_649 = arith.constant 128 : index
        %swap3A_650 = tpu.vector_load %arg14[%swap3A_648, %swap3A_649] {strides = array<i32>} : memref<112x144xf32, #tpu.memory_space<vmem>>, vector<1x16xf32>,
        %swap3A_651 = vector.shape_cast %swap3A_650 : vector<1x16xf32> to vector<16xf32>
        %swap3A_652 = vector.shape_cast %exp3A_647 : vector<16xf32> to vector<1x16xf32>
        tpu.vector_store %arg14[%swap3A_648, %swap3A_649], %swap3A_652 {strides = array<i32>} : memref<112x144xf32, #tpu.memory_space<vmem>>, vector<1x16xf32>,
        %get3A_653 = arith.index_cast %add3A_632 : i32 to index
        %get3A_654 = arith.constant 0 : index
        %get3A_655 = tpu.vector_load %arg14[%get3A_653, %get3A_654] {strides = array<i32>} : memref<112x144xf32, #tpu.memory_space<vmem>>, vector<1x16xf32>,
        %get3A_656 = vector.shape_cast %get3A_655 : vector<1x16xf32> to vector<16xf32>
        %slice3A_657 = vector.extract_strided_slice %exp3A_647 {offsets = [0], sizes = [1], strides = [1]} : vector<16xf32> to vector<1xf32>
        %squeeze3A_658 = vector.extract %slice3A_657[0] : f32 from vector<1xf32>
        %mul3A_659 = vector.broadcast %squeeze3A_658 : f32 to vector<16xf32>
        %mul3A_660 = arith.mulf %get3A_656, %mul3A_659 : vector<16xf32>
        %swap3A_661 = arith.index_cast %add3A_632 : i32 to index
        %swap3A_662 = arith.constant 0 : index
        %swap3A_663 = tpu.vector_load %arg14[%swap3A_661, %swap3A_662] {strides = array<i32>} : memref<112x144xf32, #tpu.memory_space<vmem>>, vector<1x16xf32>,
        %swap3A_664 = vector.shape_cast %swap3A_663 : vector<1x16xf32> to vector<16xf32>
        %swap3A_665 = vector.shape_cast %mul3A_660 : vector<16xf32> to vector<1x16xf32>
        tpu.vector_store %arg14[%swap3A_661, %swap3A_662], %swap3A_665 {strides = array<i32>} : memref<112x144xf32, #tpu.memory_space<vmem>>, vector<1x16xf32>,
        %get3A_666 = arith.index_cast %add3A_632 : i32 to index
        %get3A_667 = arith.constant 16 : index
        %get3A_668 = tpu.vector_load %arg14[%get3A_666, %get3A_667] {strides = array<i32>} : memref<112x144xf32, #tpu.memory_space<vmem>>, vector<1x16xf32>,
        %get3A_669 = vector.shape_cast %get3A_668 : vector<1x16xf32> to vector<16xf32>
        %slice3A_670 = vector.extract_strided_slice %exp3A_647 {offsets = [1], sizes = [1], strides = [1]} : vector<16xf32> to vector<1xf32>
        %squeeze3A_671 = vector.extract %slice3A_670[0] : f32 from vector<1xf32>
        %mul3A_672 = vector.broadcast %squeeze3A_671 : f32 to vector<16xf32>
        %mul3A_673 = arith.mulf %get3A_669, %mul3A_672 : vector<16xf32>
        %swap3A_674 = arith.index_cast %add3A_632 : i32 to index
        %swap3A_675 = arith.constant 16 : index
        %swap3A_676 = tpu.vector_load %arg14[%swap3A_674, %swap3A_675] {strides = array<i32>} : memref<112x144xf32, #tpu.memory_space<vmem>>, vector<1x16xf32>,
        %swap3A_677 = vector.shape_cast %swap3A_676 : vector<1x16xf32> to vector<16xf32>
        %swap3A_678 = vector.shape_cast %mul3A_673 : vector<16xf32> to vector<1x16xf32>
        tpu.vector_store %arg14[%swap3A_674, %swap3A_675], %swap3A_678 {strides = array<i32>} : memref<112x144xf32, #tpu.memory_space<vmem>>, vector<1x16xf32>,
        %get3A_679 = arith.index_cast %add3A_632 : i32 to index
        %get3A_680 = arith.constant 32 : index
        %get3A_681 = tpu.vector_load %arg14[%get3A_679, %get3A_680] {strides = array<i32>} : memref<112x144xf32, #tpu.memory_space<vmem>>, vector<1x16xf32>,
        %get3A_682 = vector.shape_cast %get3A_681 : vector<1x16xf32> to vector<16xf32>
        %slice3A_683 = vector.extract_strided_slice %exp3A_647 {offsets = [2], sizes = [1], strides = [1]} : vector<16xf32> to vector<1xf32>
        %squeeze3A_684 = vector.extract %slice3A_683[0] : f32 from vector<1xf32>
        %mul3A_685 = vector.broadcast %squeeze3A_684 : f32 to vector<16xf32>
        %mul3A_686 = arith.mulf %get3A_682, %mul3A_685 : vector<16xf32>
        %swap3A_687 = arith.index_cast %add3A_632 : i32 to index
        %swap3A_688 = arith.constant 32 : index
        %swap3A_689 = tpu.vector_load %arg14[%swap3A_687, %swap3A_688] {strides = array<i32>} : memref<112x144xf32, #tpu.memory_space<vmem>>, vector<1x16xf32>,
        %swap3A_690 = vector.shape_cast %swap3A_689 : vector<1x16xf32> to vector<16xf32>
        %swap3A_691 = vector.shape_cast %mul3A_686 : vector<16xf32> to vector<1x16xf32>
        tpu.vector_store %arg14[%swap3A_687, %swap3A_688], %swap3A_691 {strides = array<i32>} : memref<112x144xf32, #tpu.memory_space<vmem>>, vector<1x16xf32>,
        %get3A_692 = arith.index_cast %add3A_632 : i32 to index
        %get3A_693 = arith.constant 48 : index
        %get3A_694 = tpu.vector_load %arg14[%get3A_692, %get3A_693] {strides = array<i32>} : memref<112x144xf32, #tpu.memory_space<vmem>>, vector<1x16xf32>,
        %get3A_695 = vector.shape_cast %get3A_694 : vector<1x16xf32> to vector<16xf32>
        %slice3A_696 = vector.extract_strided_slice %exp3A_647 {offsets = [3], sizes = [1], strides = [1]} : vector<16xf32> to vector<1xf32>
        %squeeze3A_697 = vector.extract %slice3A_696[0] : f32 from vector<1xf32>
        %mul3A_698 = vector.broadcast %squeeze3A_697 : f32 to vector<16xf32>
        %mul3A_699 = arith.mulf %get3A_695, %mul3A_698 : vector<16xf32>
        %swap3A_700 = arith.index_cast %add3A_632 : i32 to index
        %swap3A_701 = arith.constant 48 : index
        %swap3A_702 = tpu.vector_load %arg14[%swap3A_700, %swap3A_701] {strides = array<i32>} : memref<112x144xf32, #tpu.memory_space<vmem>>, vector<1x16xf32>,
        %swap3A_703 = vector.shape_cast %swap3A_702 : vector<1x16xf32> to vector<16xf32>
        %swap3A_704 = vector.shape_cast %mul3A_699 : vector<16xf32> to vector<1x16xf32>
        tpu.vector_store %arg14[%swap3A_700, %swap3A_701], %swap3A_704 {strides = array<i32>} : memref<112x144xf32, #tpu.memory_space<vmem>>, vector<1x16xf32>,
        %get3A_705 = arith.index_cast %add3A_632 : i32 to index
        %get3A_706 = arith.constant 64 : index
        %get3A_707 = tpu.vector_load %arg14[%get3A_705, %get3A_706] {strides = array<i32>} : memref<112x144xf32, #tpu.memory_space<vmem>>, vector<1x16xf32>,
        %get3A_708 = vector.shape_cast %get3A_707 : vector<1x16xf32> to vector<16xf32>
        %slice3A_709 = vector.extract_strided_slice %exp3A_647 {offsets = [4], sizes = [1], strides = [1]} : vector<16xf32> to vector<1xf32>
        %squeeze3A_710 = vector.extract %slice3A_709[0] : f32 from vector<1xf32>
        %mul3A_711 = vector.broadcast %squeeze3A_710 : f32 to vector<16xf32>
        %mul3A_712 = arith.mulf %get3A_708, %mul3A_711 : vector<16xf32>
        %swap3A_713 = arith.index_cast %add3A_632 : i32 to index
        %swap3A_714 = arith.constant 64 : index
        %swap3A_715 = tpu.vector_load %arg14[%swap3A_713, %swap3A_714] {strides = array<i32>} : memref<112x144xf32, #tpu.memory_space<vmem>>, vector<1x16xf32>,
        %swap3A_716 = vector.shape_cast %swap3A_715 : vector<1x16xf32> to vector<16xf32>
        %swap3A_717 = vector.shape_cast %mul3A_712 : vector<16xf32> to vector<1x16xf32>
        tpu.vector_store %arg14[%swap3A_713, %swap3A_714], %swap3A_717 {strides = array<i32>} : memref<112x144xf32, #tpu.memory_space<vmem>>, vector<1x16xf32>,
        %get3A_718 = arith.index_cast %add3A_632 : i32 to index
        %get3A_719 = arith.constant 80 : index
        %get3A_720 = tpu.vector_load %arg14[%get3A_718, %get3A_719] {strides = array<i32>} : memref<112x144xf32, #tpu.memory_space<vmem>>, vector<1x16xf32>,
        %get3A_721 = vector.shape_cast %get3A_720 : vector<1x16xf32> to vector<16xf32>
        %slice3A_722 = vector.extract_strided_slice %exp3A_647 {offsets = [5], sizes = [1], strides = [1]} : vector<16xf32> to vector<1xf32>
        %squeeze3A_723 = vector.extract %slice3A_722[0] : f32 from vector<1xf32>
        %mul3A_724 = vector.broadcast %squeeze3A_723 : f32 to vector<16xf32>
        %mul3A_725 = arith.mulf %get3A_721, %mul3A_724 : vector<16xf32>
        %swap3A_726 = arith.index_cast %add3A_632 : i32 to index
        %swap3A_727 = arith.constant 80 : index
        %swap3A_728 = tpu.vector_load %arg14[%swap3A_726, %swap3A_727] {strides = array<i32>} : memref<112x144xf32, #tpu.memory_space<vmem>>, vector<1x16xf32>,
        %swap3A_729 = vector.shape_cast %swap3A_728 : vector<1x16xf32> to vector<16xf32>
        %swap3A_730 = vector.shape_cast %mul3A_725 : vector<16xf32> to vector<1x16xf32>
        tpu.vector_store %arg14[%swap3A_726, %swap3A_727], %swap3A_730 {strides = array<i32>} : memref<112x144xf32, #tpu.memory_space<vmem>>, vector<1x16xf32>,
        %get3A_731 = arith.index_cast %add3A_632 : i32 to index
        %get3A_732 = arith.constant 96 : index
        %get3A_733 = tpu.vector_load %arg14[%get3A_731, %get3A_732] {strides = array<i32>} : memref<112x144xf32, #tpu.memory_space<vmem>>, vector<1x16xf32>,
        %get3A_734 = vector.shape_cast %get3A_733 : vector<1x16xf32> to vector<16xf32>
        %slice3A_735 = vector.extract_strided_slice %exp3A_647 {offsets = [6], sizes = [1], strides = [1]} : vector<16xf32> to vector<1xf32>
        %squeeze3A_736 = vector.extract %slice3A_735[0] : f32 from vector<1xf32>
        %mul3A_737 = vector.broadcast %squeeze3A_736 : f32 to vector<16xf32>
        %mul3A_738 = arith.mulf %get3A_734, %mul3A_737 : vector<16xf32>
        %swap3A_739 = arith.index_cast %add3A_632 : i32 to index
        %swap3A_740 = arith.constant 96 : index
        %swap3A_741 = tpu.vector_load %arg14[%swap3A_739, %swap3A_740] {strides = array<i32>} : memref<112x144xf32, #tpu.memory_space<vmem>>, vector<1x16xf32>,
        %swap3A_742 = vector.shape_cast %swap3A_741 : vector<1x16xf32> to vector<16xf32>
        %swap3A_743 = vector.shape_cast %mul3A_738 : vector<16xf32> to vector<1x16xf32>
        tpu.vector_store %arg14[%swap3A_739, %swap3A_740], %swap3A_743 {strides = array<i32>} : memref<112x144xf32, #tpu.memory_space<vmem>>, vector<1x16xf32>,
        %get3A_744 = arith.index_cast %add3A_632 : i32 to index
        %get3A_745 = arith.constant 112 : index
        %get3A_746 = tpu.vector_load %arg14[%get3A_744, %get3A_745] {strides = array<i32>} : memref<112x144xf32, #tpu.memory_space<vmem>>, vector<1x16xf32>,
        %get3A_747 = vector.shape_cast %get3A_746 : vector<1x16xf32> to vector<16xf32>
        %slice3A_748 = vector.extract_strided_slice %exp3A_647 {offsets = [7], sizes = [1], strides = [1]} : vector<16xf32> to vector<1xf32>
        %squeeze3A_749 = vector.extract %slice3A_748[0] : f32 from vector<1xf32>
        %mul3A_750 = vector.broadcast %squeeze3A_749 : f32 to vector<16xf32>
        %mul3A_751 = arith.mulf %get3A_747, %mul3A_750 : vector<16xf32>
        %swap3A_752 = arith.index_cast %add3A_632 : i32 to index
        %swap3A_753 = arith.constant 112 : index
        %swap3A_754 = tpu.vector_load %arg14[%swap3A_752, %swap3A_753] {strides = array<i32>} : memref<112x144xf32, #tpu.memory_space<vmem>>, vector<1x16xf32>,
        %swap3A_755 = vector.shape_cast %swap3A_754 : vector<1x16xf32> to vector<16xf32>
        %swap3A_756 = vector.shape_cast %mul3A_751 : vector<16xf32> to vector<1x16xf32>
        tpu.vector_store %arg14[%swap3A_752, %swap3A_753], %swap3A_756 {strides = array<i32>} : memref<112x144xf32, #tpu.memory_space<vmem>>, vector<1x16xf32>,
        %scan3A_757 = arith.constant 3 : i32
        %scan3A_758 = arith.addi %scan3A_373, %scan3A_757 : i32
        %mul3A_759 = arith.constant 1 : i32
        %mul3A_760 = arith.muli %scan3A_758, %mul3A_759 : i32
        %add3A_761 = arith.constant 0 : i32
        %add3A_762 = arith.addi %add3A_761, %mul3A_760 : i32
        %get3A_763 = arith.index_cast %add3A_762 : i32 to index
        %get3A_764 = arith.constant 128 : index
        %get3A_765 = tpu.vector_load %arg14[%get3A_763, %get3A_764] {strides = array<i32>} : memref<112x144xf32, #tpu.memory_space<vmem>>, vector<1x16xf32>,
        %get3A_766 = vector.shape_cast %get3A_765 : vector<1x16xf32> to vector<16xf32>
        %get3A_767 = arith.index_cast %add3A_762 : i32 to index
        %get3A_768 = arith.constant 0 : index
        %get3A_769 = tpu.vector_load %arg12[%get3A_767, %get3A_768] {strides = array<i32>} : memref<112x16xf32, #tpu.memory_space<vmem>>, vector<1x16xf32>,
        %get3A_770 = vector.shape_cast %get3A_769 : vector<1x16xf32> to vector<16xf32>
        %add3A_771 = arith.addf %get3A_766, %get3A_770 : vector<16xf32>
        %mul3A_772 = arith.constant 2.000000e-01 : f32
        %mul3A_773 = vector.broadcast %mul3A_772 : f32 to vector<16xf32>
        %mul3A_774 = arith.mulf %mul3A_773, %add3A_771 : vector<16xf32>
        %max3A_775 = arith.maximumf %add3A_771, %mul3A_774 : vector<16xf32>
        %sub3A_776 = arith.subf %max3A_775, %get3A_11 : vector<16xf32>
        %exp3A_777 = math.exp %sub3A_776 : vector<16xf32>
        %swap3A_778 = arith.index_cast %add3A_762 : i32 to index
        %swap3A_779 = arith.constant 128 : index
        %swap3A_780 = tpu.vector_load %arg14[%swap3A_778, %swap3A_779] {strides = array<i32>} : memref<112x144xf32, #tpu.memory_space<vmem>>, vector<1x16xf32>,
        %swap3A_781 = vector.shape_cast %swap3A_780 : vector<1x16xf32> to vector<16xf32>
        %swap3A_782 = vector.shape_cast %exp3A_777 : vector<16xf32> to vector<1x16xf32>
        tpu.vector_store %arg14[%swap3A_778, %swap3A_779], %swap3A_782 {strides = array<i32>} : memref<112x144xf32, #tpu.memory_space<vmem>>, vector<1x16xf32>,
        %get3A_783 = arith.index_cast %add3A_762 : i32 to index
        %get3A_784 = arith.constant 0 : index
        %get3A_785 = tpu.vector_load %arg14[%get3A_783, %get3A_784] {strides = array<i32>} : memref<112x144xf32, #tpu.memory_space<vmem>>, vector<1x16xf32>,
        %get3A_786 = vector.shape_cast %get3A_785 : vector<1x16xf32> to vector<16xf32>
        %slice3A_787 = vector.extract_strided_slice %exp3A_777 {offsets = [0], sizes = [1], strides = [1]} : vector<16xf32> to vector<1xf32>
        %squeeze3A_788 = vector.extract %slice3A_787[0] : f32 from vector<1xf32>
        %mul3A_789 = vector.broadcast %squeeze3A_788 : f32 to vector<16xf32>
        %mul3A_790 = arith.mulf %get3A_786, %mul3A_789 : vector<16xf32>
        %swap3A_791 = arith.index_cast %add3A_762 : i32 to index
        %swap3A_792 = arith.constant 0 : index
        %swap3A_793 = tpu.vector_load %arg14[%swap3A_791, %swap3A_792] {strides = array<i32>} : memref<112x144xf32, #tpu.memory_space<vmem>>, vector<1x16xf32>,
        %swap3A_794 = vector.shape_cast %swap3A_793 : vector<1x16xf32> to vector<16xf32>
        %swap3A_795 = vector.shape_cast %mul3A_790 : vector<16xf32> to vector<1x16xf32>
        tpu.vector_store %arg14[%swap3A_791, %swap3A_792], %swap3A_795 {strides = array<i32>} : memref<112x144xf32, #tpu.memory_space<vmem>>, vector<1x16xf32>,
        %get3A_796 = arith.index_cast %add3A_762 : i32 to index
        %get3A_797 = arith.constant 16 : index
        %get3A_798 = tpu.vector_load %arg14[%get3A_796, %get3A_797] {strides = array<i32>} : memref<112x144xf32, #tpu.memory_space<vmem>>, vector<1x16xf32>,
        %get3A_799 = vector.shape_cast %get3A_798 : vector<1x16xf32> to vector<16xf32>
        %slice3A_800 = vector.extract_strided_slice %exp3A_777 {offsets = [1], sizes = [1], strides = [1]} : vector<16xf32> to vector<1xf32>
        %squeeze3A_801 = vector.extract %slice3A_800[0] : f32 from vector<1xf32>
        %mul3A_802 = vector.broadcast %squeeze3A_801 : f32 to vector<16xf32>
        %mul3A_803 = arith.mulf %get3A_799, %mul3A_802 : vector<16xf32>
        %swap3A_804 = arith.index_cast %add3A_762 : i32 to index
        %swap3A_805 = arith.constant 16 : index
        %swap3A_806 = tpu.vector_load %arg14[%swap3A_804, %swap3A_805] {strides = array<i32>} : memref<112x144xf32, #tpu.memory_space<vmem>>, vector<1x16xf32>,
        %swap3A_807 = vector.shape_cast %swap3A_806 : vector<1x16xf32> to vector<16xf32>
        %swap3A_808 = vector.shape_cast %mul3A_803 : vector<16xf32> to vector<1x16xf32>
        tpu.vector_store %arg14[%swap3A_804, %swap3A_805], %swap3A_808 {strides = array<i32>} : memref<112x144xf32, #tpu.memory_space<vmem>>, vector<1x16xf32>,
        %get3A_809 = arith.index_cast %add3A_762 : i32 to index
        %get3A_810 = arith.constant 32 : index
        %get3A_811 = tpu.vector_load %arg14[%get3A_809, %get3A_810] {strides = array<i32>} : memref<112x144xf32, #tpu.memory_space<vmem>>, vector<1x16xf32>,
        %get3A_812 = vector.shape_cast %get3A_811 : vector<1x16xf32> to vector<16xf32>
        %slice3A_813 = vector.extract_strided_slice %exp3A_777 {offsets = [2], sizes = [1], strides = [1]} : vector<16xf32> to vector<1xf32>
        %squeeze3A_814 = vector.extract %slice3A_813[0] : f32 from vector<1xf32>
        %mul3A_815 = vector.broadcast %squeeze3A_814 : f32 to vector<16xf32>
        %mul3A_816 = arith.mulf %get3A_812, %mul3A_815 : vector<16xf32>
        %swap3A_817 = arith.index_cast %add3A_762 : i32 to index
        %swap3A_818 = arith.constant 32 : index
        %swap3A_819 = tpu.vector_load %arg14[%swap3A_817, %swap3A_818] {strides = array<i32>} : memref<112x144xf32, #tpu.memory_space<vmem>>, vector<1x16xf32>,
        %swap3A_820 = vector.shape_cast %swap3A_819 : vector<1x16xf32> to vector<16xf32>
        %swap3A_821 = vector.shape_cast %mul3A_816 : vector<16xf32> to vector<1x16xf32>
        tpu.vector_store %arg14[%swap3A_817, %swap3A_818], %swap3A_821 {strides = array<i32>} : memref<112x144xf32, #tpu.memory_space<vmem>>, vector<1x16xf32>,
        %get3A_822 = arith.index_cast %add3A_762 : i32 to index
        %get3A_823 = arith.constant 48 : index
        %get3A_824 = tpu.vector_load %arg14[%get3A_822, %get3A_823] {strides = array<i32>} : memref<112x144xf32, #tpu.memory_space<vmem>>, vector<1x16xf32>,
        %get3A_825 = vector.shape_cast %get3A_824 : vector<1x16xf32> to vector<16xf32>
        %slice3A_826 = vector.extract_strided_slice %exp3A_777 {offsets = [3], sizes = [1], strides = [1]} : vector<16xf32> to vector<1xf32>
        %squeeze3A_827 = vector.extract %slice3A_826[0] : f32 from vector<1xf32>
        %mul3A_828 = vector.broadcast %squeeze3A_827 : f32 to vector<16xf32>
        %mul3A_829 = arith.mulf %get3A_825, %mul3A_828 : vector<16xf32>
        %swap3A_830 = arith.index_cast %add3A_762 : i32 to index
        %swap3A_831 = arith.constant 48 : index
        %swap3A_832 = tpu.vector_load %arg14[%swap3A_830, %swap3A_831] {strides = array<i32>} : memref<112x144xf32, #tpu.memory_space<vmem>>, vector<1x16xf32>,
        %swap3A_833 = vector.shape_cast %swap3A_832 : vector<1x16xf32> to vector<16xf32>
        %swap3A_834 = vector.shape_cast %mul3A_829 : vector<16xf32> to vector<1x16xf32>
        tpu.vector_store %arg14[%swap3A_830, %swap3A_831], %swap3A_834 {strides = array<i32>} : memref<112x144xf32, #tpu.memory_space<vmem>>, vector<1x16xf32>,
        %get3A_835 = arith.index_cast %add3A_762 : i32 to index
        %get3A_836 = arith.constant 64 : index
        %get3A_837 = tpu.vector_load %arg14[%get3A_835, %get3A_836] {strides = array<i32>} : memref<112x144xf32, #tpu.memory_space<vmem>>, vector<1x16xf32>,
        %get3A_838 = vector.shape_cast %get3A_837 : vector<1x16xf32> to vector<16xf32>
        %slice3A_839 = vector.extract_strided_slice %exp3A_777 {offsets = [4], sizes = [1], strides = [1]} : vector<16xf32> to vector<1xf32>
        %squeeze3A_840 = vector.extract %slice3A_839[0] : f32 from vector<1xf32>
        %mul3A_841 = vector.broadcast %squeeze3A_840 : f32 to vector<16xf32>
        %mul3A_842 = arith.mulf %get3A_838, %mul3A_841 : vector<16xf32>
        %swap3A_843 = arith.index_cast %add3A_762 : i32 to index
        %swap3A_844 = arith.constant 64 : index
        %swap3A_845 = tpu.vector_load %arg14[%swap3A_843, %swap3A_844] {strides = array<i32>} : memref<112x144xf32, #tpu.memory_space<vmem>>, vector<1x16xf32>,
        %swap3A_846 = vector.shape_cast %swap3A_845 : vector<1x16xf32> to vector<16xf32>
        %swap3A_847 = vector.shape_cast %mul3A_842 : vector<16xf32> to vector<1x16xf32>
        tpu.vector_store %arg14[%swap3A_843, %swap3A_844], %swap3A_847 {strides = array<i32>} : memref<112x144xf32, #tpu.memory_space<vmem>>, vector<1x16xf32>,
        %get3A_848 = arith.index_cast %add3A_762 : i32 to index
        %get3A_849 = arith.constant 80 : index
        %get3A_850 = tpu.vector_load %arg14[%get3A_848, %get3A_849] {strides = array<i32>} : memref<112x144xf32, #tpu.memory_space<vmem>>, vector<1x16xf32>,
        %get3A_851 = vector.shape_cast %get3A_850 : vector<1x16xf32> to vector<16xf32>
        %slice3A_852 = vector.extract_strided_slice %exp3A_777 {offsets = [5], sizes = [1], strides = [1]} : vector<16xf32> to vector<1xf32>
        %squeeze3A_853 = vector.extract %slice3A_852[0] : f32 from vector<1xf32>
        %mul3A_854 = vector.broadcast %squeeze3A_853 : f32 to vector<16xf32>
        %mul3A_855 = arith.mulf %get3A_851, %mul3A_854 : vector<16xf32>
        %swap3A_856 = arith.index_cast %add3A_762 : i32 to index
        %swap3A_857 = arith.constant 80 : index
        %swap3A_858 = tpu.vector_load %arg14[%swap3A_856, %swap3A_857] {strides = array<i32>} : memref<112x144xf32, #tpu.memory_space<vmem>>, vector<1x16xf32>,
        %swap3A_859 = vector.shape_cast %swap3A_858 : vector<1x16xf32> to vector<16xf32>
        %swap3A_860 = vector.shape_cast %mul3A_855 : vector<16xf32> to vector<1x16xf32>
        tpu.vector_store %arg14[%swap3A_856, %swap3A_857], %swap3A_860 {strides = array<i32>} : memref<112x144xf32, #tpu.memory_space<vmem>>, vector<1x16xf32>,
        %get3A_861 = arith.index_cast %add3A_762 : i32 to index
        %get3A_862 = arith.constant 96 : index
        %get3A_863 = tpu.vector_load %arg14[%get3A_861, %get3A_862] {strides = array<i32>} : memref<112x144xf32, #tpu.memory_space<vmem>>, vector<1x16xf32>,
        %get3A_864 = vector.shape_cast %get3A_863 : vector<1x16xf32> to vector<16xf32>
        %slice3A_865 = vector.extract_strided_slice %exp3A_777 {offsets = [6], sizes = [1], strides = [1]} : vector<16xf32> to vector<1xf32>
        %squeeze3A_866 = vector.extract %slice3A_865[0] : f32 from vector<1xf32>
        %mul3A_867 = vector.broadcast %squeeze3A_866 : f32 to vector<16xf32>
        %mul3A_868 = arith.mulf %get3A_864, %mul3A_867 : vector<16xf32>
        %swap3A_869 = arith.index_cast %add3A_762 : i32 to index
        %swap3A_870 = arith.constant 96 : index
        %swap3A_871 = tpu.vector_load %arg14[%swap3A_869, %swap3A_870] {strides = array<i32>} : memref<112x144xf32, #tpu.memory_space<vmem>>, vector<1x16xf32>,
        %swap3A_872 = vector.shape_cast %swap3A_871 : vector<1x16xf32> to vector<16xf32>
        %swap3A_873 = vector.shape_cast %mul3A_868 : vector<16xf32> to vector<1x16xf32>
        tpu.vector_store %arg14[%swap3A_869, %swap3A_870], %swap3A_873 {strides = array<i32>} : memref<112x144xf32, #tpu.memory_space<vmem>>, vector<1x16xf32>,
        %get3A_874 = arith.index_cast %add3A_762 : i32 to index
        %get3A_875 = arith.constant 112 : index
        %get3A_876 = tpu.vector_load %arg14[%get3A_874, %get3A_875] {strides = array<i32>} : memref<112x144xf32, #tpu.memory_space<vmem>>, vector<1x16xf32>,
        %get3A_877 = vector.shape_cast %get3A_876 : vector<1x16xf32> to vector<16xf32>
        %slice3A_878 = vector.extract_strided_slice %exp3A_777 {offsets = [7], sizes = [1], strides = [1]} : vector<16xf32> to vector<1xf32>
        %squeeze3A_879 = vector.extract %slice3A_878[0] : f32 from vector<1xf32>
        %mul3A_880 = vector.broadcast %squeeze3A_879 : f32 to vector<16xf32>
        %mul3A_881 = arith.mulf %get3A_877, %mul3A_880 : vector<16xf32>
        %swap3A_882 = arith.index_cast %add3A_762 : i32 to index
        %swap3A_883 = arith.constant 112 : index
        %swap3A_884 = tpu.vector_load %arg14[%swap3A_882, %swap3A_883] {strides = array<i32>} : memref<112x144xf32, #tpu.memory_space<vmem>>, vector<1x16xf32>,
        %swap3A_885 = vector.shape_cast %swap3A_884 : vector<1x16xf32> to vector<16xf32>
        %swap3A_886 = vector.shape_cast %mul3A_881 : vector<16xf32> to vector<1x16xf32>
        tpu.vector_store %arg14[%swap3A_882, %swap3A_883], %swap3A_886 {strides = array<i32>} : memref<112x144xf32, #tpu.memory_space<vmem>>, vector<1x16xf32>,
      }
      %scan3A_334 = arith.constant 112 : i32
      %dma_start3A_335 = arith.constant 0 : i32
      %dma_start3A_336 = arith.constant 0 : i32
      %dma_start3A_337 = tpu.memref_slice %arg18[%dma_start3A_335, %dma_start3A_336] : memref<10112x144xf32, #tpu.memory_space<vmem_shared>> -> memref<10112x144xf32, #tpu.memory_space<vmem_shared>>
      tpu.enqueue_indirect_dma source(%arg14 : memref<112x144xf32, #tpu.memory_space<vmem>>) target(%dma_start3A_337 : memref<10112x144xf32, #tpu.memory_space<vmem_shared>>) offsets(%arg9 : memref<112xi32, #tpu.memory_space<vmem>>) semaphore(%arg21 : memref<!tpu.dma_semaphore, #tpu.memory_space<semaphore_mem>>) {add = true}
      %dma_wait3A_338 = arith.constant 0 : i32
      %dma_wait3A_339 = arith.constant 0 : i32
      %dma_wait3A_340 = tpu.memref_slice %arg15[%dma_wait3A_338, %dma_wait3A_339] : memref<112x144xf32, #tpu.memory_space<vmem>> -> memref<56x144xf32, #tpu.memory_space<vmem>>
      %dma_wait3A_341 = arith.constant 0 : i32
      %dma_wait3A_342 = tpu.memref_slice %arg10[%dma_wait3A_341] : memref<112xi32, #tpu.memory_space<vmem>> -> memref<56xi32, #tpu.memory_space<vmem>>
      %dma_wait3A_343 = arith.constant 0 : i32
      %dma_wait3A_344 = arith.constant 0 : i32
      %dma_wait3A_345 = tpu.memref_slice %arg2[%dma_wait3A_343, %dma_wait3A_344] : memref<10000x144xf32, #tpu.memory_space<hbm>> -> memref<10000x144xf32, #tpu.memory_space<hbm>>
      tpu.wait_indirect_dma semaphore(%arg20 : memref<!tpu.dma_semaphore, #tpu.memory_space<semaphore_mem>>) src(%dma_wait3A_345 : memref<10000x144xf32, #tpu.memory_space<hbm>>) dst(%dma_wait3A_340 : memref<56x144xf32, #tpu.memory_space<vmem>>)
      %dma_wait3A_346 = arith.constant 56 : i32
      %dma_wait3A_347 = arith.constant 0 : i32
      %dma_wait3A_348 = tpu.memref_slice %arg15[%dma_wait3A_346, %dma_wait3A_347] : memref<112x144xf32, #tpu.memory_space<vmem>> -> memref<56x144xf32, #tpu.memory_space<vmem>>
      %dma_wait3A_349 = arith.constant 56 : i32
      %dma_wait3A_350 = tpu.memref_slice %arg10[%dma_wait3A_349] : memref<112xi32, #tpu.memory_space<vmem>> -> memref<56xi32, #tpu.memory_space<vmem>>
      %dma_wait3A_351 = arith.constant 0 : i32
      %dma_wait3A_352 = arith.constant 0 : i32
      %dma_wait3A_353 = tpu.memref_slice %arg2[%dma_wait3A_351, %dma_wait3A_352] : memref<10000x144xf32, #tpu.memory_space<hbm>> -> memref<10000x144xf32, #tpu.memory_space<hbm>>
      tpu.wait_indirect_dma semaphore(%arg20 : memref<!tpu.dma_semaphore, #tpu.memory_space<semaphore_mem>>) src(%dma_wait3A_353 : memref<10000x144xf32, #tpu.memory_space<hbm>>) dst(%dma_wait3A_348 : memref<56x144xf32, #tpu.memory_space<vmem>>)
      %dma_wait3A_354 = arith.constant 0 : i32
      %dma_wait3A_355 = arith.constant 0 : i32
      %dma_wait3A_356 = tpu.memref_slice %arg3[%dma_wait3A_354, %dma_wait3A_355] : memref<10000x16xf32, #tpu.memory_space<hbm>> -> memref<10000x16xf32, #tpu.memory_space<hbm>>
      tpu.wait_indirect_dma semaphore(%arg20 : memref<!tpu.dma_semaphore, #tpu.memory_space<semaphore_mem>>) src(%dma_wait3A_356 : memref<10000x16xf32, #tpu.memory_space<hbm>>) dst(%arg13 : memref<112x16xf32, #tpu.memory_space<vmem>>)
      %dma_wait3A_357 = arith.constant 0 : i32
      %dma_wait3A_358 = arith.constant 0 : i32
      %dma_wait3A_359 = tpu.memref_slice %arg18[%dma_wait3A_357, %dma_wait3A_358] : memref<10112x144xf32, #tpu.memory_space<vmem_shared>> -> memref<10112x144xf32, #tpu.memory_space<vmem_shared>>
      tpu.wait_indirect_dma semaphore(%arg21 : memref<!tpu.dma_semaphore, #tpu.memory_space<semaphore_mem>>) src(%arg14 : memref<112x144xf32, #tpu.memory_space<vmem>>) dst(%dma_wait3A_359 : memref<10112x144xf32, #tpu.memory_space<vmem_shared>>)
      %lt3A_360 = arith.constant 44 : i32
      %lt3A_361 = arith.cmpi slt, %add3A_164, %lt3A_360 : i32
      %convert_element_type3A_362 = arith.extui %lt3A_361 : i1 to i32
      %cond3A_363 = arith.constant 0 : i32
      %cond3A_364 = arith.cmpi ne, %convert_element_type3A_362, %cond3A_363 : i32
      scf.if %cond3A_364 {
        %add3A_373 = arith.constant 2 : i32
        %add3A_374 = arith.addi %mul3A_166, %add3A_373 : i32
        "tpu.region"() ({
          %run_scoped3A_513 = tpu.sem_alloc : memref<!tpu.dma_semaphore, #tpu.memory_space<semaphore_mem>>
          %dma_start3A_514 = arith.constant 0 : i32
          %dma_start3A_515 = tpu.memref_slice %arg5[%add3A, %add3A_374, %dma_start3A_514] : memref<32x90x112xi32, #tpu.memory_space<hbm>> -> memref<1x1x112xi32, #tpu.memory_space<hbm>>
          %dma_start3A_516 = tpu.memref_squeeze %dma_start3A_515 : memref<1x1x112xi32, #tpu.memory_space<hbm>> -> memref<112xi32, #tpu.memory_space<hbm>>
          %dma_start3A_517 = arith.constant 0 : i32
          %dma_start3A_518 = tpu.memref_slice %arg5[%add3A, %add3A_374, %dma_start3A_517] : memref<32x90x112xi32, #tpu.memory_space<hbm>> -> memref<1x1x112xi32, #tpu.memory_space<hbm>>
          %dma_start3A_519 = tpu.memref_squeeze %dma_start3A_518 : memref<1x1x112xi32, #tpu.memory_space<hbm>> -> memref<112xi32, #tpu.memory_space<hbm>>
          tpu.enqueue_dma source(%dma_start3A_519 : memref<112xi32, #tpu.memory_space<hbm>>) target(%arg7 : memref<112xi32, #tpu.memory_space<vmem>>) target_semaphore(%run_scoped3A_513 : memref<!tpu.dma_semaphore, #tpu.memory_space<semaphore_mem>>)
          %dma_wait3A_520 = arith.constant 0 : i32
          %dma_wait3A_521 = tpu.memref_slice %arg5[%add3A, %add3A_374, %dma_wait3A_520] : memref<32x90x112xi32, #tpu.memory_space<hbm>> -> memref<1x1x112xi32, #tpu.memory_space<hbm>>
          %dma_wait3A_522 = tpu.memref_squeeze %dma_wait3A_521 : memref<1x1x112xi32, #tpu.memory_space<hbm>> -> memref<112xi32, #tpu.memory_space<hbm>>
          %dma_wait3A_523 = arith.constant 0 : i32
          %dma_wait3A_524 = tpu.memref_slice %arg5[%add3A, %add3A_374, %dma_wait3A_523] : memref<32x90x112xi32, #tpu.memory_space<hbm>> -> memref<1x1x112xi32, #tpu.memory_space<hbm>>
          %dma_wait3A_525 = tpu.memref_squeeze %dma_wait3A_524 : memref<1x1x112xi32, #tpu.memory_space<hbm>> -> memref<112xi32, #tpu.memory_space<hbm>>
          tpu.wait_dma2 semaphore(%run_scoped3A_513 : memref<!tpu.dma_semaphore, #tpu.memory_space<semaphore_mem>>) src(%dma_wait3A_525 : memref<112xi32, #tpu.memory_space<hbm>>) dst(%arg7 : memref<112xi32, #tpu.memory_space<vmem>>)
          tpu.yield
        }) : () -> ()
        %get3A_375 = arith.constant 0 : index
        %get3A_376 = tpu.vector_load %arg7[%get3A_375] {strides = array<i32>} : memref<112xi32, #tpu.memory_space<vmem>>, vector<16xi32>,
        %get3A_377 = vector.shape_cast %get3A_376 : vector<16xi32> to vector<16xi32>
        %and3A_378 = arith.constant 16383 : i32
        %and3A_379 = vector.broadcast %and3A_378 : i32 to vector<16xi32>
        %and3A_380 = arith.andi %get3A_377, %and3A_379 : vector<16xi32>
        %swap3A_381 = arith.constant 0 : index
        %swap3A_382 = tpu.vector_load %arg8[%swap3A_381] {strides = array<i32>} : memref<112xi32, #tpu.memory_space<vmem>>, vector<16xi32>,
        %swap3A_383 = vector.shape_cast %swap3A_382 : vector<16xi32> to vector<16xi32>
        %swap3A_384 = vector.shape_cast %and3A_380 : vector<16xi32> to vector<16xi32>
        tpu.vector_store %arg8[%swap3A_381], %swap3A_384 {strides = array<i32>} : memref<112xi32, #tpu.memory_space<vmem>>, vector<16xi32>,
        %shift_right_arithmetic3A_385 = arith.constant 14 : i32
        %shift_right_arithmetic3A_386 = vector.broadcast %shift_right_arithmetic3A_385 : i32 to vector<16xi32>
        %shift_right_arithmetic3A_387 = arith.shrsi %get3A_377, %shift_right_arithmetic3A_386 : vector<16xi32>
        %swap3A_388 = arith.constant 0 : index
        %swap3A_389 = tpu.vector_load %arg9[%swap3A_388] {strides = array<i32>} : memref<112xi32, #tpu.memory_space<vmem>>, vector<16xi32>,
        %swap3A_390 = vector.shape_cast %swap3A_389 : vector<16xi32> to vector<16xi32>
        %swap3A_391 = vector.shape_cast %shift_right_arithmetic3A_387 : vector<16xi32> to vector<16xi32>
        tpu.vector_store %arg9[%swap3A_388], %swap3A_391 {strides = array<i32>} : memref<112xi32, #tpu.memory_space<vmem>>, vector<16xi32>,
        %get3A_392 = arith.constant 16 : index
        %get3A_393 = tpu.vector_load %arg7[%get3A_392] {strides = array<i32>} : memref<112xi32, #tpu.memory_space<vmem>>, vector<16xi32>,
        %get3A_394 = vector.shape_cast %get3A_393 : vector<16xi32> to vector<16xi32>
        %and3A_395 = arith.constant 16383 : i32
        %and3A_396 = vector.broadcast %and3A_395 : i32 to vector<16xi32>
        %and3A_397 = arith.andi %get3A_394, %and3A_396 : vector<16xi32>
        %swap3A_398 = arith.constant 16 : index
        %swap3A_399 = tpu.vector_load %arg8[%swap3A_398] {strides = array<i32>} : memref<112xi32, #tpu.memory_space<vmem>>, vector<16xi32>,
        %swap3A_400 = vector.shape_cast %swap3A_399 : vector<16xi32> to vector<16xi32>
        %swap3A_401 = vector.shape_cast %and3A_397 : vector<16xi32> to vector<16xi32>
        tpu.vector_store %arg8[%swap3A_398], %swap3A_401 {strides = array<i32>} : memref<112xi32, #tpu.memory_space<vmem>>, vector<16xi32>,
        %shift_right_arithmetic3A_402 = arith.constant 14 : i32
        %shift_right_arithmetic3A_403 = vector.broadcast %shift_right_arithmetic3A_402 : i32 to vector<16xi32>
        %shift_right_arithmetic3A_404 = arith.shrsi %get3A_394, %shift_right_arithmetic3A_403 : vector<16xi32>
        %swap3A_405 = arith.constant 16 : index
        %swap3A_406 = tpu.vector_load %arg9[%swap3A_405] {strides = array<i32>} : memref<112xi32, #tpu.memory_space<vmem>>, vector<16xi32>,
        %swap3A_407 = vector.shape_cast %swap3A_406 : vector<16xi32> to vector<16xi32>
        %swap3A_408 = vector.shape_cast %shift_right_arithmetic3A_404 : vector<16xi32> to vector<16xi32>
        tpu.vector_store %arg9[%swap3A_405], %swap3A_408 {strides = array<i32>} : memref<112xi32, #tpu.memory_space<vmem>>, vector<16xi32>,
        %get3A_409 = arith.constant 32 : index
        %get3A_410 = tpu.vector_load %arg7[%get3A_409] {strides = array<i32>} : memref<112xi32, #tpu.memory_space<vmem>>, vector<16xi32>,
        %get3A_411 = vector.shape_cast %get3A_410 : vector<16xi32> to vector<16xi32>
        %and3A_412 = arith.constant 16383 : i32
        %and3A_413 = vector.broadcast %and3A_412 : i32 to vector<16xi32>
        %and3A_414 = arith.andi %get3A_411, %and3A_413 : vector<16xi32>
        %swap3A_415 = arith.constant 32 : index
        %swap3A_416 = tpu.vector_load %arg8[%swap3A_415] {strides = array<i32>} : memref<112xi32, #tpu.memory_space<vmem>>, vector<16xi32>,
        %swap3A_417 = vector.shape_cast %swap3A_416 : vector<16xi32> to vector<16xi32>
        %swap3A_418 = vector.shape_cast %and3A_414 : vector<16xi32> to vector<16xi32>
        tpu.vector_store %arg8[%swap3A_415], %swap3A_418 {strides = array<i32>} : memref<112xi32, #tpu.memory_space<vmem>>, vector<16xi32>,
        %shift_right_arithmetic3A_419 = arith.constant 14 : i32
        %shift_right_arithmetic3A_420 = vector.broadcast %shift_right_arithmetic3A_419 : i32 to vector<16xi32>
        %shift_right_arithmetic3A_421 = arith.shrsi %get3A_411, %shift_right_arithmetic3A_420 : vector<16xi32>
        %swap3A_422 = arith.constant 32 : index
        %swap3A_423 = tpu.vector_load %arg9[%swap3A_422] {strides = array<i32>} : memref<112xi32, #tpu.memory_space<vmem>>, vector<16xi32>,
        %swap3A_424 = vector.shape_cast %swap3A_423 : vector<16xi32> to vector<16xi32>
        %swap3A_425 = vector.shape_cast %shift_right_arithmetic3A_421 : vector<16xi32> to vector<16xi32>
        tpu.vector_store %arg9[%swap3A_422], %swap3A_425 {strides = array<i32>} : memref<112xi32, #tpu.memory_space<vmem>>, vector<16xi32>,
        %get3A_426 = arith.constant 48 : index
        %get3A_427 = tpu.vector_load %arg7[%get3A_426] {strides = array<i32>} : memref<112xi32, #tpu.memory_space<vmem>>, vector<16xi32>,
        %get3A_428 = vector.shape_cast %get3A_427 : vector<16xi32> to vector<16xi32>
        %and3A_429 = arith.constant 16383 : i32
        %and3A_430 = vector.broadcast %and3A_429 : i32 to vector<16xi32>
        %and3A_431 = arith.andi %get3A_428, %and3A_430 : vector<16xi32>
        %swap3A_432 = arith.constant 48 : index
        %swap3A_433 = tpu.vector_load %arg8[%swap3A_432] {strides = array<i32>} : memref<112xi32, #tpu.memory_space<vmem>>, vector<16xi32>,
        %swap3A_434 = vector.shape_cast %swap3A_433 : vector<16xi32> to vector<16xi32>
        %swap3A_435 = vector.shape_cast %and3A_431 : vector<16xi32> to vector<16xi32>
        tpu.vector_store %arg8[%swap3A_432], %swap3A_435 {strides = array<i32>} : memref<112xi32, #tpu.memory_space<vmem>>, vector<16xi32>,
        %shift_right_arithmetic3A_436 = arith.constant 14 : i32
        %shift_right_arithmetic3A_437 = vector.broadcast %shift_right_arithmetic3A_436 : i32 to vector<16xi32>
        %shift_right_arithmetic3A_438 = arith.shrsi %get3A_428, %shift_right_arithmetic3A_437 : vector<16xi32>
        %swap3A_439 = arith.constant 48 : index
        %swap3A_440 = tpu.vector_load %arg9[%swap3A_439] {strides = array<i32>} : memref<112xi32, #tpu.memory_space<vmem>>, vector<16xi32>,
        %swap3A_441 = vector.shape_cast %swap3A_440 : vector<16xi32> to vector<16xi32>
        %swap3A_442 = vector.shape_cast %shift_right_arithmetic3A_438 : vector<16xi32> to vector<16xi32>
        tpu.vector_store %arg9[%swap3A_439], %swap3A_442 {strides = array<i32>} : memref<112xi32, #tpu.memory_space<vmem>>, vector<16xi32>,
        %get3A_443 = arith.constant 64 : index
        %get3A_444 = tpu.vector_load %arg7[%get3A_443] {strides = array<i32>} : memref<112xi32, #tpu.memory_space<vmem>>, vector<16xi32>,
        %get3A_445 = vector.shape_cast %get3A_444 : vector<16xi32> to vector<16xi32>
        %and3A_446 = arith.constant 16383 : i32
        %and3A_447 = vector.broadcast %and3A_446 : i32 to vector<16xi32>
        %and3A_448 = arith.andi %get3A_445, %and3A_447 : vector<16xi32>
        %swap3A_449 = arith.constant 64 : index
        %swap3A_450 = tpu.vector_load %arg8[%swap3A_449] {strides = array<i32>} : memref<112xi32, #tpu.memory_space<vmem>>, vector<16xi32>,
        %swap3A_451 = vector.shape_cast %swap3A_450 : vector<16xi32> to vector<16xi32>
        %swap3A_452 = vector.shape_cast %and3A_448 : vector<16xi32> to vector<16xi32>
        tpu.vector_store %arg8[%swap3A_449], %swap3A_452 {strides = array<i32>} : memref<112xi32, #tpu.memory_space<vmem>>, vector<16xi32>,
        %shift_right_arithmetic3A_453 = arith.constant 14 : i32
        %shift_right_arithmetic3A_454 = vector.broadcast %shift_right_arithmetic3A_453 : i32 to vector<16xi32>
        %shift_right_arithmetic3A_455 = arith.shrsi %get3A_445, %shift_right_arithmetic3A_454 : vector<16xi32>
        %swap3A_456 = arith.constant 64 : index
        %swap3A_457 = tpu.vector_load %arg9[%swap3A_456] {strides = array<i32>} : memref<112xi32, #tpu.memory_space<vmem>>, vector<16xi32>,
        %swap3A_458 = vector.shape_cast %swap3A_457 : vector<16xi32> to vector<16xi32>
        %swap3A_459 = vector.shape_cast %shift_right_arithmetic3A_455 : vector<16xi32> to vector<16xi32>
        tpu.vector_store %arg9[%swap3A_456], %swap3A_459 {strides = array<i32>} : memref<112xi32, #tpu.memory_space<vmem>>, vector<16xi32>,
        %get3A_460 = arith.constant 80 : index
        %get3A_461 = tpu.vector_load %arg7[%get3A_460] {strides = array<i32>} : memref<112xi32, #tpu.memory_space<vmem>>, vector<16xi32>,
        %get3A_462 = vector.shape_cast %get3A_461 : vector<16xi32> to vector<16xi32>
        %and3A_463 = arith.constant 16383 : i32
        %and3A_464 = vector.broadcast %and3A_463 : i32 to vector<16xi32>
        %and3A_465 = arith.andi %get3A_462, %and3A_464 : vector<16xi32>
        %swap3A_466 = arith.constant 80 : index
        %swap3A_467 = tpu.vector_load %arg8[%swap3A_466] {strides = array<i32>} : memref<112xi32, #tpu.memory_space<vmem>>, vector<16xi32>,
        %swap3A_468 = vector.shape_cast %swap3A_467 : vector<16xi32> to vector<16xi32>
        %swap3A_469 = vector.shape_cast %and3A_465 : vector<16xi32> to vector<16xi32>
        tpu.vector_store %arg8[%swap3A_466], %swap3A_469 {strides = array<i32>} : memref<112xi32, #tpu.memory_space<vmem>>, vector<16xi32>,
        %shift_right_arithmetic3A_470 = arith.constant 14 : i32
        %shift_right_arithmetic3A_471 = vector.broadcast %shift_right_arithmetic3A_470 : i32 to vector<16xi32>
        %shift_right_arithmetic3A_472 = arith.shrsi %get3A_462, %shift_right_arithmetic3A_471 : vector<16xi32>
        %swap3A_473 = arith.constant 80 : index
        %swap3A_474 = tpu.vector_load %arg9[%swap3A_473] {strides = array<i32>} : memref<112xi32, #tpu.memory_space<vmem>>, vector<16xi32>,
        %swap3A_475 = vector.shape_cast %swap3A_474 : vector<16xi32> to vector<16xi32>
        %swap3A_476 = vector.shape_cast %shift_right_arithmetic3A_472 : vector<16xi32> to vector<16xi32>
        tpu.vector_store %arg9[%swap3A_473], %swap3A_476 {strides = array<i32>} : memref<112xi32, #tpu.memory_space<vmem>>, vector<16xi32>,
        %get3A_477 = arith.constant 96 : index
        %get3A_478 = tpu.vector_load %arg7[%get3A_477] {strides = array<i32>} : memref<112xi32, #tpu.memory_space<vmem>>, vector<16xi32>,
        %get3A_479 = vector.shape_cast %get3A_478 : vector<16xi32> to vector<16xi32>
        %and3A_480 = arith.constant 16383 : i32
        %and3A_481 = vector.broadcast %and3A_480 : i32 to vector<16xi32>
        %and3A_482 = arith.andi %get3A_479, %and3A_481 : vector<16xi32>
        %swap3A_483 = arith.constant 96 : index
        %swap3A_484 = tpu.vector_load %arg8[%swap3A_483] {strides = array<i32>} : memref<112xi32, #tpu.memory_space<vmem>>, vector<16xi32>,
        %swap3A_485 = vector.shape_cast %swap3A_484 : vector<16xi32> to vector<16xi32>
        %swap3A_486 = vector.shape_cast %and3A_482 : vector<16xi32> to vector<16xi32>
        tpu.vector_store %arg8[%swap3A_483], %swap3A_486 {strides = array<i32>} : memref<112xi32, #tpu.memory_space<vmem>>, vector<16xi32>,
        %shift_right_arithmetic3A_487 = arith.constant 14 : i32
        %shift_right_arithmetic3A_488 = vector.broadcast %shift_right_arithmetic3A_487 : i32 to vector<16xi32>
        %shift_right_arithmetic3A_489 = arith.shrsi %get3A_479, %shift_right_arithmetic3A_488 : vector<16xi32>
        %swap3A_490 = arith.constant 96 : index
        %swap3A_491 = tpu.vector_load %arg9[%swap3A_490] {strides = array<i32>} : memref<112xi32, #tpu.memory_space<vmem>>, vector<16xi32>,
        %swap3A_492 = vector.shape_cast %swap3A_491 : vector<16xi32> to vector<16xi32>
        %swap3A_493 = vector.shape_cast %shift_right_arithmetic3A_489 : vector<16xi32> to vector<16xi32>
        tpu.vector_store %arg9[%swap3A_490], %swap3A_493 {strides = array<i32>} : memref<112xi32, #tpu.memory_space<vmem>>, vector<16xi32>,
        %dma_start3A_494 = arith.constant 0 : i32
        %dma_start3A_495 = arith.constant 0 : i32
        %dma_start3A_496 = tpu.memref_slice %arg14[%dma_start3A_494, %dma_start3A_495] : memref<112x144xf32, #tpu.memory_space<vmem>> -> memref<56x144xf32, #tpu.memory_space<vmem>>
        %dma_start3A_497 = arith.constant 0 : i32
        %dma_start3A_498 = tpu.memref_slice %arg8[%dma_start3A_497] : memref<112xi32, #tpu.memory_space<vmem>> -> memref<56xi32, #tpu.memory_space<vmem>>
        %dma_start3A_499 = arith.constant 0 : i32
        %dma_start3A_500 = arith.constant 0 : i32
        %dma_start3A_501 = tpu.memref_slice %arg2[%dma_start3A_499, %dma_start3A_500] : memref<10000x144xf32, #tpu.memory_space<hbm>> -> memref<10000x144xf32, #tpu.memory_space<hbm>>
        tpu.enqueue_indirect_dma source(%dma_start3A_501 : memref<10000x144xf32, #tpu.memory_space<hbm>>) target(%dma_start3A_496 : memref<56x144xf32, #tpu.memory_space<vmem>>) offsets(%dma_start3A_498 : memref<56xi32, #tpu.memory_space<vmem>>) semaphore(%arg19 : memref<!tpu.dma_semaphore, #tpu.memory_space<semaphore_mem>>)
        %dma_start3A_502 = arith.constant 56 : i32
        %dma_start3A_503 = arith.constant 0 : i32
        %dma_start3A_504 = tpu.memref_slice %arg14[%dma_start3A_502, %dma_start3A_503] : memref<112x144xf32, #tpu.memory_space<vmem>> -> memref<56x144xf32, #tpu.memory_space<vmem>>
        %dma_start3A_505 = arith.constant 56 : i32
        %dma_start3A_506 = tpu.memref_slice %arg8[%dma_start3A_505] : memref<112xi32, #tpu.memory_space<vmem>> -> memref<56xi32, #tpu.memory_space<vmem>>
        %dma_start3A_507 = arith.constant 0 : i32
        %dma_start3A_508 = arith.constant 0 : i32
        %dma_start3A_509 = tpu.memref_slice %arg2[%dma_start3A_507, %dma_start3A_508] : memref<10000x144xf32, #tpu.memory_space<hbm>> -> memref<10000x144xf32, #tpu.memory_space<hbm>>
        tpu.enqueue_indirect_dma source(%dma_start3A_509 : memref<10000x144xf32, #tpu.memory_space<hbm>>) target(%dma_start3A_504 : memref<56x144xf32, #tpu.memory_space<vmem>>) offsets(%dma_start3A_506 : memref<56xi32, #tpu.memory_space<vmem>>) semaphore(%arg19 : memref<!tpu.dma_semaphore, #tpu.memory_space<semaphore_mem>>)
        %dma_start3A_510 = arith.constant 0 : i32
        %dma_start3A_511 = arith.constant 0 : i32
        %dma_start3A_512 = tpu.memref_slice %arg3[%dma_start3A_510, %dma_start3A_511] : memref<10000x16xf32, #tpu.memory_space<hbm>> -> memref<10000x16xf32, #tpu.memory_space<hbm>>
        tpu.enqueue_indirect_dma source(%dma_start3A_512 : memref<10000x16xf32, #tpu.memory_space<hbm>>) target(%arg12 : memref<112x16xf32, #tpu.memory_space<vmem>>) offsets(%arg9 : memref<112xi32, #tpu.memory_space<vmem>>) semaphore(%arg19 : memref<!tpu.dma_semaphore, #tpu.memory_space<semaphore_mem>>)
      } else {
      }
      %scan3A_365 = arith.constant 0 : i32
      %scan3A_366 = arith.constant 112 : i32
      %scan3A_367 = arith.addi %scan3A_365, %scan3A_366 : i32
      %scan3A_368 = arith.constant 4 : i32
      scf.for %scan3A_373 = %scan3A_365 to %scan3A_367 step %scan3A_368  : i32 {
        %mul3A_374 = arith.constant 1 : i32
        %mul3A_375 = arith.muli %scan3A_373, %mul3A_374 : i32
        %add3A_376 = arith.constant 0 : i32
        %add3A_377 = arith.addi %add3A_376, %mul3A_375 : i32
        %get3A_378 = arith.index_cast %add3A_377 : i32 to index
        %get3A_379 = arith.constant 128 : index
        %get3A_380 = tpu.vector_load %arg15[%get3A_378, %get3A_379] {strides = array<i32>} : memref<112x144xf32, #tpu.memory_space<vmem>>, vector<1x16xf32>,
        %get3A_381 = vector.shape_cast %get3A_380 : vector<1x16xf32> to vector<16xf32>
        %get3A_382 = arith.index_cast %add3A_377 : i32 to index
        %get3A_383 = arith.constant 0 : index
        %get3A_384 = tpu.vector_load %arg13[%get3A_382, %get3A_383] {strides = array<i32>} : memref<112x16xf32, #tpu.memory_space<vmem>>, vector<1x16xf32>,
        %get3A_385 = vector.shape_cast %get3A_384 : vector<1x16xf32> to vector<16xf32>
        %add3A_386 = arith.addf %get3A_381, %get3A_385 : vector<16xf32>
        %mul3A_387 = arith.constant 2.000000e-01 : f32
        %mul3A_388 = vector.broadcast %mul3A_387 : f32 to vector<16xf32>
        %mul3A_389 = arith.mulf %mul3A_388, %add3A_386 : vector<16xf32>
        %max3A = arith.maximumf %add3A_386, %mul3A_389 : vector<16xf32>
        %sub3A = arith.subf %max3A, %get3A_11 : vector<16xf32>
        %exp3A = math.exp %sub3A : vector<16xf32>
        %swap3A_390 = arith.index_cast %add3A_377 : i32 to index
        %swap3A_391 = arith.constant 128 : index
        %swap3A_392 = tpu.vector_load %arg15[%swap3A_390, %swap3A_391] {strides = array<i32>} : memref<112x144xf32, #tpu.memory_space<vmem>>, vector<1x16xf32>,
        %swap3A_393 = vector.shape_cast %swap3A_392 : vector<1x16xf32> to vector<16xf32>
        %swap3A_394 = vector.shape_cast %exp3A : vector<16xf32> to vector<1x16xf32>
        tpu.vector_store %arg15[%swap3A_390, %swap3A_391], %swap3A_394 {strides = array<i32>} : memref<112x144xf32, #tpu.memory_space<vmem>>, vector<1x16xf32>,
        %get3A_395 = arith.index_cast %add3A_377 : i32 to index
        %get3A_396 = arith.constant 0 : index
        %get3A_397 = tpu.vector_load %arg15[%get3A_395, %get3A_396] {strides = array<i32>} : memref<112x144xf32, #tpu.memory_space<vmem>>, vector<1x16xf32>,
        %get3A_398 = vector.shape_cast %get3A_397 : vector<1x16xf32> to vector<16xf32>
        %slice3A = vector.extract_strided_slice %exp3A {offsets = [0], sizes = [1], strides = [1]} : vector<16xf32> to vector<1xf32>
        %squeeze3A = vector.extract %slice3A[0] : f32 from vector<1xf32>
        %mul3A_399 = vector.broadcast %squeeze3A : f32 to vector<16xf32>
        %mul3A_400 = arith.mulf %get3A_398, %mul3A_399 : vector<16xf32>
        %swap3A_401 = arith.index_cast %add3A_377 : i32 to index
        %swap3A_402 = arith.constant 0 : index
        %swap3A_403 = tpu.vector_load %arg15[%swap3A_401, %swap3A_402] {strides = array<i32>} : memref<112x144xf32, #tpu.memory_space<vmem>>, vector<1x16xf32>,
        %swap3A_404 = vector.shape_cast %swap3A_403 : vector<1x16xf32> to vector<16xf32>
        %swap3A_405 = vector.shape_cast %mul3A_400 : vector<16xf32> to vector<1x16xf32>
        tpu.vector_store %arg15[%swap3A_401, %swap3A_402], %swap3A_405 {strides = array<i32>} : memref<112x144xf32, #tpu.memory_space<vmem>>, vector<1x16xf32>,
        %get3A_406 = arith.index_cast %add3A_377 : i32 to index
        %get3A_407 = arith.constant 16 : index
        %get3A_408 = tpu.vector_load %arg15[%get3A_406, %get3A_407] {strides = array<i32>} : memref<112x144xf32, #tpu.memory_space<vmem>>, vector<1x16xf32>,
        %get3A_409 = vector.shape_cast %get3A_408 : vector<1x16xf32> to vector<16xf32>
        %slice3A_410 = vector.extract_strided_slice %exp3A {offsets = [1], sizes = [1], strides = [1]} : vector<16xf32> to vector<1xf32>
        %squeeze3A_411 = vector.extract %slice3A_410[0] : f32 from vector<1xf32>
        %mul3A_412 = vector.broadcast %squeeze3A_411 : f32 to vector<16xf32>
        %mul3A_413 = arith.mulf %get3A_409, %mul3A_412 : vector<16xf32>
        %swap3A_414 = arith.index_cast %add3A_377 : i32 to index
        %swap3A_415 = arith.constant 16 : index
        %swap3A_416 = tpu.vector_load %arg15[%swap3A_414, %swap3A_415] {strides = array<i32>} : memref<112x144xf32, #tpu.memory_space<vmem>>, vector<1x16xf32>,
        %swap3A_417 = vector.shape_cast %swap3A_416 : vector<1x16xf32> to vector<16xf32>
        %swap3A_418 = vector.shape_cast %mul3A_413 : vector<16xf32> to vector<1x16xf32>
        tpu.vector_store %arg15[%swap3A_414, %swap3A_415], %swap3A_418 {strides = array<i32>} : memref<112x144xf32, #tpu.memory_space<vmem>>, vector<1x16xf32>,
        %get3A_419 = arith.index_cast %add3A_377 : i32 to index
        %get3A_420 = arith.constant 32 : index
        %get3A_421 = tpu.vector_load %arg15[%get3A_419, %get3A_420] {strides = array<i32>} : memref<112x144xf32, #tpu.memory_space<vmem>>, vector<1x16xf32>,
        %get3A_422 = vector.shape_cast %get3A_421 : vector<1x16xf32> to vector<16xf32>
        %slice3A_423 = vector.extract_strided_slice %exp3A {offsets = [2], sizes = [1], strides = [1]} : vector<16xf32> to vector<1xf32>
        %squeeze3A_424 = vector.extract %slice3A_423[0] : f32 from vector<1xf32>
        %mul3A_425 = vector.broadcast %squeeze3A_424 : f32 to vector<16xf32>
        %mul3A_426 = arith.mulf %get3A_422, %mul3A_425 : vector<16xf32>
        %swap3A_427 = arith.index_cast %add3A_377 : i32 to index
        %swap3A_428 = arith.constant 32 : index
        %swap3A_429 = tpu.vector_load %arg15[%swap3A_427, %swap3A_428] {strides = array<i32>} : memref<112x144xf32, #tpu.memory_space<vmem>>, vector<1x16xf32>,
        %swap3A_430 = vector.shape_cast %swap3A_429 : vector<1x16xf32> to vector<16xf32>
        %swap3A_431 = vector.shape_cast %mul3A_426 : vector<16xf32> to vector<1x16xf32>
        tpu.vector_store %arg15[%swap3A_427, %swap3A_428], %swap3A_431 {strides = array<i32>} : memref<112x144xf32, #tpu.memory_space<vmem>>, vector<1x16xf32>,
        %get3A_432 = arith.index_cast %add3A_377 : i32 to index
        %get3A_433 = arith.constant 48 : index
        %get3A_434 = tpu.vector_load %arg15[%get3A_432, %get3A_433] {strides = array<i32>} : memref<112x144xf32, #tpu.memory_space<vmem>>, vector<1x16xf32>,
        %get3A_435 = vector.shape_cast %get3A_434 : vector<1x16xf32> to vector<16xf32>
        %slice3A_436 = vector.extract_strided_slice %exp3A {offsets = [3], sizes = [1], strides = [1]} : vector<16xf32> to vector<1xf32>
        %squeeze3A_437 = vector.extract %slice3A_436[0] : f32 from vector<1xf32>
        %mul3A_438 = vector.broadcast %squeeze3A_437 : f32 to vector<16xf32>
        %mul3A_439 = arith.mulf %get3A_435, %mul3A_438 : vector<16xf32>
        %swap3A_440 = arith.index_cast %add3A_377 : i32 to index
        %swap3A_441 = arith.constant 48 : index
        %swap3A_442 = tpu.vector_load %arg15[%swap3A_440, %swap3A_441] {strides = array<i32>} : memref<112x144xf32, #tpu.memory_space<vmem>>, vector<1x16xf32>,
        %swap3A_443 = vector.shape_cast %swap3A_442 : vector<1x16xf32> to vector<16xf32>
        %swap3A_444 = vector.shape_cast %mul3A_439 : vector<16xf32> to vector<1x16xf32>
        tpu.vector_store %arg15[%swap3A_440, %swap3A_441], %swap3A_444 {strides = array<i32>} : memref<112x144xf32, #tpu.memory_space<vmem>>, vector<1x16xf32>,
        %get3A_445 = arith.index_cast %add3A_377 : i32 to index
        %get3A_446 = arith.constant 64 : index
        %get3A_447 = tpu.vector_load %arg15[%get3A_445, %get3A_446] {strides = array<i32>} : memref<112x144xf32, #tpu.memory_space<vmem>>, vector<1x16xf32>,
        %get3A_448 = vector.shape_cast %get3A_447 : vector<1x16xf32> to vector<16xf32>
        %slice3A_449 = vector.extract_strided_slice %exp3A {offsets = [4], sizes = [1], strides = [1]} : vector<16xf32> to vector<1xf32>
        %squeeze3A_450 = vector.extract %slice3A_449[0] : f32 from vector<1xf32>
        %mul3A_451 = vector.broadcast %squeeze3A_450 : f32 to vector<16xf32>
        %mul3A_452 = arith.mulf %get3A_448, %mul3A_451 : vector<16xf32>
        %swap3A_453 = arith.index_cast %add3A_377 : i32 to index
        %swap3A_454 = arith.constant 64 : index
        %swap3A_455 = tpu.vector_load %arg15[%swap3A_453, %swap3A_454] {strides = array<i32>} : memref<112x144xf32, #tpu.memory_space<vmem>>, vector<1x16xf32>,
        %swap3A_456 = vector.shape_cast %swap3A_455 : vector<1x16xf32> to vector<16xf32>
        %swap3A_457 = vector.shape_cast %mul3A_452 : vector<16xf32> to vector<1x16xf32>
        tpu.vector_store %arg15[%swap3A_453, %swap3A_454], %swap3A_457 {strides = array<i32>} : memref<112x144xf32, #tpu.memory_space<vmem>>, vector<1x16xf32>,
        %get3A_458 = arith.index_cast %add3A_377 : i32 to index
        %get3A_459 = arith.constant 80 : index
        %get3A_460 = tpu.vector_load %arg15[%get3A_458, %get3A_459] {strides = array<i32>} : memref<112x144xf32, #tpu.memory_space<vmem>>, vector<1x16xf32>,
        %get3A_461 = vector.shape_cast %get3A_460 : vector<1x16xf32> to vector<16xf32>
        %slice3A_462 = vector.extract_strided_slice %exp3A {offsets = [5], sizes = [1], strides = [1]} : vector<16xf32> to vector<1xf32>
        %squeeze3A_463 = vector.extract %slice3A_462[0] : f32 from vector<1xf32>
        %mul3A_464 = vector.broadcast %squeeze3A_463 : f32 to vector<16xf32>
        %mul3A_465 = arith.mulf %get3A_461, %mul3A_464 : vector<16xf32>
        %swap3A_466 = arith.index_cast %add3A_377 : i32 to index
        %swap3A_467 = arith.constant 80 : index
        %swap3A_468 = tpu.vector_load %arg15[%swap3A_466, %swap3A_467] {strides = array<i32>} : memref<112x144xf32, #tpu.memory_space<vmem>>, vector<1x16xf32>,
        %swap3A_469 = vector.shape_cast %swap3A_468 : vector<1x16xf32> to vector<16xf32>
        %swap3A_470 = vector.shape_cast %mul3A_465 : vector<16xf32> to vector<1x16xf32>
        tpu.vector_store %arg15[%swap3A_466, %swap3A_467], %swap3A_470 {strides = array<i32>} : memref<112x144xf32, #tpu.memory_space<vmem>>, vector<1x16xf32>,
        %get3A_471 = arith.index_cast %add3A_377 : i32 to index
        %get3A_472 = arith.constant 96 : index
        %get3A_473 = tpu.vector_load %arg15[%get3A_471, %get3A_472] {strides = array<i32>} : memref<112x144xf32, #tpu.memory_space<vmem>>, vector<1x16xf32>,
        %get3A_474 = vector.shape_cast %get3A_473 : vector<1x16xf32> to vector<16xf32>
        %slice3A_475 = vector.extract_strided_slice %exp3A {offsets = [6], sizes = [1], strides = [1]} : vector<16xf32> to vector<1xf32>
        %squeeze3A_476 = vector.extract %slice3A_475[0] : f32 from vector<1xf32>
        %mul3A_477 = vector.broadcast %squeeze3A_476 : f32 to vector<16xf32>
        %mul3A_478 = arith.mulf %get3A_474, %mul3A_477 : vector<16xf32>
        %swap3A_479 = arith.index_cast %add3A_377 : i32 to index
        %swap3A_480 = arith.constant 96 : index
        %swap3A_481 = tpu.vector_load %arg15[%swap3A_479, %swap3A_480] {strides = array<i32>} : memref<112x144xf32, #tpu.memory_space<vmem>>, vector<1x16xf32>,
        %swap3A_482 = vector.shape_cast %swap3A_481 : vector<1x16xf32> to vector<16xf32>
        %swap3A_483 = vector.shape_cast %mul3A_478 : vector<16xf32> to vector<1x16xf32>
        tpu.vector_store %arg15[%swap3A_479, %swap3A_480], %swap3A_483 {strides = array<i32>} : memref<112x144xf32, #tpu.memory_space<vmem>>, vector<1x16xf32>,
        %get3A_484 = arith.index_cast %add3A_377 : i32 to index
        %get3A_485 = arith.constant 112 : index
        %get3A_486 = tpu.vector_load %arg15[%get3A_484, %get3A_485] {strides = array<i32>} : memref<112x144xf32, #tpu.memory_space<vmem>>, vector<1x16xf32>,
        %get3A_487 = vector.shape_cast %get3A_486 : vector<1x16xf32> to vector<16xf32>
        %slice3A_488 = vector.extract_strided_slice %exp3A {offsets = [7], sizes = [1], strides = [1]} : vector<16xf32> to vector<1xf32>
        %squeeze3A_489 = vector.extract %slice3A_488[0] : f32 from vector<1xf32>
        %mul3A_490 = vector.broadcast %squeeze3A_489 : f32 to vector<16xf32>
        %mul3A_491 = arith.mulf %get3A_487, %mul3A_490 : vector<16xf32>
        %swap3A_492 = arith.index_cast %add3A_377 : i32 to index
        %swap3A_493 = arith.constant 112 : index
        %swap3A_494 = tpu.vector_load %arg15[%swap3A_492, %swap3A_493] {strides = array<i32>} : memref<112x144xf32, #tpu.memory_space<vmem>>, vector<1x16xf32>,
        %swap3A_495 = vector.shape_cast %swap3A_494 : vector<1x16xf32> to vector<16xf32>
        %swap3A_496 = vector.shape_cast %mul3A_491 : vector<16xf32> to vector<1x16xf32>
        tpu.vector_store %arg15[%swap3A_492, %swap3A_493], %swap3A_496 {strides = array<i32>} : memref<112x144xf32, #tpu.memory_space<vmem>>, vector<1x16xf32>,
        %scan3A_497 = arith.constant 1 : i32
        %scan3A_498 = arith.addi %scan3A_373, %scan3A_497 : i32
        %mul3A_499 = arith.constant 1 : i32
        %mul3A_500 = arith.muli %scan3A_498, %mul3A_499 : i32
        %add3A_501 = arith.constant 0 : i32
        %add3A_502 = arith.addi %add3A_501, %mul3A_500 : i32
        %get3A_503 = arith.index_cast %add3A_502 : i32 to index
        %get3A_504 = arith.constant 128 : index
        %get3A_505 = tpu.vector_load %arg15[%get3A_503, %get3A_504] {strides = array<i32>} : memref<112x144xf32, #tpu.memory_space<vmem>>, vector<1x16xf32>,
        %get3A_506 = vector.shape_cast %get3A_505 : vector<1x16xf32> to vector<16xf32>
        %get3A_507 = arith.index_cast %add3A_502 : i32 to index
        %get3A_508 = arith.constant 0 : index
        %get3A_509 = tpu.vector_load %arg13[%get3A_507, %get3A_508] {strides = array<i32>} : memref<112x16xf32, #tpu.memory_space<vmem>>, vector<1x16xf32>,
        %get3A_510 = vector.shape_cast %get3A_509 : vector<1x16xf32> to vector<16xf32>
        %add3A_511 = arith.addf %get3A_506, %get3A_510 : vector<16xf32>
        %mul3A_512 = arith.constant 2.000000e-01 : f32
        %mul3A_513 = vector.broadcast %mul3A_512 : f32 to vector<16xf32>
        %mul3A_514 = arith.mulf %mul3A_513, %add3A_511 : vector<16xf32>
        %max3A_515 = arith.maximumf %add3A_511, %mul3A_514 : vector<16xf32>
        %sub3A_516 = arith.subf %max3A_515, %get3A_11 : vector<16xf32>
        %exp3A_517 = math.exp %sub3A_516 : vector<16xf32>
        %swap3A_518 = arith.index_cast %add3A_502 : i32 to index
        %swap3A_519 = arith.constant 128 : index
        %swap3A_520 = tpu.vector_load %arg15[%swap3A_518, %swap3A_519] {strides = array<i32>} : memref<112x144xf32, #tpu.memory_space<vmem>>, vector<1x16xf32>,
        %swap3A_521 = vector.shape_cast %swap3A_520 : vector<1x16xf32> to vector<16xf32>
        %swap3A_522 = vector.shape_cast %exp3A_517 : vector<16xf32> to vector<1x16xf32>
        tpu.vector_store %arg15[%swap3A_518, %swap3A_519], %swap3A_522 {strides = array<i32>} : memref<112x144xf32, #tpu.memory_space<vmem>>, vector<1x16xf32>,
        %get3A_523 = arith.index_cast %add3A_502 : i32 to index
        %get3A_524 = arith.constant 0 : index
        %get3A_525 = tpu.vector_load %arg15[%get3A_523, %get3A_524] {strides = array<i32>} : memref<112x144xf32, #tpu.memory_space<vmem>>, vector<1x16xf32>,
        %get3A_526 = vector.shape_cast %get3A_525 : vector<1x16xf32> to vector<16xf32>
        %slice3A_527 = vector.extract_strided_slice %exp3A_517 {offsets = [0], sizes = [1], strides = [1]} : vector<16xf32> to vector<1xf32>
        %squeeze3A_528 = vector.extract %slice3A_527[0] : f32 from vector<1xf32>
        %mul3A_529 = vector.broadcast %squeeze3A_528 : f32 to vector<16xf32>
        %mul3A_530 = arith.mulf %get3A_526, %mul3A_529 : vector<16xf32>
        %swap3A_531 = arith.index_cast %add3A_502 : i32 to index
        %swap3A_532 = arith.constant 0 : index
        %swap3A_533 = tpu.vector_load %arg15[%swap3A_531, %swap3A_532] {strides = array<i32>} : memref<112x144xf32, #tpu.memory_space<vmem>>, vector<1x16xf32>,
        %swap3A_534 = vector.shape_cast %swap3A_533 : vector<1x16xf32> to vector<16xf32>
        %swap3A_535 = vector.shape_cast %mul3A_530 : vector<16xf32> to vector<1x16xf32>
        tpu.vector_store %arg15[%swap3A_531, %swap3A_532], %swap3A_535 {strides = array<i32>} : memref<112x144xf32, #tpu.memory_space<vmem>>, vector<1x16xf32>,
        %get3A_536 = arith.index_cast %add3A_502 : i32 to index
        %get3A_537 = arith.constant 16 : index
        %get3A_538 = tpu.vector_load %arg15[%get3A_536, %get3A_537] {strides = array<i32>} : memref<112x144xf32, #tpu.memory_space<vmem>>, vector<1x16xf32>,
        %get3A_539 = vector.shape_cast %get3A_538 : vector<1x16xf32> to vector<16xf32>
        %slice3A_540 = vector.extract_strided_slice %exp3A_517 {offsets = [1], sizes = [1], strides = [1]} : vector<16xf32> to vector<1xf32>
        %squeeze3A_541 = vector.extract %slice3A_540[0] : f32 from vector<1xf32>
        %mul3A_542 = vector.broadcast %squeeze3A_541 : f32 to vector<16xf32>
        %mul3A_543 = arith.mulf %get3A_539, %mul3A_542 : vector<16xf32>
        %swap3A_544 = arith.index_cast %add3A_502 : i32 to index
        %swap3A_545 = arith.constant 16 : index
        %swap3A_546 = tpu.vector_load %arg15[%swap3A_544, %swap3A_545] {strides = array<i32>} : memref<112x144xf32, #tpu.memory_space<vmem>>, vector<1x16xf32>,
        %swap3A_547 = vector.shape_cast %swap3A_546 : vector<1x16xf32> to vector<16xf32>
        %swap3A_548 = vector.shape_cast %mul3A_543 : vector<16xf32> to vector<1x16xf32>
        tpu.vector_store %arg15[%swap3A_544, %swap3A_545], %swap3A_548 {strides = array<i32>} : memref<112x144xf32, #tpu.memory_space<vmem>>, vector<1x16xf32>,
        %get3A_549 = arith.index_cast %add3A_502 : i32 to index
        %get3A_550 = arith.constant 32 : index
        %get3A_551 = tpu.vector_load %arg15[%get3A_549, %get3A_550] {strides = array<i32>} : memref<112x144xf32, #tpu.memory_space<vmem>>, vector<1x16xf32>,
        %get3A_552 = vector.shape_cast %get3A_551 : vector<1x16xf32> to vector<16xf32>
        %slice3A_553 = vector.extract_strided_slice %exp3A_517 {offsets = [2], sizes = [1], strides = [1]} : vector<16xf32> to vector<1xf32>
        %squeeze3A_554 = vector.extract %slice3A_553[0] : f32 from vector<1xf32>
        %mul3A_555 = vector.broadcast %squeeze3A_554 : f32 to vector<16xf32>
        %mul3A_556 = arith.mulf %get3A_552, %mul3A_555 : vector<16xf32>
        %swap3A_557 = arith.index_cast %add3A_502 : i32 to index
        %swap3A_558 = arith.constant 32 : index
        %swap3A_559 = tpu.vector_load %arg15[%swap3A_557, %swap3A_558] {strides = array<i32>} : memref<112x144xf32, #tpu.memory_space<vmem>>, vector<1x16xf32>,
        %swap3A_560 = vector.shape_cast %swap3A_559 : vector<1x16xf32> to vector<16xf32>
        %swap3A_561 = vector.shape_cast %mul3A_556 : vector<16xf32> to vector<1x16xf32>
        tpu.vector_store %arg15[%swap3A_557, %swap3A_558], %swap3A_561 {strides = array<i32>} : memref<112x144xf32, #tpu.memory_space<vmem>>, vector<1x16xf32>,
        %get3A_562 = arith.index_cast %add3A_502 : i32 to index
        %get3A_563 = arith.constant 48 : index
        %get3A_564 = tpu.vector_load %arg15[%get3A_562, %get3A_563] {strides = array<i32>} : memref<112x144xf32, #tpu.memory_space<vmem>>, vector<1x16xf32>,
        %get3A_565 = vector.shape_cast %get3A_564 : vector<1x16xf32> to vector<16xf32>
        %slice3A_566 = vector.extract_strided_slice %exp3A_517 {offsets = [3], sizes = [1], strides = [1]} : vector<16xf32> to vector<1xf32>
        %squeeze3A_567 = vector.extract %slice3A_566[0] : f32 from vector<1xf32>
        %mul3A_568 = vector.broadcast %squeeze3A_567 : f32 to vector<16xf32>
        %mul3A_569 = arith.mulf %get3A_565, %mul3A_568 : vector<16xf32>
        %swap3A_570 = arith.index_cast %add3A_502 : i32 to index
        %swap3A_571 = arith.constant 48 : index
        %swap3A_572 = tpu.vector_load %arg15[%swap3A_570, %swap3A_571] {strides = array<i32>} : memref<112x144xf32, #tpu.memory_space<vmem>>, vector<1x16xf32>,
        %swap3A_573 = vector.shape_cast %swap3A_572 : vector<1x16xf32> to vector<16xf32>
        %swap3A_574 = vector.shape_cast %mul3A_569 : vector<16xf32> to vector<1x16xf32>
        tpu.vector_store %arg15[%swap3A_570, %swap3A_571], %swap3A_574 {strides = array<i32>} : memref<112x144xf32, #tpu.memory_space<vmem>>, vector<1x16xf32>,
        %get3A_575 = arith.index_cast %add3A_502 : i32 to index
        %get3A_576 = arith.constant 64 : index
        %get3A_577 = tpu.vector_load %arg15[%get3A_575, %get3A_576] {strides = array<i32>} : memref<112x144xf32, #tpu.memory_space<vmem>>, vector<1x16xf32>,
        %get3A_578 = vector.shape_cast %get3A_577 : vector<1x16xf32> to vector<16xf32>
        %slice3A_579 = vector.extract_strided_slice %exp3A_517 {offsets = [4], sizes = [1], strides = [1]} : vector<16xf32> to vector<1xf32>
        %squeeze3A_580 = vector.extract %slice3A_579[0] : f32 from vector<1xf32>
        %mul3A_581 = vector.broadcast %squeeze3A_580 : f32 to vector<16xf32>
        %mul3A_582 = arith.mulf %get3A_578, %mul3A_581 : vector<16xf32>
        %swap3A_583 = arith.index_cast %add3A_502 : i32 to index
        %swap3A_584 = arith.constant 64 : index
        %swap3A_585 = tpu.vector_load %arg15[%swap3A_583, %swap3A_584] {strides = array<i32>} : memref<112x144xf32, #tpu.memory_space<vmem>>, vector<1x16xf32>,
        %swap3A_586 = vector.shape_cast %swap3A_585 : vector<1x16xf32> to vector<16xf32>
        %swap3A_587 = vector.shape_cast %mul3A_582 : vector<16xf32> to vector<1x16xf32>
        tpu.vector_store %arg15[%swap3A_583, %swap3A_584], %swap3A_587 {strides = array<i32>} : memref<112x144xf32, #tpu.memory_space<vmem>>, vector<1x16xf32>,
        %get3A_588 = arith.index_cast %add3A_502 : i32 to index
        %get3A_589 = arith.constant 80 : index
        %get3A_590 = tpu.vector_load %arg15[%get3A_588, %get3A_589] {strides = array<i32>} : memref<112x144xf32, #tpu.memory_space<vmem>>, vector<1x16xf32>,
        %get3A_591 = vector.shape_cast %get3A_590 : vector<1x16xf32> to vector<16xf32>
        %slice3A_592 = vector.extract_strided_slice %exp3A_517 {offsets = [5], sizes = [1], strides = [1]} : vector<16xf32> to vector<1xf32>
        %squeeze3A_593 = vector.extract %slice3A_592[0] : f32 from vector<1xf32>
        %mul3A_594 = vector.broadcast %squeeze3A_593 : f32 to vector<16xf32>
        %mul3A_595 = arith.mulf %get3A_591, %mul3A_594 : vector<16xf32>
        %swap3A_596 = arith.index_cast %add3A_502 : i32 to index
        %swap3A_597 = arith.constant 80 : index
        %swap3A_598 = tpu.vector_load %arg15[%swap3A_596, %swap3A_597] {strides = array<i32>} : memref<112x144xf32, #tpu.memory_space<vmem>>, vector<1x16xf32>,
        %swap3A_599 = vector.shape_cast %swap3A_598 : vector<1x16xf32> to vector<16xf32>
        %swap3A_600 = vector.shape_cast %mul3A_595 : vector<16xf32> to vector<1x16xf32>
        tpu.vector_store %arg15[%swap3A_596, %swap3A_597], %swap3A_600 {strides = array<i32>} : memref<112x144xf32, #tpu.memory_space<vmem>>, vector<1x16xf32>,
        %get3A_601 = arith.index_cast %add3A_502 : i32 to index
        %get3A_602 = arith.constant 96 : index
        %get3A_603 = tpu.vector_load %arg15[%get3A_601, %get3A_602] {strides = array<i32>} : memref<112x144xf32, #tpu.memory_space<vmem>>, vector<1x16xf32>,
        %get3A_604 = vector.shape_cast %get3A_603 : vector<1x16xf32> to vector<16xf32>
        %slice3A_605 = vector.extract_strided_slice %exp3A_517 {offsets = [6], sizes = [1], strides = [1]} : vector<16xf32> to vector<1xf32>
        %squeeze3A_606 = vector.extract %slice3A_605[0] : f32 from vector<1xf32>
        %mul3A_607 = vector.broadcast %squeeze3A_606 : f32 to vector<16xf32>
        %mul3A_608 = arith.mulf %get3A_604, %mul3A_607 : vector<16xf32>
        %swap3A_609 = arith.index_cast %add3A_502 : i32 to index
        %swap3A_610 = arith.constant 96 : index
        %swap3A_611 = tpu.vector_load %arg15[%swap3A_609, %swap3A_610] {strides = array<i32>} : memref<112x144xf32, #tpu.memory_space<vmem>>, vector<1x16xf32>,
        %swap3A_612 = vector.shape_cast %swap3A_611 : vector<1x16xf32> to vector<16xf32>
        %swap3A_613 = vector.shape_cast %mul3A_608 : vector<16xf32> to vector<1x16xf32>
        tpu.vector_store %arg15[%swap3A_609, %swap3A_610], %swap3A_613 {strides = array<i32>} : memref<112x144xf32, #tpu.memory_space<vmem>>, vector<1x16xf32>,
        %get3A_614 = arith.index_cast %add3A_502 : i32 to index
        %get3A_615 = arith.constant 112 : index
        %get3A_616 = tpu.vector_load %arg15[%get3A_614, %get3A_615] {strides = array<i32>} : memref<112x144xf32, #tpu.memory_space<vmem>>, vector<1x16xf32>,
        %get3A_617 = vector.shape_cast %get3A_616 : vector<1x16xf32> to vector<16xf32>
        %slice3A_618 = vector.extract_strided_slice %exp3A_517 {offsets = [7], sizes = [1], strides = [1]} : vector<16xf32> to vector<1xf32>
        %squeeze3A_619 = vector.extract %slice3A_618[0] : f32 from vector<1xf32>
        %mul3A_620 = vector.broadcast %squeeze3A_619 : f32 to vector<16xf32>
        %mul3A_621 = arith.mulf %get3A_617, %mul3A_620 : vector<16xf32>
        %swap3A_622 = arith.index_cast %add3A_502 : i32 to index
        %swap3A_623 = arith.constant 112 : index
        %swap3A_624 = tpu.vector_load %arg15[%swap3A_622, %swap3A_623] {strides = array<i32>} : memref<112x144xf32, #tpu.memory_space<vmem>>, vector<1x16xf32>,
        %swap3A_625 = vector.shape_cast %swap3A_624 : vector<1x16xf32> to vector<16xf32>
        %swap3A_626 = vector.shape_cast %mul3A_621 : vector<16xf32> to vector<1x16xf32>
        tpu.vector_store %arg15[%swap3A_622, %swap3A_623], %swap3A_626 {strides = array<i32>} : memref<112x144xf32, #tpu.memory_space<vmem>>, vector<1x16xf32>,
        %scan3A_627 = arith.constant 2 : i32
        %scan3A_628 = arith.addi %scan3A_373, %scan3A_627 : i32
        %mul3A_629 = arith.constant 1 : i32
        %mul3A_630 = arith.muli %scan3A_628, %mul3A_629 : i32
        %add3A_631 = arith.constant 0 : i32
        %add3A_632 = arith.addi %add3A_631, %mul3A_630 : i32
        %get3A_633 = arith.index_cast %add3A_632 : i32 to index
        %get3A_634 = arith.constant 128 : index
        %get3A_635 = tpu.vector_load %arg15[%get3A_633, %get3A_634] {strides = array<i32>} : memref<112x144xf32, #tpu.memory_space<vmem>>, vector<1x16xf32>,
        %get3A_636 = vector.shape_cast %get3A_635 : vector<1x16xf32> to vector<16xf32>
        %get3A_637 = arith.index_cast %add3A_632 : i32 to index
        %get3A_638 = arith.constant 0 : index
        %get3A_639 = tpu.vector_load %arg13[%get3A_637, %get3A_638] {strides = array<i32>} : memref<112x16xf32, #tpu.memory_space<vmem>>, vector<1x16xf32>,
        %get3A_640 = vector.shape_cast %get3A_639 : vector<1x16xf32> to vector<16xf32>
        %add3A_641 = arith.addf %get3A_636, %get3A_640 : vector<16xf32>
        %mul3A_642 = arith.constant 2.000000e-01 : f32
        %mul3A_643 = vector.broadcast %mul3A_642 : f32 to vector<16xf32>
        %mul3A_644 = arith.mulf %mul3A_643, %add3A_641 : vector<16xf32>
        %max3A_645 = arith.maximumf %add3A_641, %mul3A_644 : vector<16xf32>
        %sub3A_646 = arith.subf %max3A_645, %get3A_11 : vector<16xf32>
        %exp3A_647 = math.exp %sub3A_646 : vector<16xf32>
        %swap3A_648 = arith.index_cast %add3A_632 : i32 to index
        %swap3A_649 = arith.constant 128 : index
        %swap3A_650 = tpu.vector_load %arg15[%swap3A_648, %swap3A_649] {strides = array<i32>} : memref<112x144xf32, #tpu.memory_space<vmem>>, vector<1x16xf32>,
        %swap3A_651 = vector.shape_cast %swap3A_650 : vector<1x16xf32> to vector<16xf32>
        %swap3A_652 = vector.shape_cast %exp3A_647 : vector<16xf32> to vector<1x16xf32>
        tpu.vector_store %arg15[%swap3A_648, %swap3A_649], %swap3A_652 {strides = array<i32>} : memref<112x144xf32, #tpu.memory_space<vmem>>, vector<1x16xf32>,
        %get3A_653 = arith.index_cast %add3A_632 : i32 to index
        %get3A_654 = arith.constant 0 : index
        %get3A_655 = tpu.vector_load %arg15[%get3A_653, %get3A_654] {strides = array<i32>} : memref<112x144xf32, #tpu.memory_space<vmem>>, vector<1x16xf32>,
        %get3A_656 = vector.shape_cast %get3A_655 : vector<1x16xf32> to vector<16xf32>
        %slice3A_657 = vector.extract_strided_slice %exp3A_647 {offsets = [0], sizes = [1], strides = [1]} : vector<16xf32> to vector<1xf32>
        %squeeze3A_658 = vector.extract %slice3A_657[0] : f32 from vector<1xf32>
        %mul3A_659 = vector.broadcast %squeeze3A_658 : f32 to vector<16xf32>
        %mul3A_660 = arith.mulf %get3A_656, %mul3A_659 : vector<16xf32>
        %swap3A_661 = arith.index_cast %add3A_632 : i32 to index
        %swap3A_662 = arith.constant 0 : index
        %swap3A_663 = tpu.vector_load %arg15[%swap3A_661, %swap3A_662] {strides = array<i32>} : memref<112x144xf32, #tpu.memory_space<vmem>>, vector<1x16xf32>,
        %swap3A_664 = vector.shape_cast %swap3A_663 : vector<1x16xf32> to vector<16xf32>
        %swap3A_665 = vector.shape_cast %mul3A_660 : vector<16xf32> to vector<1x16xf32>
        tpu.vector_store %arg15[%swap3A_661, %swap3A_662], %swap3A_665 {strides = array<i32>} : memref<112x144xf32, #tpu.memory_space<vmem>>, vector<1x16xf32>,
        %get3A_666 = arith.index_cast %add3A_632 : i32 to index
        %get3A_667 = arith.constant 16 : index
        %get3A_668 = tpu.vector_load %arg15[%get3A_666, %get3A_667] {strides = array<i32>} : memref<112x144xf32, #tpu.memory_space<vmem>>, vector<1x16xf32>,
        %get3A_669 = vector.shape_cast %get3A_668 : vector<1x16xf32> to vector<16xf32>
        %slice3A_670 = vector.extract_strided_slice %exp3A_647 {offsets = [1], sizes = [1], strides = [1]} : vector<16xf32> to vector<1xf32>
        %squeeze3A_671 = vector.extract %slice3A_670[0] : f32 from vector<1xf32>
        %mul3A_672 = vector.broadcast %squeeze3A_671 : f32 to vector<16xf32>
        %mul3A_673 = arith.mulf %get3A_669, %mul3A_672 : vector<16xf32>
        %swap3A_674 = arith.index_cast %add3A_632 : i32 to index
        %swap3A_675 = arith.constant 16 : index
        %swap3A_676 = tpu.vector_load %arg15[%swap3A_674, %swap3A_675] {strides = array<i32>} : memref<112x144xf32, #tpu.memory_space<vmem>>, vector<1x16xf32>,
        %swap3A_677 = vector.shape_cast %swap3A_676 : vector<1x16xf32> to vector<16xf32>
        %swap3A_678 = vector.shape_cast %mul3A_673 : vector<16xf32> to vector<1x16xf32>
        tpu.vector_store %arg15[%swap3A_674, %swap3A_675], %swap3A_678 {strides = array<i32>} : memref<112x144xf32, #tpu.memory_space<vmem>>, vector<1x16xf32>,
        %get3A_679 = arith.index_cast %add3A_632 : i32 to index
        %get3A_680 = arith.constant 32 : index
        %get3A_681 = tpu.vector_load %arg15[%get3A_679, %get3A_680] {strides = array<i32>} : memref<112x144xf32, #tpu.memory_space<vmem>>, vector<1x16xf32>,
        %get3A_682 = vector.shape_cast %get3A_681 : vector<1x16xf32> to vector<16xf32>
        %slice3A_683 = vector.extract_strided_slice %exp3A_647 {offsets = [2], sizes = [1], strides = [1]} : vector<16xf32> to vector<1xf32>
        %squeeze3A_684 = vector.extract %slice3A_683[0] : f32 from vector<1xf32>
        %mul3A_685 = vector.broadcast %squeeze3A_684 : f32 to vector<16xf32>
        %mul3A_686 = arith.mulf %get3A_682, %mul3A_685 : vector<16xf32>
        %swap3A_687 = arith.index_cast %add3A_632 : i32 to index
        %swap3A_688 = arith.constant 32 : index
        %swap3A_689 = tpu.vector_load %arg15[%swap3A_687, %swap3A_688] {strides = array<i32>} : memref<112x144xf32, #tpu.memory_space<vmem>>, vector<1x16xf32>,
        %swap3A_690 = vector.shape_cast %swap3A_689 : vector<1x16xf32> to vector<16xf32>
        %swap3A_691 = vector.shape_cast %mul3A_686 : vector<16xf32> to vector<1x16xf32>
        tpu.vector_store %arg15[%swap3A_687, %swap3A_688], %swap3A_691 {strides = array<i32>} : memref<112x144xf32, #tpu.memory_space<vmem>>, vector<1x16xf32>,
        %get3A_692 = arith.index_cast %add3A_632 : i32 to index
        %get3A_693 = arith.constant 48 : index
        %get3A_694 = tpu.vector_load %arg15[%get3A_692, %get3A_693] {strides = array<i32>} : memref<112x144xf32, #tpu.memory_space<vmem>>, vector<1x16xf32>,
        %get3A_695 = vector.shape_cast %get3A_694 : vector<1x16xf32> to vector<16xf32>
        %slice3A_696 = vector.extract_strided_slice %exp3A_647 {offsets = [3], sizes = [1], strides = [1]} : vector<16xf32> to vector<1xf32>
        %squeeze3A_697 = vector.extract %slice3A_696[0] : f32 from vector<1xf32>
        %mul3A_698 = vector.broadcast %squeeze3A_697 : f32 to vector<16xf32>
        %mul3A_699 = arith.mulf %get3A_695, %mul3A_698 : vector<16xf32>
        %swap3A_700 = arith.index_cast %add3A_632 : i32 to index
        %swap3A_701 = arith.constant 48 : index
        %swap3A_702 = tpu.vector_load %arg15[%swap3A_700, %swap3A_701] {strides = array<i32>} : memref<112x144xf32, #tpu.memory_space<vmem>>, vector<1x16xf32>,
        %swap3A_703 = vector.shape_cast %swap3A_702 : vector<1x16xf32> to vector<16xf32>
        %swap3A_704 = vector.shape_cast %mul3A_699 : vector<16xf32> to vector<1x16xf32>
        tpu.vector_store %arg15[%swap3A_700, %swap3A_701], %swap3A_704 {strides = array<i32>} : memref<112x144xf32, #tpu.memory_space<vmem>>, vector<1x16xf32>,
        %get3A_705 = arith.index_cast %add3A_632 : i32 to index
        %get3A_706 = arith.constant 64 : index
        %get3A_707 = tpu.vector_load %arg15[%get3A_705, %get3A_706] {strides = array<i32>} : memref<112x144xf32, #tpu.memory_space<vmem>>, vector<1x16xf32>,
        %get3A_708 = vector.shape_cast %get3A_707 : vector<1x16xf32> to vector<16xf32>
        %slice3A_709 = vector.extract_strided_slice %exp3A_647 {offsets = [4], sizes = [1], strides = [1]} : vector<16xf32> to vector<1xf32>
        %squeeze3A_710 = vector.extract %slice3A_709[0] : f32 from vector<1xf32>
        %mul3A_711 = vector.broadcast %squeeze3A_710 : f32 to vector<16xf32>
        %mul3A_712 = arith.mulf %get3A_708, %mul3A_711 : vector<16xf32>
        %swap3A_713 = arith.index_cast %add3A_632 : i32 to index
        %swap3A_714 = arith.constant 64 : index
        %swap3A_715 = tpu.vector_load %arg15[%swap3A_713, %swap3A_714] {strides = array<i32>} : memref<112x144xf32, #tpu.memory_space<vmem>>, vector<1x16xf32>,
        %swap3A_716 = vector.shape_cast %swap3A_715 : vector<1x16xf32> to vector<16xf32>
        %swap3A_717 = vector.shape_cast %mul3A_712 : vector<16xf32> to vector<1x16xf32>
        tpu.vector_store %arg15[%swap3A_713, %swap3A_714], %swap3A_717 {strides = array<i32>} : memref<112x144xf32, #tpu.memory_space<vmem>>, vector<1x16xf32>,
        %get3A_718 = arith.index_cast %add3A_632 : i32 to index
        %get3A_719 = arith.constant 80 : index
        %get3A_720 = tpu.vector_load %arg15[%get3A_718, %get3A_719] {strides = array<i32>} : memref<112x144xf32, #tpu.memory_space<vmem>>, vector<1x16xf32>,
        %get3A_721 = vector.shape_cast %get3A_720 : vector<1x16xf32> to vector<16xf32>
        %slice3A_722 = vector.extract_strided_slice %exp3A_647 {offsets = [5], sizes = [1], strides = [1]} : vector<16xf32> to vector<1xf32>
        %squeeze3A_723 = vector.extract %slice3A_722[0] : f32 from vector<1xf32>
        %mul3A_724 = vector.broadcast %squeeze3A_723 : f32 to vector<16xf32>
        %mul3A_725 = arith.mulf %get3A_721, %mul3A_724 : vector<16xf32>
        %swap3A_726 = arith.index_cast %add3A_632 : i32 to index
        %swap3A_727 = arith.constant 80 : index
        %swap3A_728 = tpu.vector_load %arg15[%swap3A_726, %swap3A_727] {strides = array<i32>} : memref<112x144xf32, #tpu.memory_space<vmem>>, vector<1x16xf32>,
        %swap3A_729 = vector.shape_cast %swap3A_728 : vector<1x16xf32> to vector<16xf32>
        %swap3A_730 = vector.shape_cast %mul3A_725 : vector<16xf32> to vector<1x16xf32>
        tpu.vector_store %arg15[%swap3A_726, %swap3A_727], %swap3A_730 {strides = array<i32>} : memref<112x144xf32, #tpu.memory_space<vmem>>, vector<1x16xf32>,
        %get3A_731 = arith.index_cast %add3A_632 : i32 to index
        %get3A_732 = arith.constant 96 : index
        %get3A_733 = tpu.vector_load %arg15[%get3A_731, %get3A_732] {strides = array<i32>} : memref<112x144xf32, #tpu.memory_space<vmem>>, vector<1x16xf32>,
        %get3A_734 = vector.shape_cast %get3A_733 : vector<1x16xf32> to vector<16xf32>
        %slice3A_735 = vector.extract_strided_slice %exp3A_647 {offsets = [6], sizes = [1], strides = [1]} : vector<16xf32> to vector<1xf32>
        %squeeze3A_736 = vector.extract %slice3A_735[0] : f32 from vector<1xf32>
        %mul3A_737 = vector.broadcast %squeeze3A_736 : f32 to vector<16xf32>
        %mul3A_738 = arith.mulf %get3A_734, %mul3A_737 : vector<16xf32>
        %swap3A_739 = arith.index_cast %add3A_632 : i32 to index
        %swap3A_740 = arith.constant 96 : index
        %swap3A_741 = tpu.vector_load %arg15[%swap3A_739, %swap3A_740] {strides = array<i32>} : memref<112x144xf32, #tpu.memory_space<vmem>>, vector<1x16xf32>,
        %swap3A_742 = vector.shape_cast %swap3A_741 : vector<1x16xf32> to vector<16xf32>
        %swap3A_743 = vector.shape_cast %mul3A_738 : vector<16xf32> to vector<1x16xf32>
        tpu.vector_store %arg15[%swap3A_739, %swap3A_740], %swap3A_743 {strides = array<i32>} : memref<112x144xf32, #tpu.memory_space<vmem>>, vector<1x16xf32>,
        %get3A_744 = arith.index_cast %add3A_632 : i32 to index
        %get3A_745 = arith.constant 112 : index
        %get3A_746 = tpu.vector_load %arg15[%get3A_744, %get3A_745] {strides = array<i32>} : memref<112x144xf32, #tpu.memory_space<vmem>>, vector<1x16xf32>,
        %get3A_747 = vector.shape_cast %get3A_746 : vector<1x16xf32> to vector<16xf32>
        %slice3A_748 = vector.extract_strided_slice %exp3A_647 {offsets = [7], sizes = [1], strides = [1]} : vector<16xf32> to vector<1xf32>
        %squeeze3A_749 = vector.extract %slice3A_748[0] : f32 from vector<1xf32>
        %mul3A_750 = vector.broadcast %squeeze3A_749 : f32 to vector<16xf32>
        %mul3A_751 = arith.mulf %get3A_747, %mul3A_750 : vector<16xf32>
        %swap3A_752 = arith.index_cast %add3A_632 : i32 to index
        %swap3A_753 = arith.constant 112 : index
        %swap3A_754 = tpu.vector_load %arg15[%swap3A_752, %swap3A_753] {strides = array<i32>} : memref<112x144xf32, #tpu.memory_space<vmem>>, vector<1x16xf32>,
        %swap3A_755 = vector.shape_cast %swap3A_754 : vector<1x16xf32> to vector<16xf32>
        %swap3A_756 = vector.shape_cast %mul3A_751 : vector<16xf32> to vector<1x16xf32>
        tpu.vector_store %arg15[%swap3A_752, %swap3A_753], %swap3A_756 {strides = array<i32>} : memref<112x144xf32, #tpu.memory_space<vmem>>, vector<1x16xf32>,
        %scan3A_757 = arith.constant 3 : i32
        %scan3A_758 = arith.addi %scan3A_373, %scan3A_757 : i32
        %mul3A_759 = arith.constant 1 : i32
        %mul3A_760 = arith.muli %scan3A_758, %mul3A_759 : i32
        %add3A_761 = arith.constant 0 : i32
        %add3A_762 = arith.addi %add3A_761, %mul3A_760 : i32
        %get3A_763 = arith.index_cast %add3A_762 : i32 to index
        %get3A_764 = arith.constant 128 : index
        %get3A_765 = tpu.vector_load %arg15[%get3A_763, %get3A_764] {strides = array<i32>} : memref<112x144xf32, #tpu.memory_space<vmem>>, vector<1x16xf32>,
        %get3A_766 = vector.shape_cast %get3A_765 : vector<1x16xf32> to vector<16xf32>
        %get3A_767 = arith.index_cast %add3A_762 : i32 to index
        %get3A_768 = arith.constant 0 : index
        %get3A_769 = tpu.vector_load %arg13[%get3A_767, %get3A_768] {strides = array<i32>} : memref<112x16xf32, #tpu.memory_space<vmem>>, vector<1x16xf32>,
        %get3A_770 = vector.shape_cast %get3A_769 : vector<1x16xf32> to vector<16xf32>
        %add3A_771 = arith.addf %get3A_766, %get3A_770 : vector<16xf32>
        %mul3A_772 = arith.constant 2.000000e-01 : f32
        %mul3A_773 = vector.broadcast %mul3A_772 : f32 to vector<16xf32>
        %mul3A_774 = arith.mulf %mul3A_773, %add3A_771 : vector<16xf32>
        %max3A_775 = arith.maximumf %add3A_771, %mul3A_774 : vector<16xf32>
        %sub3A_776 = arith.subf %max3A_775, %get3A_11 : vector<16xf32>
        %exp3A_777 = math.exp %sub3A_776 : vector<16xf32>
        %swap3A_778 = arith.index_cast %add3A_762 : i32 to index
        %swap3A_779 = arith.constant 128 : index
        %swap3A_780 = tpu.vector_load %arg15[%swap3A_778, %swap3A_779] {strides = array<i32>} : memref<112x144xf32, #tpu.memory_space<vmem>>, vector<1x16xf32>,
        %swap3A_781 = vector.shape_cast %swap3A_780 : vector<1x16xf32> to vector<16xf32>
        %swap3A_782 = vector.shape_cast %exp3A_777 : vector<16xf32> to vector<1x16xf32>
        tpu.vector_store %arg15[%swap3A_778, %swap3A_779], %swap3A_782 {strides = array<i32>} : memref<112x144xf32, #tpu.memory_space<vmem>>, vector<1x16xf32>,
        %get3A_783 = arith.index_cast %add3A_762 : i32 to index
        %get3A_784 = arith.constant 0 : index
        %get3A_785 = tpu.vector_load %arg15[%get3A_783, %get3A_784] {strides = array<i32>} : memref<112x144xf32, #tpu.memory_space<vmem>>, vector<1x16xf32>,
        %get3A_786 = vector.shape_cast %get3A_785 : vector<1x16xf32> to vector<16xf32>
        %slice3A_787 = vector.extract_strided_slice %exp3A_777 {offsets = [0], sizes = [1], strides = [1]} : vector<16xf32> to vector<1xf32>
        %squeeze3A_788 = vector.extract %slice3A_787[0] : f32 from vector<1xf32>
        %mul3A_789 = vector.broadcast %squeeze3A_788 : f32 to vector<16xf32>
        %mul3A_790 = arith.mulf %get3A_786, %mul3A_789 : vector<16xf32>
        %swap3A_791 = arith.index_cast %add3A_762 : i32 to index
        %swap3A_792 = arith.constant 0 : index
        %swap3A_793 = tpu.vector_load %arg15[%swap3A_791, %swap3A_792] {strides = array<i32>} : memref<112x144xf32, #tpu.memory_space<vmem>>, vector<1x16xf32>,
        %swap3A_794 = vector.shape_cast %swap3A_793 : vector<1x16xf32> to vector<16xf32>
        %swap3A_795 = vector.shape_cast %mul3A_790 : vector<16xf32> to vector<1x16xf32>
        tpu.vector_store %arg15[%swap3A_791, %swap3A_792], %swap3A_795 {strides = array<i32>} : memref<112x144xf32, #tpu.memory_space<vmem>>, vector<1x16xf32>,
        %get3A_796 = arith.index_cast %add3A_762 : i32 to index
        %get3A_797 = arith.constant 16 : index
        %get3A_798 = tpu.vector_load %arg15[%get3A_796, %get3A_797] {strides = array<i32>} : memref<112x144xf32, #tpu.memory_space<vmem>>, vector<1x16xf32>,
        %get3A_799 = vector.shape_cast %get3A_798 : vector<1x16xf32> to vector<16xf32>
        %slice3A_800 = vector.extract_strided_slice %exp3A_777 {offsets = [1], sizes = [1], strides = [1]} : vector<16xf32> to vector<1xf32>
        %squeeze3A_801 = vector.extract %slice3A_800[0] : f32 from vector<1xf32>
        %mul3A_802 = vector.broadcast %squeeze3A_801 : f32 to vector<16xf32>
        %mul3A_803 = arith.mulf %get3A_799, %mul3A_802 : vector<16xf32>
        %swap3A_804 = arith.index_cast %add3A_762 : i32 to index
        %swap3A_805 = arith.constant 16 : index
        %swap3A_806 = tpu.vector_load %arg15[%swap3A_804, %swap3A_805] {strides = array<i32>} : memref<112x144xf32, #tpu.memory_space<vmem>>, vector<1x16xf32>,
        %swap3A_807 = vector.shape_cast %swap3A_806 : vector<1x16xf32> to vector<16xf32>
        %swap3A_808 = vector.shape_cast %mul3A_803 : vector<16xf32> to vector<1x16xf32>
        tpu.vector_store %arg15[%swap3A_804, %swap3A_805], %swap3A_808 {strides = array<i32>} : memref<112x144xf32, #tpu.memory_space<vmem>>, vector<1x16xf32>,
        %get3A_809 = arith.index_cast %add3A_762 : i32 to index
        %get3A_810 = arith.constant 32 : index
        %get3A_811 = tpu.vector_load %arg15[%get3A_809, %get3A_810] {strides = array<i32>} : memref<112x144xf32, #tpu.memory_space<vmem>>, vector<1x16xf32>,
        %get3A_812 = vector.shape_cast %get3A_811 : vector<1x16xf32> to vector<16xf32>
        %slice3A_813 = vector.extract_strided_slice %exp3A_777 {offsets = [2], sizes = [1], strides = [1]} : vector<16xf32> to vector<1xf32>
        %squeeze3A_814 = vector.extract %slice3A_813[0] : f32 from vector<1xf32>
        %mul3A_815 = vector.broadcast %squeeze3A_814 : f32 to vector<16xf32>
        %mul3A_816 = arith.mulf %get3A_812, %mul3A_815 : vector<16xf32>
        %swap3A_817 = arith.index_cast %add3A_762 : i32 to index
        %swap3A_818 = arith.constant 32 : index
        %swap3A_819 = tpu.vector_load %arg15[%swap3A_817, %swap3A_818] {strides = array<i32>} : memref<112x144xf32, #tpu.memory_space<vmem>>, vector<1x16xf32>,
        %swap3A_820 = vector.shape_cast %swap3A_819 : vector<1x16xf32> to vector<16xf32>
        %swap3A_821 = vector.shape_cast %mul3A_816 : vector<16xf32> to vector<1x16xf32>
        tpu.vector_store %arg15[%swap3A_817, %swap3A_818], %swap3A_821 {strides = array<i32>} : memref<112x144xf32, #tpu.memory_space<vmem>>, vector<1x16xf32>,
        %get3A_822 = arith.index_cast %add3A_762 : i32 to index
        %get3A_823 = arith.constant 48 : index
        %get3A_824 = tpu.vector_load %arg15[%get3A_822, %get3A_823] {strides = array<i32>} : memref<112x144xf32, #tpu.memory_space<vmem>>, vector<1x16xf32>,
        %get3A_825 = vector.shape_cast %get3A_824 : vector<1x16xf32> to vector<16xf32>
        %slice3A_826 = vector.extract_strided_slice %exp3A_777 {offsets = [3], sizes = [1], strides = [1]} : vector<16xf32> to vector<1xf32>
        %squeeze3A_827 = vector.extract %slice3A_826[0] : f32 from vector<1xf32>
        %mul3A_828 = vector.broadcast %squeeze3A_827 : f32 to vector<16xf32>
        %mul3A_829 = arith.mulf %get3A_825, %mul3A_828 : vector<16xf32>
        %swap3A_830 = arith.index_cast %add3A_762 : i32 to index
        %swap3A_831 = arith.constant 48 : index
        %swap3A_832 = tpu.vector_load %arg15[%swap3A_830, %swap3A_831] {strides = array<i32>} : memref<112x144xf32, #tpu.memory_space<vmem>>, vector<1x16xf32>,
        %swap3A_833 = vector.shape_cast %swap3A_832 : vector<1x16xf32> to vector<16xf32>
        %swap3A_834 = vector.shape_cast %mul3A_829 : vector<16xf32> to vector<1x16xf32>
        tpu.vector_store %arg15[%swap3A_830, %swap3A_831], %swap3A_834 {strides = array<i32>} : memref<112x144xf32, #tpu.memory_space<vmem>>, vector<1x16xf32>,
        %get3A_835 = arith.index_cast %add3A_762 : i32 to index
        %get3A_836 = arith.constant 64 : index
        %get3A_837 = tpu.vector_load %arg15[%get3A_835, %get3A_836] {strides = array<i32>} : memref<112x144xf32, #tpu.memory_space<vmem>>, vector<1x16xf32>,
        %get3A_838 = vector.shape_cast %get3A_837 : vector<1x16xf32> to vector<16xf32>
        %slice3A_839 = vector.extract_strided_slice %exp3A_777 {offsets = [4], sizes = [1], strides = [1]} : vector<16xf32> to vector<1xf32>
        %squeeze3A_840 = vector.extract %slice3A_839[0] : f32 from vector<1xf32>
        %mul3A_841 = vector.broadcast %squeeze3A_840 : f32 to vector<16xf32>
        %mul3A_842 = arith.mulf %get3A_838, %mul3A_841 : vector<16xf32>
        %swap3A_843 = arith.index_cast %add3A_762 : i32 to index
        %swap3A_844 = arith.constant 64 : index
        %swap3A_845 = tpu.vector_load %arg15[%swap3A_843, %swap3A_844] {strides = array<i32>} : memref<112x144xf32, #tpu.memory_space<vmem>>, vector<1x16xf32>,
        %swap3A_846 = vector.shape_cast %swap3A_845 : vector<1x16xf32> to vector<16xf32>
        %swap3A_847 = vector.shape_cast %mul3A_842 : vector<16xf32> to vector<1x16xf32>
        tpu.vector_store %arg15[%swap3A_843, %swap3A_844], %swap3A_847 {strides = array<i32>} : memref<112x144xf32, #tpu.memory_space<vmem>>, vector<1x16xf32>,
        %get3A_848 = arith.index_cast %add3A_762 : i32 to index
        %get3A_849 = arith.constant 80 : index
        %get3A_850 = tpu.vector_load %arg15[%get3A_848, %get3A_849] {strides = array<i32>} : memref<112x144xf32, #tpu.memory_space<vmem>>, vector<1x16xf32>,
        %get3A_851 = vector.shape_cast %get3A_850 : vector<1x16xf32> to vector<16xf32>
        %slice3A_852 = vector.extract_strided_slice %exp3A_777 {offsets = [5], sizes = [1], strides = [1]} : vector<16xf32> to vector<1xf32>
        %squeeze3A_853 = vector.extract %slice3A_852[0] : f32 from vector<1xf32>
        %mul3A_854 = vector.broadcast %squeeze3A_853 : f32 to vector<16xf32>
        %mul3A_855 = arith.mulf %get3A_851, %mul3A_854 : vector<16xf32>
        %swap3A_856 = arith.index_cast %add3A_762 : i32 to index
        %swap3A_857 = arith.constant 80 : index
        %swap3A_858 = tpu.vector_load %arg15[%swap3A_856, %swap3A_857] {strides = array<i32>} : memref<112x144xf32, #tpu.memory_space<vmem>>, vector<1x16xf32>,
        %swap3A_859 = vector.shape_cast %swap3A_858 : vector<1x16xf32> to vector<16xf32>
        %swap3A_860 = vector.shape_cast %mul3A_855 : vector<16xf32> to vector<1x16xf32>
        tpu.vector_store %arg15[%swap3A_856, %swap3A_857], %swap3A_860 {strides = array<i32>} : memref<112x144xf32, #tpu.memory_space<vmem>>, vector<1x16xf32>,
        %get3A_861 = arith.index_cast %add3A_762 : i32 to index
        %get3A_862 = arith.constant 96 : index
        %get3A_863 = tpu.vector_load %arg15[%get3A_861, %get3A_862] {strides = array<i32>} : memref<112x144xf32, #tpu.memory_space<vmem>>, vector<1x16xf32>,
        %get3A_864 = vector.shape_cast %get3A_863 : vector<1x16xf32> to vector<16xf32>
        %slice3A_865 = vector.extract_strided_slice %exp3A_777 {offsets = [6], sizes = [1], strides = [1]} : vector<16xf32> to vector<1xf32>
        %squeeze3A_866 = vector.extract %slice3A_865[0] : f32 from vector<1xf32>
        %mul3A_867 = vector.broadcast %squeeze3A_866 : f32 to vector<16xf32>
        %mul3A_868 = arith.mulf %get3A_864, %mul3A_867 : vector<16xf32>
        %swap3A_869 = arith.index_cast %add3A_762 : i32 to index
        %swap3A_870 = arith.constant 96 : index
        %swap3A_871 = tpu.vector_load %arg15[%swap3A_869, %swap3A_870] {strides = array<i32>} : memref<112x144xf32, #tpu.memory_space<vmem>>, vector<1x16xf32>,
        %swap3A_872 = vector.shape_cast %swap3A_871 : vector<1x16xf32> to vector<16xf32>
        %swap3A_873 = vector.shape_cast %mul3A_868 : vector<16xf32> to vector<1x16xf32>
        tpu.vector_store %arg15[%swap3A_869, %swap3A_870], %swap3A_873 {strides = array<i32>} : memref<112x144xf32, #tpu.memory_space<vmem>>, vector<1x16xf32>,
        %get3A_874 = arith.index_cast %add3A_762 : i32 to index
        %get3A_875 = arith.constant 112 : index
        %get3A_876 = tpu.vector_load %arg15[%get3A_874, %get3A_875] {strides = array<i32>} : memref<112x144xf32, #tpu.memory_space<vmem>>, vector<1x16xf32>,
        %get3A_877 = vector.shape_cast %get3A_876 : vector<1x16xf32> to vector<16xf32>
        %slice3A_878 = vector.extract_strided_slice %exp3A_777 {offsets = [7], sizes = [1], strides = [1]} : vector<16xf32> to vector<1xf32>
        %squeeze3A_879 = vector.extract %slice3A_878[0] : f32 from vector<1xf32>
        %mul3A_880 = vector.broadcast %squeeze3A_879 : f32 to vector<16xf32>
        %mul3A_881 = arith.mulf %get3A_877, %mul3A_880 : vector<16xf32>
        %swap3A_882 = arith.index_cast %add3A_762 : i32 to index
        %swap3A_883 = arith.constant 112 : index
        %swap3A_884 = tpu.vector_load %arg15[%swap3A_882, %swap3A_883] {strides = array<i32>} : memref<112x144xf32, #tpu.memory_space<vmem>>, vector<1x16xf32>,
        %swap3A_885 = vector.shape_cast %swap3A_884 : vector<1x16xf32> to vector<16xf32>
        %swap3A_886 = vector.shape_cast %mul3A_881 : vector<16xf32> to vector<1x16xf32>
        tpu.vector_store %arg15[%swap3A_882, %swap3A_883], %swap3A_886 {strides = array<i32>} : memref<112x144xf32, #tpu.memory_space<vmem>>, vector<1x16xf32>,
      }
      %scan3A_369 = arith.constant 112 : i32
      %dma_start3A_370 = arith.constant 0 : i32
      %dma_start3A_371 = arith.constant 0 : i32
      %dma_start3A_372 = tpu.memref_slice %arg18[%dma_start3A_370, %dma_start3A_371] : memref<10112x144xf32, #tpu.memory_space<vmem_shared>> -> memref<10112x144xf32, #tpu.memory_space<vmem_shared>>
      tpu.enqueue_indirect_dma source(%arg15 : memref<112x144xf32, #tpu.memory_space<vmem>>) target(%dma_start3A_372 : memref<10112x144xf32, #tpu.memory_space<vmem_shared>>) offsets(%arg11 : memref<112xi32, #tpu.memory_space<vmem>>) semaphore(%arg22 : memref<!tpu.dma_semaphore, #tpu.memory_space<semaphore_mem>>) {add = true}
    }
    %scan3A_150 = arith.constant 45 : i32
    %dma_wait3A = arith.constant 0 : i32
    %dma_wait3A_151 = arith.constant 0 : i32
    %dma_wait3A_152 = tpu.memref_slice %arg18[%dma_wait3A, %dma_wait3A_151] : memref<10112x144xf32, #tpu.memory_space<vmem_shared>> -> memref<10112x144xf32, #tpu.memory_space<vmem_shared>>
    tpu.wait_indirect_dma semaphore(%arg22 : memref<!tpu.dma_semaphore, #tpu.memory_space<semaphore_mem>>) src(%arg15 : memref<112x144xf32, #tpu.memory_space<vmem>>) dst(%dma_wait3A_152 : memref<10112x144xf32, #tpu.memory_space<vmem_shared>>)
    %barrier3A_153 = arith.constant 0 : index
    tpu.barrier barrier_id(%barrier3A_153)
    %lt3A = arith.constant 15 : i32
    %lt3A_154 = arith.cmpi slt, %arg1, %lt3A : i32
    %convert_element_type3A = arith.extui %lt3A_154 : i1 to i32
    %cond3A = arith.constant 0 : i32
    %cond3A_155 = arith.cmpi ne, %convert_element_type3A, %cond3A : i32
    scf.if %cond3A_155 {
      %mul3A_160 = arith.constant 632 : i32
      %mul3A_161 = arith.muli %arg1, %mul3A_160 : i32
      %mul3A_162 = arith.constant 632 : i32
      %mul3A_163 = arith.muli %arg1, %mul3A_162 : i32
      "tpu.region"() ({
        %run_scoped3A_164 = tpu.sem_alloc : memref<!tpu.dma_semaphore, #tpu.memory_space<semaphore_mem>>
        %dma_start3A_165 = arith.constant 0 : i32
        %dma_start3A_166 = tpu.memref_slice %arg6[%arg0, %mul3A_163, %dma_start3A_165] : memref<2x10000x144xf32, #tpu.memory_space<hbm>> -> memref<1x632x144xf32, #tpu.memory_space<hbm>>
        %dma_start3A_167 = tpu.memref_squeeze %dma_start3A_166 : memref<1x632x144xf32, #tpu.memory_space<hbm>> -> memref<632x144xf32, #tpu.memory_space<hbm>>
        %dma_start3A_168 = arith.constant 0 : i32
        %dma_start3A_169 = tpu.memref_slice %arg18[%mul3A_161, %dma_start3A_168] : memref<10112x144xf32, #tpu.memory_space<vmem_shared>> -> memref<632x144xf32, #tpu.memory_space<vmem_shared>>
        tpu.enqueue_dma source(%dma_start3A_169 : memref<632x144xf32, #tpu.memory_space<vmem_shared>>) target(%dma_start3A_167 : memref<632x144xf32, #tpu.memory_space<hbm>>) target_semaphore(%run_scoped3A_164 : memref<!tpu.dma_semaphore, #tpu.memory_space<semaphore_mem>>)
        %dma_wait3A_170 = arith.constant 0 : i32
        %dma_wait3A_171 = tpu.memref_slice %arg6[%arg0, %mul3A_163, %dma_wait3A_170] : memref<2x10000x144xf32, #tpu.memory_space<hbm>> -> memref<1x632x144xf32, #tpu.memory_space<hbm>>
        %dma_wait3A_172 = tpu.memref_squeeze %dma_wait3A_171 : memref<1x632x144xf32, #tpu.memory_space<hbm>> -> memref<632x144xf32, #tpu.memory_space<hbm>>
        %dma_wait3A_173 = arith.constant 0 : i32
        %dma_wait3A_174 = tpu.memref_slice %arg18[%mul3A_161, %dma_wait3A_173] : memref<10112x144xf32, #tpu.memory_space<vmem_shared>> -> memref<632x144xf32, #tpu.memory_space<vmem_shared>>
        tpu.wait_dma2 semaphore(%run_scoped3A_164 : memref<!tpu.dma_semaphore, #tpu.memory_space<semaphore_mem>>) src(%dma_wait3A_174 : memref<632x144xf32, #tpu.memory_space<vmem_shared>>) dst(%dma_wait3A_172 : memref<632x144xf32, #tpu.memory_space<hbm>>)
        tpu.yield
      }) : () -> ()
    } else {
    }
    %eq3A = arith.constant 15 : i32
    %eq3A_156 = arith.cmpi eq, %arg1, %eq3A : i32
    %convert_element_type3A_157 = arith.extui %eq3A_156 : i1 to i32
    %cond3A_158 = arith.constant 0 : i32
    %cond3A_159 = arith.cmpi ne, %convert_element_type3A_157, %cond3A_158 : i32
    scf.if %cond3A_159 {
      "tpu.region"() ({
        %run_scoped3A_160 = tpu.sem_alloc : memref<!tpu.dma_semaphore, #tpu.memory_space<semaphore_mem>>
        %dma_start3A_161 = arith.constant 9480 : i32
        %dma_start3A_162 = arith.constant 0 : i32
        %dma_start3A_163 = tpu.memref_slice %arg6[%arg0, %dma_start3A_161, %dma_start3A_162] : memref<2x10000x144xf32, #tpu.memory_space<hbm>> -> memref<1x520x144xf32, #tpu.memory_space<hbm>>
        %dma_start3A_164 = tpu.memref_squeeze %dma_start3A_163 : memref<1x520x144xf32, #tpu.memory_space<hbm>> -> memref<520x144xf32, #tpu.memory_space<hbm>>
        %dma_start3A_165 = arith.constant 9480 : i32
        %dma_start3A_166 = arith.constant 0 : i32
        %dma_start3A_167 = tpu.memref_slice %arg18[%dma_start3A_165, %dma_start3A_166] : memref<10112x144xf32, #tpu.memory_space<vmem_shared>> -> memref<520x144xf32, #tpu.memory_space<vmem_shared>>
        tpu.enqueue_dma source(%dma_start3A_167 : memref<520x144xf32, #tpu.memory_space<vmem_shared>>) target(%dma_start3A_164 : memref<520x144xf32, #tpu.memory_space<hbm>>) target_semaphore(%run_scoped3A_160 : memref<!tpu.dma_semaphore, #tpu.memory_space<semaphore_mem>>)
        %dma_wait3A_168 = arith.constant 9480 : i32
        %dma_wait3A_169 = arith.constant 0 : i32
        %dma_wait3A_170 = tpu.memref_slice %arg6[%arg0, %dma_wait3A_168, %dma_wait3A_169] : memref<2x10000x144xf32, #tpu.memory_space<hbm>> -> memref<1x520x144xf32, #tpu.memory_space<hbm>>
        %dma_wait3A_171 = tpu.memref_squeeze %dma_wait3A_170 : memref<1x520x144xf32, #tpu.memory_space<hbm>> -> memref<520x144xf32, #tpu.memory_space<hbm>>
        %dma_wait3A_172 = arith.constant 9480 : i32
        %dma_wait3A_173 = arith.constant 0 : i32
        %dma_wait3A_174 = tpu.memref_slice %arg18[%dma_wait3A_172, %dma_wait3A_173] : memref<10112x144xf32, #tpu.memory_space<vmem_shared>> -> memref<520x144xf32, #tpu.memory_space<vmem_shared>>
        tpu.wait_dma2 semaphore(%run_scoped3A_160 : memref<!tpu.dma_semaphore, #tpu.memory_space<semaphore_mem>>) src(%dma_wait3A_174 : memref<520x144xf32, #tpu.memory_space<vmem_shared>>) dst(%dma_wait3A_171 : memref<520x144xf32, #tpu.memory_space<hbm>>)
        tpu.yield
      }) : () -> ()
    } else {
    }
    return
  }
}

module attributes {stable_mosaic.version = 14 : i64} {
  func.func @_k1_body(%arg0: memref<10000x128xf32, #tpu.memory_space<vmem>>, %arg1: memref<128x128xf32, #tpu.memory_space<vmem>>, %arg2: memref<128x16xf32, #tpu.memory_space<vmem>>, %arg3: memref<128x16xf32, #tpu.memory_space<vmem>>, %arg4: memref<10000x144xf32, #tpu.memory_space<vmem>>, %arg5: memref<10000x16xf32, #tpu.memory_space<vmem>>, %arg6: memref<1x16xf32, #tpu.memory_space<vmem>>) attributes {dimension_semantics = [], scalar_prefetch = 0 : i64, scratch_operands = 0 : i64, tpu.core_type = #tpu.core_type<tc>} {
    %get3A = arith.constant 0 : index
    %get3A_0 = arith.constant 0 : index
    %get3A_1 = vector.load %arg0[%get3A, %get3A_0] : memref<10000x128xf32, #tpu.memory_space<vmem>>, vector<10000x128xf32>
    %get3A_2 = arith.constant 0 : index
    %get3A_3 = arith.constant 0 : index
    %get3A_4 = vector.load %arg1[%get3A_2, %get3A_3] : memref<128x128xf32, #tpu.memory_space<vmem>>, vector<128x128xf32>
    %dot_general3A = arith.constant dense<0.000000e+00> : vector<10000x128xf32>
    %dot_general3A_5 = tpu.matmul %get3A_1, %get3A_4, %dot_general3A {dimension_numbers = #tpu.dot_dimension_numbers<[1], [0], [0], [1], [0, 0, 1, 1], [], []>, transpose_lhs_hint = false} : vector<10000x128xf32>, vector<128x128xf32>, vector<10000x128xf32> -> vector<10000x128xf32>
    %get3A_6 = arith.constant 0 : index
    %get3A_7 = arith.constant 0 : index
    %get3A_8 = vector.load %arg2[%get3A_6, %get3A_7] : memref<128x16xf32, #tpu.memory_space<vmem>>, vector<128x16xf32>
    %dot_general3A_9 = arith.constant dense<0.000000e+00> : vector<10000x16xf32>
    %dot_general3A_10 = tpu.matmul %dot_general3A_5, %get3A_8, %dot_general3A_9 {dimension_numbers = #tpu.dot_dimension_numbers<[1], [0], [0], [1], [0, 0, 1, 1], [], []>, transpose_lhs_hint = false} : vector<10000x128xf32>, vector<128x16xf32>, vector<10000x16xf32> -> vector<10000x16xf32>
    %get3A_11 = arith.constant 0 : index
    %get3A_12 = arith.constant 0 : index
    %get3A_13 = vector.load %arg3[%get3A_11, %get3A_12] : memref<128x16xf32, #tpu.memory_space<vmem>>, vector<128x16xf32>
    %dot_general3A_14 = arith.constant dense<0.000000e+00> : vector<10000x16xf32>
    %dot_general3A_15 = tpu.matmul %dot_general3A_5, %get3A_13, %dot_general3A_14 {dimension_numbers = #tpu.dot_dimension_numbers<[1], [0], [0], [1], [0, 0, 1, 1], [], []>, transpose_lhs_hint = false} : vector<10000x128xf32>, vector<128x16xf32>, vector<10000x16xf32> -> vector<10000x16xf32>
    %concatenate3A = tpu.concatenate %dot_general3A_5, %dot_general3A_10 in 1 : vector<10000x128xf32>, vector<10000x16xf32> -> vector<10000x144xf32>
    %swap3A = arith.constant 0 : index
    %swap3A_16 = arith.constant 0 : index
    %swap3A_17 = vector.load %arg4[%swap3A, %swap3A_16] : memref<10000x144xf32, #tpu.memory_space<vmem>>, vector<10000x144xf32>
    tpu.vector_store %arg4[%swap3A, %swap3A_16], %concatenate3A {strides = array<i32>} : memref<10000x144xf32, #tpu.memory_space<vmem>>, vector<10000x144xf32>,
    %swap3A_18 = arith.constant 0 : index
    %swap3A_19 = arith.constant 0 : index
    %swap3A_20 = vector.load %arg5[%swap3A_18, %swap3A_19] : memref<10000x16xf32, #tpu.memory_space<vmem>>, vector<10000x16xf32>
    tpu.vector_store %arg5[%swap3A_18, %swap3A_19], %dot_general3A_15 {strides = array<i32>} : memref<10000x16xf32, #tpu.memory_space<vmem>>, vector<10000x16xf32>,
    %reduce_max3A = arith.constant dense<0xFF800000> : vector<16xf32>
    %reduce_max3A_21 = vector.multi_reduction <maximumf>, %dot_general3A_10, %reduce_max3A [0] : vector<10000x16xf32> to vector<16xf32>
    %broadcast_in_dim3A = vector.shape_cast %reduce_max3A_21 : vector<16xf32> to vector<1x16xf32>
    %reduce_max3A_22 = arith.constant dense<0xFF800000> : vector<16xf32>
    %reduce_max3A_23 = vector.multi_reduction <maximumf>, %dot_general3A_15, %reduce_max3A_22 [0] : vector<10000x16xf32> to vector<16xf32>
    %broadcast_in_dim3A_24 = vector.shape_cast %reduce_max3A_23 : vector<16xf32> to vector<1x16xf32>
    %add3A = arith.addf %broadcast_in_dim3A, %broadcast_in_dim3A_24 : vector<1x16xf32>
    %mul3A = arith.constant 2.000000e-01 : f32
    %mul3A_25 = vector.broadcast %mul3A : f32 to vector<1x16xf32>
    %mul3A_26 = arith.mulf %mul3A_25, %add3A : vector<1x16xf32>
    %max3A = arith.maximumf %add3A, %mul3A_26 : vector<1x16xf32>
    %swap3A_27 = arith.constant 0 : index
    %swap3A_28 = arith.constant 0 : index
    %swap3A_29 = vector.load %arg6[%swap3A_27, %swap3A_28] : memref<1x16xf32, #tpu.memory_space<vmem>>, vector<1x16xf32>
    tpu.vector_store %arg6[%swap3A_27, %swap3A_28], %max3A {strides = array<i32>} : memref<1x16xf32, #tpu.memory_space<vmem>>, vector<1x16xf32>,
    return
  }
}

module attributes {stable_mosaic.version = 14 : i64} {
  func.func @_k3_body(%arg0: memref<2x10000x144xf32, #tpu.memory_space<vmem>>, %arg1: memref<16x128xf32, #tpu.memory_space<vmem>>, %arg2: memref<128xf32, #tpu.memory_space<vmem>>, %arg3: memref<10000x128xf32, #tpu.memory_space<vmem>>) attributes {dimension_semantics = [], scalar_prefetch = 0 : i64, scratch_operands = 0 : i64, tpu.core_type = #tpu.core_type<tc>} {
    %get3A = arith.constant 0 : index
    %get3A_0 = arith.constant 0 : index
    %get3A_1 = arith.constant 0 : index
    %get3A_2 = vector.load %arg0[%get3A, %get3A_0, %get3A_1] : memref<2x10000x144xf32, #tpu.memory_space<vmem>>, vector<1x10000x144xf32>
    %get3A_3 = vector.shape_cast %get3A_2 : vector<1x10000x144xf32> to vector<10000x144xf32>
    %get3A_4 = arith.constant 1 : index
    %get3A_5 = arith.constant 0 : index
    %get3A_6 = arith.constant 0 : index
    %get3A_7 = vector.load %arg0[%get3A_4, %get3A_5, %get3A_6] : memref<2x10000x144xf32, #tpu.memory_space<vmem>>, vector<1x10000x144xf32>
    %get3A_8 = vector.shape_cast %get3A_7 : vector<1x10000x144xf32> to vector<10000x144xf32>
    %add3A = arith.addf %get3A_3, %get3A_8 : vector<10000x144xf32>
    %slice3A = vector.extract_strided_slice %add3A {offsets = [0, 128], sizes = [10000, 16], strides = [1, 1]} : vector<10000x144xf32> to vector<10000x16xf32>
    %add3A_9 = arith.constant 1.000000e-16 : f32
    %add3A_10 = vector.broadcast %add3A_9 : f32 to vector<10000x16xf32>
    %add3A_11 = arith.addf %slice3A, %add3A_10 : vector<10000x16xf32>
    %div3A = arith.constant 1.000000e+00 : f32
    %div3A_12 = vector.broadcast %div3A : f32 to vector<10000x16xf32>
    %div3A_13 = arith.divf %div3A_12, %add3A_11 : vector<10000x16xf32>
    %get3A_14 = arith.constant 0 : index
    %get3A_15 = arith.constant 0 : index
    %get3A_16 = vector.load %arg1[%get3A_14, %get3A_15] : memref<16x128xf32, #tpu.memory_space<vmem>>, vector<16x128xf32>
    %dot_general3A = arith.constant dense<0.000000e+00> : vector<10000x128xf32>
    %dot_general3A_17 = tpu.matmul %div3A_13, %get3A_16, %dot_general3A {dimension_numbers = #tpu.dot_dimension_numbers<[1], [0], [0], [1], [0, 0, 1, 1], [], []>, transpose_lhs_hint = false} : vector<10000x16xf32>, vector<16x128xf32>, vector<10000x128xf32> -> vector<10000x128xf32>
    %slice3A_18 = vector.extract_strided_slice %add3A {offsets = [0, 0], sizes = [10000, 128], strides = [1, 1]} : vector<10000x144xf32> to vector<10000x128xf32>
    %mul3A = arith.mulf %slice3A_18, %dot_general3A_17 : vector<10000x128xf32>
    %get3A_19 = arith.constant 0 : index
    %get3A_20 = vector.load %arg2[%get3A_19] : memref<128xf32, #tpu.memory_space<vmem>>, vector<128xf32>
    %broadcast_in_dim3A = vector.shape_cast %get3A_20 : vector<128xf32> to vector<1x128xf32>
    %add3A_21 = vector.broadcast %broadcast_in_dim3A : vector<1x128xf32> to vector<10000x128xf32>
    %add3A_22 = arith.addf %mul3A, %add3A_21 : vector<10000x128xf32>
    %gt3A = arith.constant 0.000000e+00 : f32
    %gt3A_23 = vector.broadcast %gt3A : f32 to vector<10000x128xf32>
    %gt3A_24 = arith.cmpf ogt, %add3A_22, %gt3A_23 : vector<10000x128xf32>
    %exp3A = math.exp %add3A_22 : vector<10000x128xf32>
    %sub3A = arith.constant 1.000000e+00 : f32
    %sub3A_25 = vector.broadcast %sub3A : f32 to vector<10000x128xf32>
    %sub3A_26 = arith.subf %exp3A, %sub3A_25 : vector<10000x128xf32>
    %select_n3A = arith.select %gt3A_24, %add3A_22, %sub3A_26 : vector<10000x128xi1>, vector<10000x128xf32>
    %swap3A = arith.constant 0 : index
    %swap3A_27 = arith.constant 0 : index
    %swap3A_28 = vector.load %arg3[%swap3A, %swap3A_27] : memref<10000x128xf32, #tpu.memory_space<vmem>>, vector<10000x128xf32>
    tpu.vector_store %arg3[%swap3A, %swap3A_27], %select_n3A {strides = array<i32>} : memref<10000x128xf32, #tpu.memory_space<vmem>>, vector<10000x128xf32>,
    return
  }
}

</mosaic_0001>

<sc_bundles>
// kernel: kernel.5.cloned.1.call-start
scs
__scs_entry_jumppad:
0x0: {  	(pc) =	sbr.rel $0x88, $3  }
0x1: {  	(tag) =	ssettag $0x0;
	lr =	simm.s32 $0x1  }
0x2: {  	[smem:$0x3F9B] =	sst lr;
	_ =	strace $0xD0000000  }
0x3: {  	_ = 	snop  }
0x4: {  	_ = 	snop  }
0x5: {  	_ = 	snop  }
0x6: {  	_ = 	snop  }
0x7: {  	_ = 	snop  }
__scs_overlays_trampoline_lowered:
0x8: {  	[smem:$0x3FAA] =	sst s0  }
0x9: {  	[smem:$0x3FAB] =	sst s1  }
0xa: {  	[smem:$0x3FAC] =	sst s2  }
0xb: {  	[smem:$0x3FAD] =	sst s3  }
0xc: {  	[smem:$0x3FAE] =	sst s4  }
0xd: {  	[smem:$0x3FAF] =	sst s5  }
0xe: {  	[smem:$0x3FB0] =	sst s6  }
0xf: {  	[smem:$0x3FB1] =	sst s7  }
0x10: {  	[smem:$0x3FB2] =	sst s8  }
0x11: {  	[smem:$0x3FB3] =	sst s9;
	s0 =	simm.s32 @!p0 $0x0  }
0x12: {  	s1 =	sld [smem:$0x3F99];
	s0 =	simm.s32 @p0 $0x1  }
0x13: {  	[smem:$0x3FB4] =	sst s0;
	s0 =	simm.s32 @!p1 $0x0  }
0x14: {  	s2 =	sld [smem:$0x3F98];
	s0 =	simm.s32 @p1 $0x1  }
0x15: {  	[smem:$0x3FB5] =	sst s0;
	s0 =	simm.s32 @!p2 $0x0  }
0x16: {  	s3 =	sld [smem:$0x3FDB];
	s0 =	simm.s32 @p2 $0x1  }
0x17: {  	s4 =	simm.s32 $0x1BF5;
	[smem:$0x3FB7] =	sst s0  }
0x18: {  	s0 =	sld [smem:$0x3F9A];
	_ =	swait.ge [sflag:s4], $0x0  }
0x19: {  	s7 =	sld [smem:$0x3F9B]  }
0x1a: {  	s8 =	sadd.s32 $0xFFFFE003, lr  }
0x1b: {  	s9 =	sadd.s32 $0xFFFFFEF7, lr;
	s5 =	simm.s32 $0xFFFFFFFF;
	p2 =	slt.u32 s8, $0xFFFFF086  }
0x1c: {  	p1 =	slt.u32 s9, $0xF7A;
	s5 =	simm.s32 @!p2 $0x0  }
0x1d: {  	s5 =	simm.s32 @p1 $0x1;
	p0 =	seq.s32 s7, s2  }
0x1e: {  	s7 =	smul.u32 @!p0 $0xF7A, s2;
	p2 =	seq.s32 @!p0 s5, $0x0  }
0x1f: {  	s9 =	smul.u32 $0xF7A, s1;
	s8 =	simm.s32 @!p0 $0x1BF5;
	p2 =	por !p2, p0  }
0x20: {  	[sflag:s8] =	ssyncset.s32 @!p0 $0xFFFFF086;
	s6 =	sadd.s32 @!p0 s3, s7;
	s7 =	simm.s32 @!p0 $0x108  }
0x21: {  	s3 =	sadd.s32 s3, s9;
	s6 =	sadd.s32 @!p0 $0x88, s6;
	s7 =	simm.s32 @p2 $0x1082  }
0x22: {  	[simem:s7], [sflag:s8] =	dma.local @!p0 [hbm:s6], $0xF7A  }
0x23: {  	s9 =	sor.u32 $0xD0000000, s2;
	s6 =	simm.s32 $0x108;
	_ =	swait.ge @!p0 [sflag:s8], $0x0  }
0x24: {  	s3 =	sadd.s32 $0x88, s3;
	s6 =	simm.s32 @!p1 $0x1082;
	[sflag:s4] =	ssyncset.s32 $0xFFFFF086  }
0x25: {  	[simem:s6], [sflag:s4] =	dma.local [hbm:s3], $0xF7A  }
0x26: {  	[smem:$0x3F9B] =	sst s1;
	(tag) =	ssettag s2;
	_ =	strace s9  }
0x27: {  	s1 =	sld [smem:$0x3FAB]  }
0x28: {  	s2 =	sld [smem:$0x3FAC]  }
0x29: {  	s4 =	sld [smem:$0x3FAE]  }
0x2a: {  	p0 =	seq.s32 s5, $0x0;
	s5 =	sld [smem:$0x3FAF]  }
0x2b: {  	s6 =	sld [smem:$0x3FB0]  }
0x2c: {  	s7 =	sld [smem:$0x3FB1]  }
0x2d: {  	s3 =	simm.s32 $0x108;
	s8 =	sld [smem:$0x3FB2]  }
0x2e: {  	s3 =	simm.s32 @!p0 $0x1082;
	s9 =	sld [smem:$0x3FB3]  }
0x2f: {  	lr =	sadd.s32 s0, s3;
	s0 =	sld [smem:$0x3FAA]  }
0x30: {  	s3 =	sld [smem:$0x3FAD]  }
0x31: {  	[smem:$0x3FB6] =	sst s10  }
0x32: {  	s10 =	sld [smem:$0x3FB4];
	_ =	sdelay $0x3  }
0x33: {  	p0 =	seq.s32 s10, $0x1;
	s10 =	sld [smem:$0x3FB6];
	_ =	sdelay $0x3  }
0x34: {  	[smem:$0x3FB6] =	sst s10  }
0x35: {  	s10 =	sld [smem:$0x3FB5];
	_ =	sdelay $0x3  }
0x36: {  	p1 =	seq.s32 s10, $0x1;
	s10 =	sld [smem:$0x3FB6];
	_ =	sdelay $0x3  }
0x37: {  	[smem:$0x3FB6] =	sst s10  }
0x38: {  	s10 =	sld [smem:$0x3FB7]  }
0x39: {  	_ = 	snop;
	(pc) =	sbr.ind lr, $3  }
0x3a: {  	_ = 	snop  }
0x3b: {  	_ = 	snop  }
0x3c: {  	p2 =	seq.s32 s10, $0x1;
	s10 =	sld [smem:$0x3FB6]  }
0x3d: {  	_ =	shalt  }
0x3e: {  	_ =	shalt  }
0x3f: {  	_ =	shalt  }
0x40: {  	_ =	shalt  }
0x41: {  	_ =	shalt  }
0x42: {  	_ =	shalt  }
0x43: {  	_ =	shalt  }
0x44: {  	_ =	shalt  }
0x45: {  	_ =	shalt  }
0x46: {  	_ =	shalt  }
0x47: {  	_ =	shalt  }
0x48: {  	_ =	shalt  }
0x49: {  	_ =	shalt  }
0x4a: {  	_ =	shalt  }
0x4b: {  	_ =	shalt  }
0x4c: {  	_ =	shalt  }
0x4d: {  	_ =	shalt  }
0x4e: {  	_ =	shalt  }
0x4f: {  	_ =	shalt  }
0x50: {  	_ =	shalt  }
0x51: {  	_ =	shalt  }
0x52: {  	_ =	shalt  }
0x53: {  	_ =	shalt  }
0x54: {  	_ =	shalt  }
0x55: {  	_ =	shalt  }
0x56: {  	_ =	shalt  }
0x57: {  	_ =	shalt  }
0x58: {  	_ =	shalt  }
0x59: {  	_ =	shalt  }
0x5a: {  	_ =	shalt  }
0x5b: {  	_ =	shalt  }
0x5c: {  	_ =	shalt  }
0x5d: {  	_ =	shalt  }
0x5e: {  	_ =	shalt  }
0x5f: {  	_ =	shalt  }
0x60: {  	_ =	shalt  }
0x61: {  	_ =	shalt  }
0x62: {  	_ =	shalt  }
0x63: {  	_ =	shalt  }
0x64: {  	_ =	shalt  }
0x65: {  	_ =	shalt  }
0x66: {  	_ =	shalt  }
0x67: {  	_ =	shalt  }
0x68: {  	_ =	shalt  }
0x69: {  	_ =	shalt  }
0x6a: {  	_ =	shalt  }
0x6b: {  	_ =	shalt  }
0x6c: {  	_ =	shalt  }
0x6d: {  	_ =	shalt  }
0x6e: {  	_ =	shalt  }
0x6f: {  	_ =	shalt  }
0x70: {  	_ =	shalt  }
0x71: {  	_ =	shalt  }
0x72: {  	_ =	shalt  }
0x73: {  	_ =	shalt  }
0x74: {  	_ =	shalt  }
0x75: {  	_ =	shalt  }
0x76: {  	_ =	shalt  }
0x77: {  	_ =	shalt  }
0x78: {  	_ =	shalt  }
0x79: {  	_ =	shalt  }
0x7a: {  	_ =	shalt  }
0x7b: {  	_ =	shalt  }
0x7c: {  	_ =	shalt  }
0x7d: {  	_ =	shalt  }
0x7e: {  	_ =	shalt  }
0x7f: {  	_ =	shalt  }
0x80: {  	_ =	shalt  }
0x81: {  	_ =	shalt  }
0x82: {  	_ =	shalt  }
0x83: {  	_ =	shalt  }
0x84: {  	_ =	shalt  }
0x85: {  	_ =	shalt  }
0x86: {  	_ =	shalt  }
0x87: {  	_ =	shalt  }
.Lfunc_end0:
.L_simem_size_0:
called_computation_lowered:
.L_overlay_start_0:
0x88: {  	s2 =	sld [smem:$0x3FD9]  }
0x89: {  	s3 =	sld [smem:$0x3FFE];
	_ =	sdelay $0x1  }
0x8a: {  	s1 =	srdreg.scid  }
0x8b: {  	s0 =	sand.u32 $0x1, s1  }
0x8c: {  	s17 =	sshll.u32 s0, $0xA;
	s2 =	sadd.s32 s3, s2  }
0x8d: {  	s2 =	sadd.s32 s2, s17  }
0x8e: {  	[smem:$0x3FC2] =	sst s2  }
0x8f: {  	_ = 	snop  }
0x90: {  	s2 =	sld [smem:$0x3FD0];
	(tm) =	ssettm $0x1  }
0x91: {  	s18 =	sld [smem:$0x3FFB];
	_ =	sdelay $0x3  }
0x92: {  	_ =	strace s18  }
0x93: {  	s3 =	sld [smem:$0x3FFC];
	_ =	sdelay $0x3  }
0x94: {  	_ =	strace s3  }
0x95: {  	s3 =	sld [smem:$0x3FFD];
	_ =	sdelay $0x3  }
0x96: {  	_ =	strace s3  }
0x97: {  	_ =	strace $0x8FFFFFFF  }
0x98: {  	s19 =	sld [smem:$0x3FDB];
	_ =	sdelay $0x1  }
0x99: {  	s4 =	simm.s32 $_scs_section_size  }
0x9a: {  	s5 =	simm.s32 $_size__tile_overlayer_lowered;
	s6 =	simm.s32 $_tile_overlayer_lowered  }
0x9b: {  	s22 =	simm.s32 $0x1BFF;
	s21 =	sshll.u32 s6, $0x1;
	s3 =	sadd.s32 s4, s19  }
0x9c: {  	s7 =	simm.s32 $0x0;
	s20 =	sshll.u32 s5, $0x1;
	s5 =	sadd.s32 s21, s3  }
0x9d: {  	[timem:s7], [sflag:s22] =	dma.local [hbm:s5], s20  }
0x9e: {  	_ =	swait.ge [sflag:s22], s20  }
0x9f: {  	s4 =	ssub.s32 $0x0, s20;
	[sflag:s22] =	ssyncset.done $0x0  }
0xa0: {  	[sflag:s22] =	ssyncadd.s32 s4;
	_ =	sdelay $0x1  }
0xa1: {  	s23 =	simm.s32 $0x1B8B  }
0xa2: {  	_ =	swait.ge [sflag:s23], $0x1  }
0xa3: {  	[sflag:s23] =	ssyncset.done $0x0  }
0xa4: {  	s25 =	simm.s32 $0x1B8E;
	s24 =	sld [smem:$0x3FFE];
	[sflag:s23] =	ssyncadd.s32 $0xFFFFFFFF  }
0xa5: {  	s26 =	simm.s32 $execute0_lowered;
	[smem:$0x3FD2] =	sst s25  }
0xa6: {  	s5 =	sshll.u32 s26, $0x1;
	_ =	strace $0x80000046;
	[dreg:$0x1] =	wrdreg $0xFFFFFFFF  }
0xa7: {  	s28 =	simm.s32 $_size_execute0_lowered;
	s3 =	sadd.s32 s3, s5;
	[dreg:$0x0] =	wrdreg $0x0  }
0xa8: {  	s5 =	sshll.u32 s28, $0x1;
	[dreg:$0x2] =	wrdreg s3  }
0xa9: {  	[dreg:$0x3] =	wrdreg s5  }
0xaa: {  	[dreg:$0x4] =	wrdreg $0xC0  }
0xab: {  	_ =	task [dreg:s7], $0x5FFFF  }
0xac: {  	[dreg:$0x1] =	wrdreg $0xFFFFFFFF  }
0xad: {  	[dreg:$0x0] =	wrdreg $0x60  }
0xae: {  	[dreg:$0x2] =	wrdreg s24  }
0xaf: {  	[dreg:$0x3] =	wrdreg s2  }
0xb0: {  	[dreg:$0x4] =	wrdreg $0x92C00  }
0xb1: {  	[dreg:$0x5] =	wrdreg $0x9  }
0xb2: {  	_ =	task.clear_ibuf [dreg:s7], $0x6FFFF;
	_ =	strace $0x90000046  }
0xb3: {  	s29 =	simm.s32 $0x9;
	_ =	strace $0x80000048  }
0xb4: {  	_ =	swait.ge [sflag:s29], $0x1  }
0xb5: {  	[sflag:s29] =	ssyncadd.s32 $0xFFFFFFFF  }
0xb6: {  	_ =	strace $0x90000048  }
0xb7: {  	_ =	sfence  }
0xb8: {  	s30 =	sld [smem:$0x0];
	_ =	sdelay $0x2  }
0xb9: {  	s31 =	sshll.u32 s1, $0xD;
	s1 =	sshrl.u32 s1, $0x2  }
0xba: {  	s3 =	sand.u32 $0x4000, s31;
	s1 =	sadd.s32 s1, s30  }
0xbb: {  	s0 =	sor.u32 s3, s0;
	s1 =	sshll.u32 s1, $0x11  }
0xbc: {  	s0 =	sor.u32 s1, s0  }
0xbd: {  	s0 =	sadd.s32 $0x8F2B, s0  }
0xbe: {  	[sflag:s0] =	ssyncadd.remote.s32 $0x1  }
0xbf: {  	_ =	sfence.sel $0xFFFF  }
0xc0: {  	[dreg:$0x0] =	wrdreg $0xFFFFFFFF;
	(pc) =	sbr.abs _section_cstart, $3  }
0xc1: {  	[dreg:$0x1] =	wrdreg $0xFFFFFFFF  }
0xc2: {  	_ =	task.clear_ibuf [dreg:s7], $0x2FFFF;
	_ =	strace $0x9FFFFFFF  }
0xc3: {  	(tm) =	ssettm $0x7FFFFFFF  }
tec
execute0_lowered:
.L_overlay_start_1:
0x0: {  	(tag) =	ssettag $0x1  }
0x1: {  	s0 =	rddreg [dreg:$0x0]  }
0x2: {  	s1 =	rddreg [dreg:$0x1]  }
0x3: {  	s2 =	rddreg [dreg:$0x2]  }
0x4: {  	s3 =	srdreg.scid;
	s4 =	simm.s32 $0x0;
	s17 =	stileid.u32  }
0x5: {  	s15 =	simm.s32 $0x8E40;
	s16 =	simm.s32 $0x5;
	s18 =	simm.s32 $0x38  }
0x6: {  	s19 =	simm.s32 $0x70;
	s20 =	simm.s32 $0x1030;
	s28 =	simm.s32 $0x1  }
0x7: {  	s29 =	simm.s32 $0x150;
	s30 =	simm.s32 $0x4F30;
	s31 =	simm.s32 $0x188  }
0x8: {  	s21 =	simm.s32 $0x930;
	s22 =	simm.s32 $0x2;
	s3 =	sand.u32 $0x1, s3  }
0x9: {  	[smem:$0x7FF] =	sst s4;
	s9 =	sadd.s32 $0xC00, s0;
	s11 =	smul.u32 $0x16380, s17  }
0xa: {  	s13 =	smul.u32 $0x58E00, s17;
	p0 =	seq.s32 s17, $0xF;
	s5 =	sshll.u32 s3, $0x4  }
0xb: {  	_ =	strace $0x80000047;
	s8 =	ssub.s32 $0x2, s3;
	s3 =	smul.u32 $0x15F900, s3  }
0xc: {  	[dreg:$0x4] =	wrdreg s9;
	s6 =	sor.u32 s17, s5;
	s5 =	sadd.s32 $0xE00, s0  }
0xd: {  	s23 =	sshrl.u32 s8, $0x1;
	s26 =	sshrl.u32 s13, $0x2;
	s17 =	simm.s32 $0x1C0  }
0xe: {  	s7 =	smul.u32 $0x2760, s6;
	s6 =	sadd.s32 $0x2CE00, s0;
	s0 =	sadd.s32 $0x31E00, s0  }
0xf: {  	s8 =	ssub.s32 s8, s23;
	s10 =	sadd.s32 s11, s3;
	s3 =	sshrl.u32 s3, $0x3  }
0x10: {  	s14 =	sadd.s32 s26, s2;
	s23 =	simm.s32 $0xE0;
	s12 =	sshrl.u32 s10, $0x3  }
0x11: {  	s8 =	smax.u32 s8, $0x1;
	s24 =	sshrl.u32 s7, $0x3;
	s10 =	sadd.s32 $0xE0, s7  }
0x12: {  	s25 =	sadd.s32 s0, s12;
	s0 =	sadd.s32 s0, s3;
	[dreg:$0x8] =	wrdreg s8  }
0x13: {  	s9 =	sadd.s32 s1, s24;
	[dreg:$0x6] =	wrdreg s25;
	s0 =	sadd.s32 $0x29A90, s0  }
0x14: {  	[dreg:$0x5] =	wrdreg s9;
	s9 =	sadd.s32 $0x70, s7;
	s7 =	sadd.s32 $0x14D480, s2  }
0x15: {  	s3 =	sadd.s32 s11, s2;
	[dreg:$0x7] =	wrdreg s0;
	s0 =	sshrl.u32 @p0 s7, $0x3  }
0x16: {  	s26 =	simm.s32 $0x3;
	[dreg:$0x9] =	wrdreg s0;
	s0 =	sshrl.u32 @!p0 s3, $0x3  }
0x17: {  	v0 =	vimm.f32 $0.0e+00;
	s7 =	simm.s32 $0x0;
	[dreg:$0xa] =	wrdreg s0;
	s0 =	simm.s32 $0x6EB0  }
.LBB2_1:
0x18: {  	[tilespmem:$0x8E40] =	vst v0  }
0x19: {  	[tilespmem:$0x8E50] =	vst v0  }
0x1a: {  	[tilespmem:$0x8E60] =	vst v0  }
0x1b: {  	[tilespmem:$0x8E70] =	vst v0  }
0x1c: {  	[tilespmem:$0x8E80] =	vst v0  }
0x1d: {  	[tilespmem:$0x8E90] =	vst v0  }
0x1e: {  	[tilespmem:$0x8EA0] =	vst v0  }
0x1f: {  	[tilespmem:$0x8EB0] =	vst v0  }
0x20: {  	[tilespmem:$0x8EC0] =	vst v0  }
0x21: {  	[tilespmem:$0x8ED0] =	vst v0  }
0x22: {  	[tilespmem:$0x8EE0] =	vst v0  }
0x23: {  	[tilespmem:$0x8EF0] =	vst v0  }
0x24: {  	[tilespmem:$0x8F00] =	vst v0  }
0x25: {  	[tilespmem:$0x8F10] =	vst v0  }
0x26: {  	[tilespmem:$0x8F20] =	vst v0  }
0x27: {  	[tilespmem:$0x8F30] =	vst v0  }
0x28: {  	[tilespmem:$0x8F40] =	vst v0  }
0x29: {  	[tilespmem:$0x8F50] =	vst v0  }
0x2a: {  	[tilespmem:$0x8F60] =	vst v0  }
0x2b: {  	[tilespmem:$0x8F70] =	vst v0  }
0x2c: {  	[tilespmem:$0x8F80] =	vst v0  }
0x2d: {  	[tilespmem:$0x8F90] =	vst v0  }
0x2e: {  	[tilespmem:$0x8FA0] =	vst v0  }
0x2f: {  	[tilespmem:$0x8FB0] =	vst v0  }
0x30: {  	[tilespmem:$0x8FC0] =	vst v0  }
0x31: {  	[tilespmem:$0x8FD0] =	vst v0  }
0x32: {  	[tilespmem:$0x8FE0] =	vst v0  }
0x33: {  	[tilespmem:$0x8FF0] =	vst v0  }
0x34: {  	[tilespmem:$0x9000] =	vst v0  }
0x35: {  	[tilespmem:$0x9010] =	vst v0  }
0x36: {  	[tilespmem:$0x9020] =	vst v0  }
0x37: {  	[tilespmem:$0x9030] =	vst v0  }
0x38: {  	[tilespmem:$0x9040] =	vst v0  }
0x39: {  	[tilespmem:$0x9050] =	vst v0  }
0x3a: {  	[tilespmem:$0x9060] =	vst v0  }
0x3b: {  	[tilespmem:$0x9070] =	vst v0  }
0x3c: {  	[tilespmem:$0x9080] =	vst v0  }
0x3d: {  	[tilespmem:$0x9090] =	vst v0  }
0x3e: {  	[tilespmem:$0x90A0] =	vst v0  }
0x3f: {  	[tilespmem:$0x90B0] =	vst v0  }
0x40: {  	[tilespmem:$0x90C0] =	vst v0  }
0x41: {  	[tilespmem:$0x90D0] =	vst v0  }
0x42: {  	[tilespmem:$0x90E0] =	vst v0  }
0x43: {  	[tilespmem:$0x90F0] =	vst v0  }
0x44: {  	[tilespmem:$0x9100] =	vst v0  }
0x45: {  	[tilespmem:$0x9110] =	vst v0  }
0x46: {  	[tilespmem:$0x9120] =	vst v0  }
0x47: {  	[tilespmem:$0x9130] =	vst v0  }
0x48: {  	[tilespmem:$0x9140] =	vst v0  }
0x49: {  	[tilespmem:$0x9150] =	vst v0  }
0x4a: {  	[tilespmem:$0x9160] =	vst v0  }
0x4b: {  	[tilespmem:$0x9170] =	vst v0  }
0x4c: {  	[tilespmem:$0x9180] =	vst v0  }
0x4d: {  	[tilespmem:$0x9190] =	vst v0  }
0x4e: {  	[tilespmem:$0x91A0] =	vst v0  }
0x4f: {  	[tilespmem:$0x91B0] =	vst v0  }
0x50: {  	[tilespmem:$0x91C0] =	vst v0  }
0x51: {  	[tilespmem:$0x91D0] =	vst v0  }
0x52: {  	[tilespmem:$0x91E0] =	vst v0  }
0x53: {  	[tilespmem:$0x91F0] =	vst v0  }
0x54: {  	[tilespmem:$0x9200] =	vst v0  }
0x55: {  	[tilespmem:$0x9210] =	vst v0  }
0x56: {  	[tilespmem:$0x9220] =	vst v0  }
0x57: {  	[tilespmem:$0x9230] =	vst v0  }
0x58: {  	[tilespmem:$0x9240] =	vst v0  }
0x59: {  	[tilespmem:$0x9250] =	vst v0  }
0x5a: {  	[tilespmem:$0x9260] =	vst v0  }
0x5b: {  	[tilespmem:$0x9270] =	vst v0  }
0x5c: {  	[tilespmem:$0x9280] =	vst v0  }
0x5d: {  	[tilespmem:$0x9290] =	vst v0  }
0x5e: {  	[tilespmem:$0x92A0] =	vst v0  }
0x5f: {  	[tilespmem:$0x92B0] =	vst v0;
	s3 =	sadd.s32 $0x0, s14  }
0x60: {  	[spmem:s3] =	stream.linear.scatter [tilespmem:s15], [sflag:$0x5], $0x480, $0x38;
	[tilespmem:$0x1F640] =	vst v63  }
0x61: {  	s3 =	simm.s32 $0x1200;
	_ =	swait.ge [sflag:s16], $0x480  }
.LBB2_2:
0x62: {  	s8 =	sshra.s32 s3, $0x2;
	[sflag:s16] =	ssyncset.done $0x0;
	p1 =	sne.s32 s3, $0x57C00  }
.Ltmp0:
0x63: {  	s8 =	sadd.s32 s8, s14;
	[sflag:s16] =	ssyncadd.s32 $0xFFFFFB80;
	(pc) =	sbr.rel @p1 .LBB2_2-.Ltmp0, $3  }
0x64: {  	[spmem:s8] =	stream.linear.scatter [tilespmem:s15], [sflag:$0x5], $0x480, $0x38;
	[tilespmem:$0x1F640] =	vst v63  }
0x65: {  	s3 =	sadd.s32 $0x1200, s3;
	_ =	sdelay $0x1  }
0x66: {  	_ =	swait.ge [sflag:s16], $0x480  }
0x67: {  	[sflag:s16] =	ssyncset.done $0x0;
	s8 =	simm.s32 $0x0  }
0x68: {  	s3 =	rddreg [dreg:$0x4];
	s11 =	simm.s32 $0x8E30;
	[sflag:s16] =	ssyncadd.s32 $0xFFFFFB80  }
0x69: {  	[tilespmem:s11], [sflag:$0x5] =	stream.linear.gather [hbm4b:s3+s8], $0x10, $0x38;
	[tilespmem:$0x1F640] =	vst v63  }
0x6a: {  	_ =	swait.ge [sflag:s16], $0x10  }
0x6b: {  	[sflag:s16] =	ssyncset.done $0x0  }
0x6c: {  	[sflag:s16] =	ssyncadd.s32 $0xFFFFFFF0  }
0x6d: {  	[bflag:$0x0] =	sbarrier.arrive $0xFFFF  }
0x6e: {  	s12 =	rddreg [dreg:$0x5]  }
0x6f: {  	v1 =	vld [tilespmem:$0x8E30];
	[tilespmem:s8], [sflag:$0x5] =	stream.linear.gather [hbm4b:s12+s8], $0x70, $0x38  }
0x70: {  	_ =	swait.ge [sflag:s16], $0x70  }
0x71: {  	[sflag:s16] =	ssyncset.done $0x0  }
0x72: {  	[sflag:s16] =	ssyncadd.s32 $0xFFFFFF90  }
0x73: {  	v2 =	vld [tilespmem:$0x0];
	_ =	sdelay $0x1  }
0x74: {  	v3 =	vld [tilespmem:$0x10];
	_ =	sdelay $0x1  }
0x75: {  	v4 =	vld [tilespmem:$0x20]  }
0x76: {  	v5 =	vand.u32 $0x3FFF, v2  }
0x77: {  	v61 =	vld [tilespmem:$0x30];
	v2 =	vshra.s32 v2, $0xE;
	[tilespmem:$0x70] =	vst v5  }
0x78: {  	[tilespmem:$0xE0] =	vst v2;
	v2 =	vand.u32 $0x3FFF, v3  }
0x79: {  	[tilespmem:$0x80] =	vst v2;
	v2 =	vshra.s32 v3, $0xE;
	v3 =	vld [tilespmem:$0x40]  }
0x7a: {  	[tilespmem:$0xF0] =	vst v2;
	v2 =	vand.u32 $0x3FFF, v4  }
0x7b: {  	v62 =	vld [tilespmem:$0x50];
	[tilespmem:$0x90] =	vst v2;
	v2 =	vshra.s32 v4, $0xE  }
0x7c: {  	[tilespmem:$0x100] =	vst v2;
	v2 =	vand.u32 $0x3FFF, v61  }
0x7d: {  	v63 =	vld [tilespmem:$0x60];
	[tilespmem:$0xA0] =	vst v2;
	v2 =	vshra.s32 v61, $0xE  }
0x7e: {  	[tilespmem:$0x110] =	vst v2;
	v2 =	vand.u32 $0x3FFF, v3  }
0x7f: {  	[tilespmem:$0xB0] =	vst v2;
	v2 =	vshra.s32 v3, $0xE  }
0x80: {  	[tilespmem:$0x120] =	vst v2;
	v2 =	vand.u32 $0x3FFF, v62  }
0x81: {  	[tilespmem:$0xC0] =	vst v2;
	v2 =	vshra.s32 v62, $0xE  }
0x82: {  	[tilespmem:$0x130] =	vst v2;
	v2 =	vand.u32 $0x3FFF, v63  }
0x83: {  	[tilespmem:$0xD0] =	vst v2;
	v2 =	vshra.s32 v63, $0xE  }
0x84: {  	[tilespmem:$0x140] =	vst v2  }
0x85: {  	[tilespmem:s20], [sflag:$0x1] =	stream.indirect.gather [hbm4b:s5+s18], $0x90, s19, s18, $0xb8;
	[tilespmem:$0x1F640] =	vst v63  }
0x86: {  	s13 =	simm.s32 $0xA8;
	s24 =	simm.s32 $0x2FB0  }
0x87: {  	[tilespmem:s24], [sflag:$0x1] =	stream.indirect.gather [hbm4b:s5+s18], $0x90, s13, s18, $0xb8;
	[tilespmem:$0x1F640] =	vst v63  }
0x88: {  	s25 =	simm.s32 $0x230  }
0x89: {  	[tilespmem:s25], [sflag:$0x1] =	stream.indirect.gather [hbm4b:s6+s19], $0x10, s23, s19, $0xb8;
	[tilespmem:$0x1F640] =	vst v63  }
.LBB2_4:
0x8a: {  	_ =	swait.ge [sflag:s28], $0x1F80  }
0x8b: {  	[sflag:s28] =	ssyncset.done $0x0  }
0x8c: {  	[sflag:s28] =	ssyncadd.s32 $0xFFFFE080  }
0x8d: {  	_ =	swait.ge [sflag:s28], $0x1F80  }
0x8e: {  	[sflag:s28] =	ssyncset.done $0x0  }
0x8f: {  	[sflag:s28] =	ssyncadd.s32 $0xFFFFE080  }
0x90: {  	_ =	swait.ge [sflag:s28], $0x700  }
0x91: {  	p1 =	seq.s32 s8, $0x0;
	s11 =	smul.u32 $0xE0, s8;
	[sflag:s28] =	ssyncset.done $0x0  }
0x92: {  	s3 =	simm.s32 @!p1 $0x4;
	[sflag:s28] =	ssyncadd.s32 $0xFFFFF900  }
0x93: {  	s12 =	sadd.s32 s11, s9;
	_ =	swait.ge @!p1 [sflag:s3], $0x3F00  }
0x94: {  	s12 =	sshrl.u32 s12, $0x3;
	[sflag:s3] =	ssyncset.done @!p1 $0x0  }
0x95: {  	s25 =	sadd.s32 s1, s12;
	[sflag:s3] =	ssyncadd.s32 @!p1 $0xFFFFC100  }
0x96: {  	[tilespmem:s4], [sflag:$0x5] =	stream.linear.gather [hbm4b:s25+s4], $0x70, $0x38;
	[tilespmem:$0x1F640] =	vst v63  }
0x97: {  	_ =	swait.ge [sflag:s16], $0x70  }
0x98: {  	[sflag:s16] =	ssyncset.done $0x0  }
0x99: {  	[sflag:s16] =	ssyncadd.s32 $0xFFFFFF90  }
0x9a: {  	v2 =	vld [tilespmem:$0x0];
	_ =	sdelay $0x1  }
0x9b: {  	v3 =	vld [tilespmem:$0x10];
	_ =	sdelay $0x1  }
0x9c: {  	v4 =	vld [tilespmem:$0x20]  }
0x9d: {  	v5 =	vand.u32 $0x3FFF, v2  }
0x9e: {  	v2 =	vshra.s32 v2, $0xE;
	[tilespmem:$0x150] =	vst v5;
	v5 =	vld [tilespmem:$0x30]  }
0x9f: {  	[tilespmem:$0x1C0] =	vst v2;
	v2 =	vand.u32 $0x3FFF, v3  }
0xa0: {  	[tilespmem:$0x160] =	vst v2;
	v2 =	vshra.s32 v3, $0xE;
	v3 =	vld [tilespmem:$0x40]  }
0xa1: {  	[tilespmem:$0x1D0] =	vst v2;
	v2 =	vand.u32 $0x3FFF, v4  }
0xa2: {  	[tilespmem:$0x170] =	vst v2;
	v2 =	vshra.s32 v4, $0xE;
	v4 =	vld [tilespmem:$0x50]  }
0xa3: {  	[tilespmem:$0x1E0] =	vst v2;
	v2 =	vand.u32 $0x3FFF, v5  }
0xa4: {  	[tilespmem:$0x180] =	vst v2;
	v2 =	vshra.s32 v5, $0xE;
	v5 =	vld [tilespmem:$0x60]  }
0xa5: {  	[tilespmem:$0x1F0] =	vst v2;
	v2 =	vand.u32 $0x3FFF, v3  }
0xa6: {  	[tilespmem:$0x190] =	vst v2;
	v2 =	vshra.s32 v3, $0xE  }
0xa7: {  	[tilespmem:$0x200] =	vst v2;
	v2 =	vand.u32 $0x3FFF, v4  }
0xa8: {  	[tilespmem:$0x1A0] =	vst v2;
	v2 =	vshra.s32 v4, $0xE  }
0xa9: {  	[tilespmem:$0x210] =	vst v2;
	v2 =	vand.u32 $0x3FFF, v5  }
0xaa: {  	[tilespmem:$0x1B0] =	vst v2;
	v2 =	vshra.s32 v5, $0xE  }
0xab: {  	[tilespmem:$0x220] =	vst v2  }
0xac: {  	[tilespmem:s30], [sflag:$0x2] =	stream.indirect.gather [hbm4b:s5+s18], $0x90, s29, s18, $0xb8;
	[tilespmem:$0x1F640] =	vst v63  }
0xad: {  	_ = 	snop  }
0xae: {  	[tilespmem:s0], [sflag:$0x2] =	stream.indirect.gather [hbm4b:s5+s18], $0x90, s31, s18, $0xb8;
	[tilespmem:$0x1F640] =	vst v63  }
0xaf: {  	s12 =	simm.s32 $0x1150  }
0xb0: {  	[tilespmem:s21], [sflag:$0x2] =	stream.indirect.gather [hbm4b:s6+s19], $0x10, s17, s19, $0xb8;
	[tilespmem:$0x1F640] =	vst v63  }
0xb1: {  	s13 =	simm.s32 $0x250;
	v2 =	vld [tilespmem:s12+$0xFFFFFF60]  }
0xb2: {  	v3 =	vld [tilespmem:s13+$0xFFFFFFE0];
	_ =	sdelay $0x4  }
0xb3: {  	v2 =	vadd.f32 v3, v2;
	_ =	sdelay $0x1  }
0xb4: {  	v3 =	vmul.f32 $2.000000030e-01, v2;
	_ =	sdelay $0x1  }
0xb5: {  	v2 =	vmax.f32 v2, v3  }
0xb6: {  	v2 =	vsub.f32 v2, v1;
	_ =	sdelay $0x1  }
0xb7: {  	v2 =	vmul.f32 $1.442695020e+00, v2;
	_ =	sdelay $0x1  }
0xb8: {  	(erf) = vpow2.f32 v2;
	_ =	sdelay $0x6  }
0xb9: {  	v3 =	vld [tilespmem:s12+$0xFFFFFF50]  }
0xba: {  	v2 =	vld [tilespmem:s12+$0xFFFFFF40]  }
0xbb: {  	v4 =	vld [tilespmem:s12+$0xFFFFFF30];
	v6 =	vpop (erf)  }
0xbc: {  	v5 =	vld [tilespmem:s12+$0xFFFFFEF0];
	v8 =	vbroadcast v6, $0x7  }
0xbd: {  	v7 =	vld [tilespmem:s12+$0xFFFFFF10];
	v9 =	vbroadcast v6, $0x6  }
0xbe: {  	v12 =	vld [tilespmem:s12+$0xFFFFFEE0];
	v11 =	vbroadcast v6, $0x5;
	v3 =	vmul.f32 v3, v8  }
0xbf: {  	v13 =	vld [tilespmem:s12+$0xFFFFFF00];
	[tilespmem:s12+$0xFFFFFF60] =	vst v6;
	v46 =	vbroadcast v6, $0x1;
	v2 =	vmul.f32 v2, v9  }
0xc0: {  	v10 =	vld [tilespmem:s12+$0xFFFFFF20];
	v47 =	vbroadcast v6, $0x3;
	v4 =	vmul.f32 v4, v11;
	[tilespmem:s12+$0xFFFFFF50] =	vst v3  }
0xc1: {  	v3 =	vmul.f32 v46, v5;
	v5 =	vbroadcast v6, $0x0;
	[tilespmem:s12+$0xFFFFFF40] =	vst v2  }
0xc2: {  	v2 =	vmul.f32 v7, v47;
	v7 =	vbroadcast v6, $0x2;
	[tilespmem:s12+$0xFFFFFF30] =	vst v4  }
0xc3: {  	v4 =	vbroadcast v6, $0x4;
	v5 =	vmul.f32 v5, v12;
	[tilespmem:s12+$0xFFFFFEF0] =	vst v3  }
0xc4: {  	v3 =	vmul.f32 v7, v13;
	[tilespmem:s12+$0xFFFFFF10] =	vst v2  }
0xc5: {  	v2 =	vmul.f32 v10, v4;
	[tilespmem:s12+$0xFFFFFEE0] =	vst v5  }
0xc6: {  	[tilespmem:s12+$0xFFFFFF00] =	vst v3  }
0xc7: {  	[tilespmem:s12+$0xFFFFFF20] =	vst v2;
	v2 =	vld [tilespmem:s12+$0xFFFFFFF0]  }
0xc8: {  	v3 =	vld [tilespmem:s13+$0xFFFFFFF0];
	_ =	sdelay $0x4  }
0xc9: {  	v2 =	vadd.f32 v3, v2;
	_ =	sdelay $0x1  }
0xca: {  	v3 =	vmul.f32 $2.000000030e-01, v2;
	_ =	sdelay $0x1  }
0xcb: {  	v2 =	vmax.f32 v2, v3  }
0xcc: {  	v2 =	vsub.f32 v2, v1;
	_ =	sdelay $0x1  }
0xcd: {  	v2 =	vmul.f32 $1.442695020e+00, v2;
	_ =	sdelay $0x1  }
0xce: {  	(erf) = vpow2.f32 v2;
	_ =	sdelay $0x6  }
0xcf: {  	v3 =	vld [tilespmem:s12+$0xFFFFFFA0]  }
0xd0: {  	v4 =	vld [tilespmem:s12+$0xFFFFFFC0]  }
0xd1: {  	v6 =	vld [tilespmem:s12+$0xFFFFFF70];
	v5 =	vpop (erf)  }
0xd2: {  	v7 =	vld [tilespmem:s12+$0xFFFFFF90];
	v48 =	vbroadcast v5, $0x3  }
0xd3: {  	v2 =	vld [tilespmem:s12+$0xFFFFFFE0];
	v50 =	vbroadcast v5, $0x5  }
0xd4: {  	v51 =	vld [tilespmem:s12+$0xFFFFFF80];
	v52 =	vbroadcast v5, $0x0;
	v3 =	vmul.f32 v3, v48  }
0xd5: {  	v54 =	vld [tilespmem:s12+$0xFFFFFFB0];
	[tilespmem:s12+$0xFFFFFFF0] =	vst v5;
	v53 =	vbroadcast v5, $0x2;
	v4 =	vmul.f32 v4, v50  }
0xd6: {  	v49 =	vld [tilespmem:s12+$0xFFFFFFD0];
	v6 =	vmul.f32 v52, v6;
	[tilespmem:s12+$0xFFFFFFA0] =	vst v3;
	v3 =	vbroadcast v5, $0x7  }
0xd7: {  	v55 =	vbroadcast v5, $0x1;
	v7 =	vmul.f32 v53, v7;
	[tilespmem:s12+$0xFFFFFFC0] =	vst v4  }
0xd8: {  	v4 =	vbroadcast v5, $0x4;
	[tilespmem:s12+$0xFFFFFF70] =	vst v6;
	v2 =	vmul.f32 v2, v3  }
0xd9: {  	v5 =	vbroadcast v5, $0x6;
	[tilespmem:s12+$0xFFFFFF90] =	vst v7;
	v3 =	vmul.f32 v55, v51  }
0xda: {  	v4 =	vmul.f32 v54, v4;
	[tilespmem:s12+$0xFFFFFFE0] =	vst v2  }
0xdb: {  	v2 =	vmul.f32 v49, v5;
	[tilespmem:s12+$0xFFFFFF80] =	vst v3  }
0xdc: {  	[tilespmem:s12+$0xFFFFFFB0] =	vst v4  }
0xdd: {  	[tilespmem:s12+$0xFFFFFFD0] =	vst v2;
	v2 =	vld [tilespmem:s12+$0x80]  }
0xde: {  	v3 =	vld [tilespmem:s13+$0x0];
	_ =	sdelay $0x4  }
0xdf: {  	v2 =	vadd.f32 v3, v2;
	_ =	sdelay $0x1  }
0xe0: {  	v3 =	vmul.f32 $2.000000030e-01, v2;
	_ =	sdelay $0x1  }
0xe1: {  	v2 =	vmax.f32 v2, v3  }
0xe2: {  	v2 =	vsub.f32 v2, v1;
	_ =	sdelay $0x1  }
0xe3: {  	v2 =	vmul.f32 $1.442695020e+00, v2;
	_ =	sdelay $0x1  }
0xe4: {  	(erf) = vpow2.f32 v2;
	_ =	sdelay $0x4  }
0xe5: {  	v58 =	vld [tilespmem:s12+$0x60]  }
0xe6: {  	v61 =	vld [tilespmem:s12+$0x40]  }
0xe7: {  	v3 =	vld [tilespmem:s12+$0x0]  }
0xe8: {  	v2 =	vld [tilespmem:s12+$0x30]  }
0xe9: {  	v4 =	vld [tilespmem:s12+$0x20];
	v6 =	vpop (erf)  }
0xea: {  	v7 =	vld [tilespmem:s12+$0x10];
	v56 =	vbroadcast v6, $0x0;
	v57 =	vbroadcast v6, $0x4  }
0xeb: {  	v5 =	vld [tilespmem:s12+$0x70];
	v59 =	vbroadcast v6, $0x2;
	v60 =	vbroadcast v6, $0x3  }
0xec: {  	v62 =	vld [tilespmem:s12+$0x50];
	v14 =	vbroadcast v6, $0x6;
	v3 =	vmul.f32 v56, v3  }
0xed: {  	[tilespmem:s12+$0x80] =	vst v6;
	v63 =	vbroadcast v6, $0x7;
	v2 =	vmul.f32 v2, v60  }
0xee: {  	v11 =	vmul.f32 v59, v4;
	[tilespmem:s12+$0x0] =	vst v3;
	v3 =	vbroadcast v6, $0x1  }
0xef: {  	v10 =	vmul.f32 v58, v14;
	[tilespmem:s12+$0x30] =	vst v2;
	v6 =	vbroadcast v6, $0x5  }
0xf0: {  	v5 =	vmul.f32 v5, v63;
	[tilespmem:s12+$0x20] =	vst v11;
	v4 =	vmul.f32 v3, v7  }
0xf1: {  	s24 =	simm.s32 $0x250;
	s3 =	simm.s32 $0x1150;
	s25 =	simm.s32 $0x0;
	v2 =	vmul.f32 v61, v57;
	[tilespmem:s12+$0x60] =	vst v10;
	v3 =	vmul.f32 v62, v6  }
.LBB2_5:
0xf2: {  	s25 =	sadd.s32 $0x4, s25;
	[tilespmem:s12+$0x10] =	vst v4;
	s3 =	sadd.s32 $0x240, s3;
	s13 =	sadd.s32 $0x40, s13  }
0xf3: {  	p1 =	slt.u32 s25, $0x6C;
	[tilespmem:s12+$0x70] =	vst v5  }
0xf4: {  	[tilespmem:s12+$0x50] =	vst v3  }
0xf5: {  	[tilespmem:s12+$0x40] =	vst v2;
	v2 =	vld [tilespmem:s12+$0x110]  }
0xf6: {  	v3 =	vld [tilespmem:s24+$0x10];
	s24 =	smov.u32 s13;
	_ =	sdelay $0x4  }
0xf7: {  	v2 =	vadd.f32 v3, v2;
	_ =	sdelay $0x1  }
0xf8: {  	v3 =	vmul.f32 $2.000000030e-01, v2;
	_ =	sdelay $0x1  }
0xf9: {  	v2 =	vmax.f32 v2, v3  }
0xfa: {  	v2 =	vsub.f32 v2, v1;
	_ =	sdelay $0x1  }
0xfb: {  	v2 =	vmul.f32 $1.442695020e+00, v2;
	_ =	sdelay $0x1  }
0xfc: {  	(erf) = vpow2.f32 v2;
	_ =	sdelay $0x4  }
0xfd: {  	v2 =	vld [tilespmem:s12+$0x100]  }
0xfe: {  	v3 =	vld [tilespmem:s12+$0xD0]  }
0xff: {  	v4 =	vld [tilespmem:s12+$0xC0]  }
0x100: {  	v5 =	vld [tilespmem:s12+$0xB0]  }
0x101: {  	v6 =	vld [tilespmem:s12+$0xE0];
	v7 =	vpop (erf)  }
0x102: {  	[tilespmem:s12+$0x110] =	vst v7;
	v8 =	vld [tilespmem:s12+$0x90];
	v9 =	vbroadcast v7, $0x0;
	v10 =	vbroadcast v7, $0x1  }
0x103: {  	v12 =	vbroadcast v7, $0x2;
	v13 =	vbroadcast v7, $0x3;
	v11 =	vld [tilespmem:s12+$0xA0]  }
0x104: {  	v14 =	vbroadcast v7, $0x4;
	v15 =	vbroadcast v7, $0x5;
	v16 =	vld [tilespmem:s12+$0xF0]  }
0x105: {  	v4 =	vmul.f32 v4, v13;
	v5 =	vmul.f32 v12, v5  }
0x106: {  	v3 =	vmul.f32 v3, v14;
	v6 =	vmul.f32 v6, v15  }
0x107: {  	[tilespmem:s12+$0xB0] =	vst v5;
	v5 =	vbroadcast v7, $0x6;
	v7 =	vbroadcast v7, $0x7  }
0x108: {  	v8 =	vmul.f32 v9, v8;
	v9 =	vmul.f32 v10, v11;
	[tilespmem:s12+$0xD0] =	vst v3  }
0x109: {  	[tilespmem:s12+$0xE0] =	vst v6;
	v3 =	vmul.f32 v16, v5;
	v2 =	vmul.f32 v2, v7  }
0x10a: {  	[tilespmem:s12+$0xC0] =	vst v4  }
0x10b: {  	[tilespmem:s12+$0xF0] =	vst v3  }
0x10c: {  	[tilespmem:s12+$0x100] =	vst v2  }
0x10d: {  	[tilespmem:s12+$0x90] =	vst v8  }
0x10e: {  	v2 =	vld [tilespmem:s3+$0xFFFFFF60];
	[tilespmem:s12+$0xA0] =	vst v9;
	s12 =	smov.u32 s3  }
0x10f: {  	v3 =	vld [tilespmem:s13+$0xFFFFFFE0];
	_ =	sdelay $0x4  }
0x110: {  	v2 =	vadd.f32 v3, v2;
	_ =	sdelay $0x1  }
0x111: {  	v3 =	vmul.f32 $2.000000030e-01, v2;
	_ =	sdelay $0x1  }
0x112: {  	v2 =	vmax.f32 v2, v3  }
0x113: {  	v2 =	vsub.f32 v2, v1;
	_ =	sdelay $0x1  }
0x114: {  	v2 =	vmul.f32 $1.442695020e+00, v2;
	_ =	sdelay $0x1  }
0x115: {  	(erf) = vpow2.f32 v2;
	_ =	sdelay $0x5  }
0x116: {  	v2 =	vld [tilespmem:s3+$0xFFFFFF40]  }
0x117: {  	v3 =	vld [tilespmem:s3+$0xFFFFFF50]  }
0x118: {  	v4 =	vld [tilespmem:s3+$0xFFFFFF30]  }
0x119: {  	v5 =	vld [tilespmem:s3+$0xFFFFFEF0];
	v6 =	vpop (erf)  }
0x11a: {  	[tilespmem:s3+$0xFFFFFF60] =	vst v6;
	v7 =	vld [tilespmem:s3+$0xFFFFFF10];
	v8 =	vbroadcast v6, $0x6;
	v9 =	vbroadcast v6, $0x7  }
0x11b: {  	v10 =	vbroadcast v6, $0x3;
	v12 =	vbroadcast v6, $0x5;
	v11 =	vld [tilespmem:s3+$0xFFFFFF20]  }
0x11c: {  	v14 =	vbroadcast v6, $0x1;
	v13 =	vld [tilespmem:s3+$0xFFFFFEE0];
	v3 =	vmul.f32 v3, v9  }
0x11d: {  	v2 =	vmul.f32 v2, v8;
	v9 =	vld [tilespmem:s3+$0xFFFFFF00];
	v4 =	vmul.f32 v4, v12  }
0x11e: {  	v8 =	vbroadcast v6, $0x4;
	v5 =	vmul.f32 v14, v5;
	[tilespmem:s3+$0xFFFFFF50] =	vst v3  }
0x11f: {  	v3 =	vbroadcast v6, $0x0;
	v7 =	vmul.f32 v7, v10;
	[tilespmem:s3+$0xFFFFFF40] =	vst v2  }
0x120: {  	v2 =	vbroadcast v6, $0x2;
	v6 =	vmul.f32 v11, v8;
	[tilespmem:s3+$0xFFFFFF30] =	vst v4  }
0x121: {  	v3 =	vmul.f32 v3, v13;
	[tilespmem:s3+$0xFFFFFEF0] =	vst v5  }
0x122: {  	v2 =	vmul.f32 v2, v9;
	[tilespmem:s3+$0xFFFFFF10] =	vst v7  }
0x123: {  	[tilespmem:s3+$0xFFFFFEE0] =	vst v3  }
0x124: {  	[tilespmem:s3+$0xFFFFFF00] =	vst v2  }
0x125: {  	[tilespmem:s3+$0xFFFFFF20] =	vst v6;
	v2 =	vld [tilespmem:s3+$0xFFFFFFF0]  }
0x126: {  	v3 =	vld [tilespmem:s13+$0xFFFFFFF0];
	_ =	sdelay $0x4  }
0x127: {  	v2 =	vadd.f32 v3, v2;
	_ =	sdelay $0x1  }
0x128: {  	v3 =	vmul.f32 $2.000000030e-01, v2;
	_ =	sdelay $0x1  }
0x129: {  	v2 =	vmax.f32 v2, v3  }
0x12a: {  	v2 =	vsub.f32 v2, v1;
	_ =	sdelay $0x1  }
0x12b: {  	v2 =	vmul.f32 $1.442695020e+00, v2;
	_ =	sdelay $0x1  }
0x12c: {  	(erf) = vpow2.f32 v2;
	_ =	sdelay $0x4  }
0x12d: {  	v2 =	vld [tilespmem:s3+$0xFFFFFFE0]  }
0x12e: {  	v3 =	vld [tilespmem:s3+$0xFFFFFFD0]  }
0x12f: {  	v4 =	vld [tilespmem:s3+$0xFFFFFFA0]  }
0x130: {  	v5 =	vld [tilespmem:s3+$0xFFFFFF80]  }
0x131: {  	v6 =	vld [tilespmem:s3+$0xFFFFFFC0];
	v7 =	vpop (erf)  }
0x132: {  	[tilespmem:s3+$0xFFFFFFF0] =	vst v7;
	v8 =	vld [tilespmem:s3+$0xFFFFFF70];
	v9 =	vbroadcast v7, $0x0;
	v10 =	vbroadcast v7, $0x4  }
0x133: {  	v11 =	vbroadcast v7, $0x1;
	v13 =	vbroadcast v7, $0x3;
	v12 =	vld [tilespmem:s3+$0xFFFFFF90]  }
0x134: {  	v14 =	vbroadcast v7, $0x2;
	v16 =	vbroadcast v7, $0x5;
	v15 =	vld [tilespmem:s3+$0xFFFFFFB0]  }
0x135: {  	v4 =	vmul.f32 v4, v13;
	v5 =	vmul.f32 v11, v5  }
0x136: {  	v11 =	vbroadcast v7, $0x6;
	v6 =	vmul.f32 v6, v16  }
0x137: {  	v8 =	vmul.f32 v9, v8;
	[tilespmem:s3+$0xFFFFFFA0] =	vst v4;
	v4 =	vbroadcast v7, $0x7  }
0x138: {  	v3 =	vmul.f32 v3, v11;
	v7 =	vmul.f32 v14, v12;
	[tilespmem:s3+$0xFFFFFFC0] =	vst v6  }
0x139: {  	[tilespmem:s3+$0xFFFFFF70] =	vst v8;
	v6 =	vmul.f32 v15, v10;
	v2 =	vmul.f32 v2, v4  }
0x13a: {  	[tilespmem:s3+$0xFFFFFF90] =	vst v7  }
0x13b: {  	[tilespmem:s3+$0xFFFFFFE0] =	vst v2  }
0x13c: {  	[tilespmem:s3+$0xFFFFFF80] =	vst v5  }
0x13d: {  	[tilespmem:s3+$0xFFFFFFB0] =	vst v6  }
0x13e: {  	[tilespmem:s3+$0xFFFFFFD0] =	vst v3;
	v2 =	vld [tilespmem:s3+$0x80]  }
0x13f: {  	v3 =	vld [tilespmem:s13+$0x0];
	_ =	sdelay $0x4  }
0x140: {  	v2 =	vadd.f32 v3, v2;
	_ =	sdelay $0x1  }
0x141: {  	v3 =	vmul.f32 $2.000000030e-01, v2;
	_ =	sdelay $0x1  }
0x142: {  	v2 =	vmax.f32 v2, v3  }
0x143: {  	v2 =	vsub.f32 v2, v1;
	_ =	sdelay $0x1  }
0x144: {  	v2 =	vmul.f32 $1.442695020e+00, v2;
	_ =	sdelay $0x1  }
0x145: {  	(erf) = vpow2.f32 v2;
	_ =	sdelay $0x4  }
0x146: {  	v5 =	vld [tilespmem:s3+$0x70]  }
0x147: {  	v2 =	vld [tilespmem:s3+$0x30]  }
0x148: {  	v3 =	vld [tilespmem:s3+$0x0]  }
0x149: {  	v4 =	vld [tilespmem:s3+$0x20]  }
0x14a: {  	v6 =	vld [tilespmem:s3+$0x10];
	v7 =	vpop (erf)  }
0x14b: {  	[tilespmem:s3+$0x80] =	vst v7;
	v8 =	vbroadcast v7, $0x0;
	v9 =	vbroadcast v7, $0x4;
	v10 =	vld [tilespmem:s3+$0x60]  }
0x14c: {  	v11 =	vbroadcast v7, $0x2;
	v12 =	vbroadcast v7, $0x3;
	v13 =	vld [tilespmem:s3+$0x40]  }
0x14d: {  	v14 =	vbroadcast v7, $0x6;
	v3 =	vmul.f32 v8, v3;
	v8 =	vld [tilespmem:s3+$0x50]  }
.Ltmp1:
0x14e: {  	v2 =	vmul.f32 v2, v12;
	v11 =	vmul.f32 v11, v4;
	(pc) =	sbr.rel @p1 .LBB2_5-.Ltmp1, $4  }
0x14f: {  	v12 =	vbroadcast v7, $0x7;
	[tilespmem:s3+$0x0] =	vst v3;
	v3 =	vbroadcast v7, $0x1  }
0x150: {  	v7 =	vbroadcast v7, $0x5;
	[tilespmem:s3+$0x30] =	vst v2;
	v10 =	vmul.f32 v10, v14  }
0x151: {  	v4 =	vmul.f32 v3, v6;
	[tilespmem:s3+$0x20] =	vst v11;
	v2 =	vmul.f32 v13, v9  }
0x152: {  	v5 =	vmul.f32 v5, v12;
	v3 =	vmul.f32 v8, v7;
	[tilespmem:s3+$0x60] =	vst v10  }
0x153: {  	[tilespmem:s12+$0x10] =	vst v4  }
0x154: {  	[tilespmem:s12+$0x40] =	vst v2  }
0x155: {  	[tilespmem:s12+$0x70] =	vst v5  }
0x156: {  	v2 =	vld [tilespmem:s12+$0x110];
	[tilespmem:s12+$0x50] =	vst v3  }
0x157: {  	v3 =	vld [tilespmem:s24+$0x10];
	_ =	sdelay $0x4  }
0x158: {  	v2 =	vadd.f32 v3, v2;
	_ =	sdelay $0x1  }
0x159: {  	v3 =	vmul.f32 $2.000000030e-01, v2;
	_ =	sdelay $0x1  }
0x15a: {  	v2 =	vmax.f32 v2, v3  }
0x15b: {  	v2 =	vsub.f32 v2, v1;
	_ =	sdelay $0x1  }
0x15c: {  	v2 =	vmul.f32 $1.442695020e+00, v2;
	_ =	sdelay $0x1  }
0x15d: {  	(erf) = vpow2.f32 v2;
	_ =	sdelay $0x6  }
0x15e: {  	v3 =	vld [tilespmem:s12+$0xB0]  }
0x15f: {  	v4 =	vld [tilespmem:s12+$0xD0]  }
0x160: {  	v5 =	vld [tilespmem:s12+$0xE0];
	v6 =	vpop (erf)  }
0x161: {  	v7 =	vld [tilespmem:s12+$0xC0];
	v8 =	vbroadcast v6, $0x2  }
0x162: {  	v2 =	vld [tilespmem:s12+$0x100];
	v9 =	vbroadcast v6, $0x4  }
0x163: {  	v10 =	vld [tilespmem:s12+$0xF0];
	v12 =	vbroadcast v6, $0x5;
	v3 =	vmul.f32 v8, v3  }
0x164: {  	v11 =	vld [tilespmem:s12+$0x90];
	[tilespmem:s12+$0x110] =	vst v6;
	v13 =	vbroadcast v6, $0x3;
	v4 =	vmul.f32 v4, v9  }
0x165: {  	v38 =	vld [tilespmem:s12+$0xA0];
	v39 =	vbroadcast v6, $0x7;
	v5 =	vmul.f32 v5, v12;
	[tilespmem:s12+$0xB0] =	vst v3  }
0x166: {  	v7 =	vmul.f32 v7, v13;
	v3 =	vbroadcast v6, $0x6;
	[tilespmem:s12+$0xD0] =	vst v4  }
0x167: {  	v2 =	vmul.f32 v2, v39;
	v4 =	vbroadcast v6, $0x0;
	[tilespmem:s12+$0xE0] =	vst v5  }
0x168: {  	v5 =	vbroadcast v6, $0x1;
	[tilespmem:s12+$0xC0] =	vst v7;
	v3 =	vmul.f32 v10, v3  }
0x169: {  	[tilespmem:s12+$0x100] =	vst v2;
	v4 =	vmul.f32 v4, v11  }
0x16a: {  	[tilespmem:s12+$0xF0] =	vst v3;
	v3 =	vmul.f32 v5, v38  }
0x16b: {  	[tilespmem:s12+$0x90] =	vst v4  }
0x16c: {  	[tilespmem:s12+$0xA0] =	vst v3  }
0x16d: {  	[spmem:s2] =	stream.indirect.scatter.add.f32 [tilespmem:s20], [sflag:$0x3], $0x90, s23, s19, $0xb8;
	[tilespmem:$0x1F640] =	vst v63  }
0x16e: {  	_ =	swait.ge [sflag:s22], $0x1F80  }
0x16f: {  	[sflag:s22] =	ssyncset.done $0x0  }
0x170: {  	[sflag:s22] =	ssyncadd.s32 $0xFFFFE080  }
0x171: {  	_ =	swait.ge [sflag:s22], $0x1F80  }
0x172: {  	[sflag:s22] =	ssyncset.done $0x0  }
0x173: {  	[sflag:s22] =	ssyncadd.s32 $0xFFFFE080  }
0x174: {  	_ =	swait.ge [sflag:s22], $0x700  }
0x175: {  	[sflag:s22] =	ssyncset.done $0x0  }
0x176: {  	p1 =	seq.s32 s8, $0x2C;
	[sflag:s22] =	ssyncadd.s32 $0xFFFFF900  }
0x177: {  	s3 =	sadd.s32 @!p1 s11, s10;
	_ =	swait.ge [sflag:s26], $0x3F00  }
0x178: {  	s3 =	sshrl.u32 @!p1 s3, $0x3;
	[sflag:s26] =	ssyncset.done $0x0  }
0x179: {  	s11 =	simm.s32 @!p1 $0x0;
	s3 =	sadd.s32 @!p1 s1, s3;
	[sflag:s26] =	ssyncadd.s32 $0xFFFFC100  }
0x17a: {  	[tilespmem:s11], [sflag:$0x5] =	stream.linear.gather @!p1 [hbm4b:s3+s11], $0x70, $0x38;
	[tilespmem:$0x1F640] =	vst v63  }
0x17b: {  	s3 =	simm.s32 @!p1 $0x5  }
0x17c: {  	_ =	swait.ge @!p1 [sflag:s3], $0x70  }
0x17d: {  	[sflag:s3] =	ssyncset.done @!p1 $0x0  }
0x17e: {  	[sflag:s3] =	ssyncadd.s32 @!p1 $0xFFFFFF90  }
0x17f: {  	v2 =	vld @!p1 [tilespmem:$0x0];
	_ =	sdelay $0x1  }
0x180: {  	v3 =	vld @!p1 [tilespmem:$0x10];
	_ =	sdelay $0x1  }
0x181: {  	v4 =	vld @!p1 [tilespmem:$0x20]  }
0x182: {  	v5 =	vand.u32 @!p1 $0x3FFF, v2  }
0x183: {  	v2 =	vshra.s32 @!p1 v2, $0xE;
	[tilespmem:$0x70] =	vst @!p1 v5;
	v5 =	vld @!p1 [tilespmem:$0x30]  }
0x184: {  	[tilespmem:$0xE0] =	vst @!p1 v2;
	v2 =	vand.u32 @!p1 $0x3FFF, v3  }
0x185: {  	[tilespmem:$0x80] =	vst @!p1 v2;
	v2 =	vshra.s32 @!p1 v3, $0xE;
	v3 =	vld @!p1 [tilespmem:$0x40]  }
0x186: {  	[tilespmem:$0xF0] =	vst @!p1 v2;
	v2 =	vand.u32 @!p1 $0x3FFF, v4  }
0x187: {  	[tilespmem:$0x90] =	vst @!p1 v2;
	v2 =	vshra.s32 @!p1 v4, $0xE;
	v4 =	vld @!p1 [tilespmem:$0x50]  }
0x188: {  	[tilespmem:$0x100] =	vst @!p1 v2;
	v2 =	vand.u32 @!p1 $0x3FFF, v5  }
0x189: {  	[tilespmem:$0xA0] =	vst @!p1 v2;
	v2 =	vshra.s32 @!p1 v5, $0xE;
	v5 =	vld @!p1 [tilespmem:$0x60]  }
0x18a: {  	[tilespmem:$0x110] =	vst @!p1 v2;
	v2 =	vand.u32 @!p1 $0x3FFF, v3  }
0x18b: {  	[tilespmem:$0xB0] =	vst @!p1 v2;
	v2 =	vshra.s32 @!p1 v3, $0xE  }
0x18c: {  	[tilespmem:$0x120] =	vst @!p1 v2;
	v2 =	vand.u32 @!p1 $0x3FFF, v4  }
0x18d: {  	[tilespmem:$0xC0] =	vst @!p1 v2;
	v2 =	vshra.s32 @!p1 v4, $0xE  }
0x18e: {  	[tilespmem:$0x130] =	vst @!p1 v2;
	v2 =	vand.u32 @!p1 $0x3FFF, v5  }
0x18f: {  	[tilespmem:$0xD0] =	vst @!p1 v2;
	v2 =	vshra.s32 @!p1 v5, $0xE  }
0x190: {  	s12 =	simm.s32 @!p1 $0x1030;
	s11 =	simm.s32 @!p1 $0x70;
	s3 =	simm.s32 @!p1 $0x38;
	[tilespmem:$0x140] =	vst @!p1 v2  }
0x191: {  	[tilespmem:s12], [sflag:$0x1] =	stream.indirect.gather @!p1 [hbm4b:s5+s3], $0x90, s11, s3, $0xb8;
	[tilespmem:$0x1F640] =	vst v63  }
0x192: {  	s13 =	simm.s32 @!p1 $0x2FB0;
	s12 =	simm.s32 @!p1 $0xA8  }
0x193: {  	[tilespmem:s13], [sflag:$0x1] =	stream.indirect.gather @!p1 [hbm4b:s5+s3], $0x90, s12, s3, $0xb8;
	[tilespmem:$0x1F640] =	vst v63  }
0x194: {  	s3 =	simm.s32 @!p1 $0xE0;
	s12 =	simm.s32 @!p1 $0x230  }
0x195: {  	[tilespmem:s12], [sflag:$0x1] =	stream.indirect.gather @!p1 [hbm4b:s6+s11], $0x10, s3, s11, $0xb8;
	[tilespmem:$0x1F640] =	vst v63  }
0x196: {  	s11 =	simm.s32 $0x5050  }
0x197: {  	s12 =	simm.s32 $0x950;
	v2 =	vld [tilespmem:s11+$0xFFFFFF60]  }
0x198: {  	v3 =	vld [tilespmem:s12+$0xFFFFFFE0];
	_ =	sdelay $0x4  }
0x199: {  	v2 =	vadd.f32 v3, v2;
	_ =	sdelay $0x1  }
0x19a: {  	v3 =	vmul.f32 $2.000000030e-01, v2;
	_ =	sdelay $0x1  }
0x19b: {  	v2 =	vmax.f32 v2, v3  }
0x19c: {  	v2 =	vsub.f32 v2, v1;
	_ =	sdelay $0x1  }
0x19d: {  	v2 =	vmul.f32 $1.442695020e+00, v2;
	_ =	sdelay $0x1  }
0x19e: {  	(erf) = vpow2.f32 v2;
	_ =	sdelay $0x6  }
0x19f: {  	v3 =	vld [tilespmem:s11+$0xFFFFFF50]  }
0x1a0: {  	v2 =	vld [tilespmem:s11+$0xFFFFFF40]  }
0x1a1: {  	v4 =	vld [tilespmem:s11+$0xFFFFFF30];
	v6 =	vpop (erf)  }
0x1a2: {  	v5 =	vld [tilespmem:s11+$0xFFFFFEF0];
	v40 =	vbroadcast v6, $0x7  }
0x1a3: {  	v7 =	vld [tilespmem:s11+$0xFFFFFF10];
	v41 =	vbroadcast v6, $0x6  }
0x1a4: {  	v44 =	vld [tilespmem:s11+$0xFFFFFEE0];
	v43 =	vbroadcast v6, $0x5;
	v3 =	vmul.f32 v3, v40  }
0x1a5: {  	v46 =	vld [tilespmem:s11+$0xFFFFFF00];
	[tilespmem:s11+$0xFFFFFF60] =	vst v6;
	v45 =	vbroadcast v6, $0x1;
	v2 =	vmul.f32 v2, v41  }
0x1a6: {  	v42 =	vld [tilespmem:s11+$0xFFFFFF20];
	v47 =	vbroadcast v6, $0x3;
	v4 =	vmul.f32 v4, v43;
	[tilespmem:s11+$0xFFFFFF50] =	vst v3  }
0x1a7: {  	v3 =	vmul.f32 v45, v5;
	v5 =	vbroadcast v6, $0x0;
	[tilespmem:s11+$0xFFFFFF40] =	vst v2  }
0x1a8: {  	v2 =	vmul.f32 v7, v47;
	v7 =	vbroadcast v6, $0x2;
	[tilespmem:s11+$0xFFFFFF30] =	vst v4  }
0x1a9: {  	v4 =	vbroadcast v6, $0x4;
	v5 =	vmul.f32 v5, v44;
	[tilespmem:s11+$0xFFFFFEF0] =	vst v3  }
0x1aa: {  	v3 =	vmul.f32 v7, v46;
	[tilespmem:s11+$0xFFFFFF10] =	vst v2  }
0x1ab: {  	v2 =	vmul.f32 v42, v4;
	[tilespmem:s11+$0xFFFFFEE0] =	vst v5  }
0x1ac: {  	[tilespmem:s11+$0xFFFFFF00] =	vst v3  }
0x1ad: {  	[tilespmem:s11+$0xFFFFFF20] =	vst v2;
	v2 =	vld [tilespmem:s11+$0xFFFFFFF0]  }
0x1ae: {  	v3 =	vld [tilespmem:s12+$0xFFFFFFF0];
	_ =	sdelay $0x4  }
0x1af: {  	v2 =	vadd.f32 v3, v2;
	_ =	sdelay $0x1  }
0x1b0: {  	v3 =	vmul.f32 $2.000000030e-01, v2;
	_ =	sdelay $0x1  }
0x1b1: {  	v2 =	vmax.f32 v2, v3  }
0x1b2: {  	v2 =	vsub.f32 v2, v1;
	_ =	sdelay $0x1  }
0x1b3: {  	v2 =	vmul.f32 $1.442695020e+00, v2;
	_ =	sdelay $0x1  }
0x1b4: {  	(erf) = vpow2.f32 v2;
	_ =	sdelay $0x6  }
0x1b5: {  	v3 =	vld [tilespmem:s11+$0xFFFFFFA0]  }
0x1b6: {  	v4 =	vld [tilespmem:s11+$0xFFFFFFC0]  }
0x1b7: {  	v6 =	vld [tilespmem:s11+$0xFFFFFF70];
	v5 =	vpop (erf)  }
0x1b8: {  	v7 =	vld [tilespmem:s11+$0xFFFFFF90];
	v48 =	vbroadcast v5, $0x3  }
0x1b9: {  	v2 =	vld [tilespmem:s11+$0xFFFFFFE0];
	v50 =	vbroadcast v5, $0x5  }
0x1ba: {  	v51 =	vld [tilespmem:s11+$0xFFFFFF80];
	v52 =	vbroadcast v5, $0x0;
	v3 =	vmul.f32 v3, v48  }
0x1bb: {  	v54 =	vld [tilespmem:s11+$0xFFFFFFB0];
	[tilespmem:s11+$0xFFFFFFF0] =	vst v5;
	v53 =	vbroadcast v5, $0x2;
	v4 =	vmul.f32 v4, v50  }
0x1bc: {  	v49 =	vld [tilespmem:s11+$0xFFFFFFD0];
	v6 =	vmul.f32 v52, v6;
	[tilespmem:s11+$0xFFFFFFA0] =	vst v3;
	v3 =	vbroadcast v5, $0x7  }
0x1bd: {  	v55 =	vbroadcast v5, $0x1;
	v7 =	vmul.f32 v53, v7;
	[tilespmem:s11+$0xFFFFFFC0] =	vst v4  }
0x1be: {  	v4 =	vbroadcast v5, $0x4;
	[tilespmem:s11+$0xFFFFFF70] =	vst v6;
	v2 =	vmul.f32 v2, v3  }
0x1bf: {  	v5 =	vbroadcast v5, $0x6;
	[tilespmem:s11+$0xFFFFFF90] =	vst v7;
	v3 =	vmul.f32 v55, v51  }
0x1c0: {  	v4 =	vmul.f32 v54, v4;
	[tilespmem:s11+$0xFFFFFFE0] =	vst v2  }
0x1c1: {  	v2 =	vmul.f32 v49, v5;
	[tilespmem:s11+$0xFFFFFF80] =	vst v3  }
0x1c2: {  	[tilespmem:s11+$0xFFFFFFB0] =	vst v4  }
0x1c3: {  	[tilespmem:s11+$0xFFFFFFD0] =	vst v2;
	v2 =	vld [tilespmem:s11+$0x80]  }
0x1c4: {  	v3 =	vld [tilespmem:s12+$0x0];
	_ =	sdelay $0x4  }
0x1c5: {  	v2 =	vadd.f32 v3, v2;
	_ =	sdelay $0x1  }
0x1c6: {  	v3 =	vmul.f32 $2.000000030e-01, v2;
	_ =	sdelay $0x1  }
0x1c7: {  	v2 =	vmax.f32 v2, v3  }
0x1c8: {  	v2 =	vsub.f32 v2, v1;
	_ =	sdelay $0x1  }
0x1c9: {  	v2 =	vmul.f32 $1.442695020e+00, v2;
	_ =	sdelay $0x1  }
0x1ca: {  	(erf) = vpow2.f32 v2;
	_ =	sdelay $0x4  }
0x1cb: {  	v58 =	vld [tilespmem:s11+$0x60]  }
0x1cc: {  	v61 =	vld [tilespmem:s11+$0x40]  }
0x1cd: {  	v3 =	vld [tilespmem:s11+$0x0]  }
0x1ce: {  	v2 =	vld [tilespmem:s11+$0x30]  }
0x1cf: {  	v4 =	vld [tilespmem:s11+$0x20];
	v6 =	vpop (erf)  }
0x1d0: {  	v7 =	vld [tilespmem:s11+$0x10];
	v56 =	vbroadcast v6, $0x0;
	v57 =	vbroadcast v6, $0x4  }
0x1d1: {  	v5 =	vld [tilespmem:s11+$0x70];
	v59 =	vbroadcast v6, $0x2;
	v60 =	vbroadcast v6, $0x3  }
0x1d2: {  	v62 =	vld [tilespmem:s11+$0x50];
	v14 =	vbroadcast v6, $0x6;
	v3 =	vmul.f32 v56, v3  }
0x1d3: {  	[tilespmem:s11+$0x80] =	vst v6;
	v63 =	vbroadcast v6, $0x7;
	v2 =	vmul.f32 v2, v60  }
0x1d4: {  	v11 =	vmul.f32 v59, v4;
	[tilespmem:s11+$0x0] =	vst v3;
	v3 =	vbroadcast v6, $0x1  }
0x1d5: {  	v10 =	vmul.f32 v58, v14;
	[tilespmem:s11+$0x30] =	vst v2;
	v6 =	vbroadcast v6, $0x5  }
0x1d6: {  	v5 =	vmul.f32 v5, v63;
	[tilespmem:s11+$0x20] =	vst v11;
	v4 =	vmul.f32 v3, v7  }
0x1d7: {  	s24 =	simm.s32 $0x0;
	s13 =	simm.s32 $0x950;
	s3 =	simm.s32 $0x5050;
	v2 =	vmul.f32 v61, v57;
	[tilespmem:s11+$0x60] =	vst v10;
	v3 =	vmul.f32 v62, v6  }
.LBB2_7:
0x1d8: {  	s24 =	sadd.s32 $0x4, s24;
	[tilespmem:s11+$0x10] =	vst v4;
	s3 =	sadd.s32 $0x240, s3;
	s12 =	sadd.s32 $0x40, s12  }
0x1d9: {  	p1 =	slt.u32 s24, $0x6C;
	[tilespmem:s11+$0x70] =	vst v5  }
0x1da: {  	[tilespmem:s11+$0x50] =	vst v3  }
0x1db: {  	[tilespmem:s11+$0x40] =	vst v2;
	v2 =	vld [tilespmem:s11+$0x110]  }
0x1dc: {  	v3 =	vld [tilespmem:s13+$0x10];
	s13 =	smov.u32 s12;
	_ =	sdelay $0x4  }
0x1dd: {  	v2 =	vadd.f32 v3, v2;
	_ =	sdelay $0x1  }
0x1de: {  	v3 =	vmul.f32 $2.000000030e-01, v2;
	_ =	sdelay $0x1  }
0x1df: {  	v2 =	vmax.f32 v2, v3  }
0x1e0: {  	v2 =	vsub.f32 v2, v1;
	_ =	sdelay $0x1  }
0x1e1: {  	v2 =	vmul.f32 $1.442695020e+00, v2;
	_ =	sdelay $0x1  }
0x1e2: {  	(erf) = vpow2.f32 v2;
	_ =	sdelay $0x4  }
0x1e3: {  	v2 =	vld [tilespmem:s11+$0x100]  }
0x1e4: {  	v3 =	vld [tilespmem:s11+$0xD0]  }
0x1e5: {  	v4 =	vld [tilespmem:s11+$0xC0]  }
0x1e6: {  	v5 =	vld [tilespmem:s11+$0xB0]  }
0x1e7: {  	v6 =	vld [tilespmem:s11+$0xE0];
	v7 =	vpop (erf)  }
0x1e8: {  	[tilespmem:s11+$0x110] =	vst v7;
	v8 =	vld [tilespmem:s11+$0x90];
	v9 =	vbroadcast v7, $0x0;
	v10 =	vbroadcast v7, $0x1  }
0x1e9: {  	v12 =	vbroadcast v7, $0x2;
	v13 =	vbroadcast v7, $0x3;
	v11 =	vld [tilespmem:s11+$0xA0]  }
0x1ea: {  	v14 =	vbroadcast v7, $0x4;
	v15 =	vbroadcast v7, $0x5;
	v16 =	vld [tilespmem:s11+$0xF0]  }
0x1eb: {  	v4 =	vmul.f32 v4, v13;
	v5 =	vmul.f32 v12, v5  }
0x1ec: {  	v3 =	vmul.f32 v3, v14;
	v6 =	vmul.f32 v6, v15  }
0x1ed: {  	[tilespmem:s11+$0xB0] =	vst v5;
	v5 =	vbroadcast v7, $0x6;
	v7 =	vbroadcast v7, $0x7  }
0x1ee: {  	v8 =	vmul.f32 v9, v8;
	v9 =	vmul.f32 v10, v11;
	[tilespmem:s11+$0xD0] =	vst v3  }
0x1ef: {  	[tilespmem:s11+$0xE0] =	vst v6;
	v3 =	vmul.f32 v16, v5;
	v2 =	vmul.f32 v2, v7  }
0x1f0: {  	[tilespmem:s11+$0xC0] =	vst v4  }
0x1f1: {  	[tilespmem:s11+$0xF0] =	vst v3  }
0x1f2: {  	[tilespmem:s11+$0x100] =	vst v2  }
0x1f3: {  	[tilespmem:s11+$0x90] =	vst v8  }
0x1f4: {  	v2 =	vld [tilespmem:s3+$0xFFFFFF60];
	[tilespmem:s11+$0xA0] =	vst v9;
	s11 =	smov.u32 s3  }
0x1f5: {  	v3 =	vld [tilespmem:s12+$0xFFFFFFE0];
	_ =	sdelay $0x4  }
0x1f6: {  	v2 =	vadd.f32 v3, v2;
	_ =	sdelay $0x1  }
0x1f7: {  	v3 =	vmul.f32 $2.000000030e-01, v2;
	_ =	sdelay $0x1  }
0x1f8: {  	v2 =	vmax.f32 v2, v3  }
0x1f9: {  	v2 =	vsub.f32 v2, v1;
	_ =	sdelay $0x1  }
0x1fa: {  	v2 =	vmul.f32 $1.442695020e+00, v2;
	_ =	sdelay $0x1  }
0x1fb: {  	(erf) = vpow2.f32 v2;
	_ =	sdelay $0x5  }
0x1fc: {  	v2 =	vld [tilespmem:s3+$0xFFFFFF40]  }
0x1fd: {  	v3 =	vld [tilespmem:s3+$0xFFFFFF50]  }
0x1fe: {  	v4 =	vld [tilespmem:s3+$0xFFFFFF30]  }
0x1ff: {  	v5 =	vld [tilespmem:s3+$0xFFFFFEF0];
	v6 =	vpop (erf)  }
0x200: {  	[tilespmem:s3+$0xFFFFFF60] =	vst v6;
	v7 =	vld [tilespmem:s3+$0xFFFFFF10];
	v8 =	vbroadcast v6, $0x6;
	v9 =	vbroadcast v6, $0x7  }
0x201: {  	v10 =	vbroadcast v6, $0x3;
	v12 =	vbroadcast v6, $0x5;
	v11 =	vld [tilespmem:s3+$0xFFFFFF20]  }
0x202: {  	v14 =	vbroadcast v6, $0x1;
	v13 =	vld [tilespmem:s3+$0xFFFFFEE0];
	v3 =	vmul.f32 v3, v9  }
0x203: {  	v2 =	vmul.f32 v2, v8;
	v9 =	vld [tilespmem:s3+$0xFFFFFF00];
	v4 =	vmul.f32 v4, v12  }
0x204: {  	v8 =	vbroadcast v6, $0x4;
	v5 =	vmul.f32 v14, v5;
	[tilespmem:s3+$0xFFFFFF50] =	vst v3  }
0x205: {  	v3 =	vbroadcast v6, $0x0;
	v7 =	vmul.f32 v7, v10;
	[tilespmem:s3+$0xFFFFFF40] =	vst v2  }
0x206: {  	v2 =	vbroadcast v6, $0x2;
	v6 =	vmul.f32 v11, v8;
	[tilespmem:s3+$0xFFFFFF30] =	vst v4  }
0x207: {  	v3 =	vmul.f32 v3, v13;
	[tilespmem:s3+$0xFFFFFEF0] =	vst v5  }
0x208: {  	v2 =	vmul.f32 v2, v9;
	[tilespmem:s3+$0xFFFFFF10] =	vst v7  }
0x209: {  	[tilespmem:s3+$0xFFFFFEE0] =	vst v3  }
0x20a: {  	[tilespmem:s3+$0xFFFFFF00] =	vst v2  }
0x20b: {  	[tilespmem:s3+$0xFFFFFF20] =	vst v6;
	v2 =	vld [tilespmem:s3+$0xFFFFFFF0]  }
0x20c: {  	v3 =	vld [tilespmem:s12+$0xFFFFFFF0];
	_ =	sdelay $0x4  }
0x20d: {  	v2 =	vadd.f32 v3, v2;
	_ =	sdelay $0x1  }
0x20e: {  	v3 =	vmul.f32 $2.000000030e-01, v2;
	_ =	sdelay $0x1  }
0x20f: {  	v2 =	vmax.f32 v2, v3  }
0x210: {  	v2 =	vsub.f32 v2, v1;
	_ =	sdelay $0x1  }
0x211: {  	v2 =	vmul.f32 $1.442695020e+00, v2;
	_ =	sdelay $0x1  }
0x212: {  	(erf) = vpow2.f32 v2;
	_ =	sdelay $0x4  }
0x213: {  	v2 =	vld [tilespmem:s3+$0xFFFFFFE0]  }
0x214: {  	v3 =	vld [tilespmem:s3+$0xFFFFFFD0]  }
0x215: {  	v4 =	vld [tilespmem:s3+$0xFFFFFFA0]  }
0x216: {  	v5 =	vld [tilespmem:s3+$0xFFFFFF80]  }
0x217: {  	v6 =	vld [tilespmem:s3+$0xFFFFFFC0];
	v7 =	vpop (erf)  }
0x218: {  	[tilespmem:s3+$0xFFFFFFF0] =	vst v7;
	v8 =	vld [tilespmem:s3+$0xFFFFFF70];
	v9 =	vbroadcast v7, $0x0;
	v10 =	vbroadcast v7, $0x4  }
0x219: {  	v11 =	vbroadcast v7, $0x1;
	v13 =	vbroadcast v7, $0x3;
	v12 =	vld [tilespmem:s3+$0xFFFFFF90]  }
0x21a: {  	v14 =	vbroadcast v7, $0x2;
	v16 =	vbroadcast v7, $0x5;
	v15 =	vld [tilespmem:s3+$0xFFFFFFB0]  }
0x21b: {  	v4 =	vmul.f32 v4, v13;
	v5 =	vmul.f32 v11, v5  }
0x21c: {  	v11 =	vbroadcast v7, $0x6;
	v6 =	vmul.f32 v6, v16  }
0x21d: {  	v8 =	vmul.f32 v9, v8;
	[tilespmem:s3+$0xFFFFFFA0] =	vst v4;
	v4 =	vbroadcast v7, $0x7  }
0x21e: {  	v3 =	vmul.f32 v3, v11;
	v7 =	vmul.f32 v14, v12;
	[tilespmem:s3+$0xFFFFFFC0] =	vst v6  }
0x21f: {  	[tilespmem:s3+$0xFFFFFF70] =	vst v8;
	v6 =	vmul.f32 v15, v10;
	v2 =	vmul.f32 v2, v4  }
0x220: {  	[tilespmem:s3+$0xFFFFFF90] =	vst v7  }
0x221: {  	[tilespmem:s3+$0xFFFFFFE0] =	vst v2  }
0x222: {  	[tilespmem:s3+$0xFFFFFF80] =	vst v5  }
0x223: {  	[tilespmem:s3+$0xFFFFFFB0] =	vst v6  }
0x224: {  	[tilespmem:s3+$0xFFFFFFD0] =	vst v3;
	v2 =	vld [tilespmem:s3+$0x80]  }
0x225: {  	v3 =	vld [tilespmem:s12+$0x0];
	_ =	sdelay $0x4  }
0x226: {  	v2 =	vadd.f32 v3, v2;
	_ =	sdelay $0x1  }
0x227: {  	v3 =	vmul.f32 $2.000000030e-01, v2;
	_ =	sdelay $0x1  }
0x228: {  	v2 =	vmax.f32 v2, v3  }
0x229: {  	v2 =	vsub.f32 v2, v1;
	_ =	sdelay $0x1  }
0x22a: {  	v2 =	vmul.f32 $1.442695020e+00, v2;
	_ =	sdelay $0x1  }
0x22b: {  	(erf) = vpow2.f32 v2;
	_ =	sdelay $0x4  }
0x22c: {  	v5 =	vld [tilespmem:s3+$0x70]  }
0x22d: {  	v2 =	vld [tilespmem:s3+$0x30]  }
0x22e: {  	v3 =	vld [tilespmem:s3+$0x0]  }
0x22f: {  	v4 =	vld [tilespmem:s3+$0x20]  }
0x230: {  	v6 =	vld [tilespmem:s3+$0x10];
	v7 =	vpop (erf)  }
0x231: {  	[tilespmem:s3+$0x80] =	vst v7;
	v8 =	vbroadcast v7, $0x0;
	v9 =	vbroadcast v7, $0x4;
	v10 =	vld [tilespmem:s3+$0x60]  }
0x232: {  	v11 =	vbroadcast v7, $0x2;
	v12 =	vbroadcast v7, $0x3;
	v13 =	vld [tilespmem:s3+$0x40]  }
0x233: {  	v14 =	vbroadcast v7, $0x6;
	v3 =	vmul.f32 v8, v3;
	v8 =	vld [tilespmem:s3+$0x50]  }
.Ltmp2:
0x234: {  	v2 =	vmul.f32 v2, v12;
	v11 =	vmul.f32 v11, v4;
	(pc) =	sbr.rel @p1 .LBB2_7-.Ltmp2, $4  }
0x235: {  	v12 =	vbroadcast v7, $0x7;
	[tilespmem:s3+$0x0] =	vst v3;
	v3 =	vbroadcast v7, $0x1  }
0x236: {  	v7 =	vbroadcast v7, $0x5;
	[tilespmem:s3+$0x30] =	vst v2;
	v10 =	vmul.f32 v10, v14  }
0x237: {  	v4 =	vmul.f32 v3, v6;
	[tilespmem:s3+$0x20] =	vst v11;
	v2 =	vmul.f32 v13, v9  }
0x238: {  	v5 =	vmul.f32 v5, v12;
	v3 =	vmul.f32 v8, v7;
	[tilespmem:s3+$0x60] =	vst v10  }
0x239: {  	[tilespmem:s11+$0x10] =	vst v4  }
0x23a: {  	[tilespmem:s11+$0x40] =	vst v2  }
0x23b: {  	[tilespmem:s11+$0x70] =	vst v5  }
0x23c: {  	v2 =	vld [tilespmem:s11+$0x110];
	[tilespmem:s11+$0x50] =	vst v3  }
0x23d: {  	v3 =	vld [tilespmem:s13+$0x10];
	_ =	sdelay $0x4  }
0x23e: {  	v2 =	vadd.f32 v3, v2;
	_ =	sdelay $0x1  }
0x23f: {  	v3 =	vmul.f32 $2.000000030e-01, v2;
	_ =	sdelay $0x1  }
0x240: {  	v2 =	vmax.f32 v2, v3  }
0x241: {  	v2 =	vsub.f32 v2, v1;
	_ =	sdelay $0x1  }
0x242: {  	v2 =	vmul.f32 $1.442695020e+00, v2;
	_ =	sdelay $0x1  }
0x243: {  	(erf) = vpow2.f32 v2;
	_ =	sdelay $0x6  }
0x244: {  	v3 =	vld [tilespmem:s11+$0xB0]  }
0x245: {  	v58 =	vld [tilespmem:s11+$0xD0]  }
0x246: {  	v59 =	vld [tilespmem:s11+$0xE0];
	v6 =	vpop (erf)  }
0x247: {  	v7 =	vld [tilespmem:s11+$0xC0];
	v8 =	vbroadcast v6, $0x2  }
0x248: {  	v2 =	vld [tilespmem:s11+$0x100];
	v9 =	vbroadcast v6, $0x4  }
0x249: {  	v10 =	vld [tilespmem:s11+$0xF0];
	v12 =	vbroadcast v6, $0x5;
	v3 =	vmul.f32 v8, v3  }
0x24a: {  	v11 =	vld [tilespmem:s11+$0x90];
	[tilespmem:s11+$0x110] =	vst v6;
	v13 =	vbroadcast v6, $0x3;
	v4 =	vmul.f32 v58, v9  }
0x24b: {  	v60 =	vld [tilespmem:s11+$0xA0];
	v61 =	vbroadcast v6, $0x7;
	v5 =	vmul.f32 v59, v12;
	[tilespmem:s11+$0xB0] =	vst v3  }
0x24c: {  	v7 =	vmul.f32 v7, v13;
	v3 =	vbroadcast v6, $0x6;
	[tilespmem:s11+$0xD0] =	vst v4  }
0x24d: {  	s8 =	sadd.s32 $0x1, s8;
	v62 =	vbroadcast v6, $0x0;
	v2 =	vmul.f32 v2, v61;
	[tilespmem:s11+$0xE0] =	vst v5  }
0x24e: {  	p1 =	sne.s32 s8, $0x2D;
	v63 =	vbroadcast v6, $0x1;
	[tilespmem:s11+$0xC0] =	vst v7;
	v3 =	vmul.f32 v10, v3  }
.Ltmp3:
0x24f: {  	v4 =	vmul.f32 v62, v11;
	[tilespmem:s11+$0x100] =	vst v2;
	(pc) =	sbr.rel @p1 .LBB2_4-.Ltmp3, $4  }
0x250: {  	[tilespmem:s11+$0xF0] =	vst v3;
	v3 =	vmul.f32 v63, v60  }
0x251: {  	[tilespmem:s11+$0x90] =	vst v4  }
0x252: {  	[tilespmem:s11+$0xA0] =	vst v3  }
0x253: {  	[spmem:s2] =	stream.indirect.scatter.add.f32 [tilespmem:s30], [sflag:$0x4], $0x90, s17, s19, $0xb8;
	[tilespmem:$0x1F640] =	vst v63  }
0x254: {  	s3 =	simm.s32 $0x4  }
0x255: {  	_ =	swait.ge [sflag:s3], $0x3F00  }
0x256: {  	[sflag:s3] =	ssyncset.done $0x0  }
0x257: {  	[sflag:s3] =	ssyncadd.s32 $0xFFFFC100  }
0x258: {  	[bflag:$0x0] =	sbarrier.arrive $0xFFFF  }
0x259: {  	s8 =	rddreg [dreg:$0x7]  }
0x25a: {  	s3 =	simm.s32 @p0 $0x1FC5;
	s11 =	rddreg [dreg:$0x9]  }
0x25b: {  	[hbm:s8], [sflag:s3] =	dma.local @p0 [spmem:s11], $0x2490  }
0x25c: {  	s3 =	simm.s32 @p0 $0x5  }
0x25d: {  	s8 =	stileid.u32;
	_ =	swait.ge @p0 [sflag:s3], $0x2490  }
0x25e: {  	s8 =	sshll.u32 @!p0 s8, $0x6;
	[sflag:s3] =	ssyncset.done @p0 $0x0;
	s11 =	rddreg [dreg:$0xa]  }
0x25f: {  	[sflag:s3] =	ssyncadd.s32 @p0 $0xFFFFDB70;
	s3 =	sor.u32 @!p0 $0x1C05, s8;
	s8 =	rddreg [dreg:$0x6]  }
0x260: {  	[hbm:s8], [sflag:s3] =	dma.local @!p0 [spmem:s11], $0x2C70  }
0x261: {  	s3 =	simm.s32 @!p0 $0x5  }
0x262: {  	_ =	swait.ge @!p0 [sflag:s3], $0x2C70  }
0x263: {  	s7 =	sadd.s32 $0x1, s7;
	s25 =	rddreg [dreg:$0x8]  }
0x264: {  	p1 =	sne.s32 s7, s25  }
.Ltmp4:
0x265: {  	_ = 	snop;
	(pc) =	sbr.rel @p1 .LBB2_1-.Ltmp4, $3  }
0x266: {  	_ =	sdelay $0x1  }
0x267: {  	[sflag:s3] =	ssyncset.done @!p0 $0x0  }
0x268: {  	[sflag:s3] =	ssyncadd.s32 @!p0 $0xFFFFD390  }
0x269: {  	_ =	sfence.sel $0x180000  }
0x26a: {  	[bflag:$0x0] =	sbarrier.arrive $0xFFFF  }
0x26b: {  	_ =	strace $0x90000047  }
0x26c: {  	s0 =	stileid.u32;
	[bflag:$0x2] =	sbarrier.arrive $0xFFFF  }
0x26d: {  	p0 =	sne.s32 s0, $0x0;
	s0 =	rddreg [dreg:$0x3]  }
0x26e: {  	s0 =	sadd.s32 @!p0 $0x100000, s0  }
0x26f: {  	[sflag:s0] =	ssyncadd.tile.s32 @!p0 $0x1;
	_ =	shalt  }
.Lfunc_end2:
_tile_overlayer_lowered:
.L_overlay_start_2:
0x270: {  	(tag) =	ssettag $0x2  }
0x271: {  	s0 =	rddreg [dreg:$0x0];
	s2 =	stileid.u32  }
0x272: {  	s1 =	rddreg [dreg:$0x1];
	p0 =	sne.s32 s2, $0x0  }
0x273: {  	s3 =	rddreg [dreg:$0x2];
	[bflag:$0x3] =	sbarrier.arrive $0xFFFF;
	s2 =	simm.s32 @!p0 $0x1C05  }
0x274: {  	[timem:s3], [sflag:s2] =	dma.local @!p0 [hbm:s0], s1  }
0x275: {  	s0 =	simm.s32 @!p0 $0x5  }
0x276: {  	_ =	swait.ge @!p0 [sflag:s0], s1  }
0x277: {  	s1 =	ssub.s32 @!p0 $0x0, s1;
	[sflag:s0] =	ssyncset.done @!p0 $0x0  }
0x278: {  	[sflag:s0] =	ssyncadd.s32 @!p0 s1  }
0x279: {  	[bflag:$0x3] =	sbarrier.arrive $0xFFFF  }
0x27a: {  	_ =	shalt  }

</sc_bundles>
